<compile_context>
chip_gen: v7x
topology: tpu7x:2x2x1
jax: 0.10.2.dev20260603
libtpu: 0.0.44.dev20260713+nightly
codegen_flags: <defaults>
</compile_context>

<pallas_src>
import functools

import jax
import jax.numpy as jnp
from jax import lax
from jax.experimental import pallas as pl
from jax.experimental.pallas import tpu as pltpu
from jax.experimental.pallas import tpu_sc as plsc

NC, NS = 2, 16
NW = NC * NS
CHUNK = 128
ROWS_PER_TILE = 626
N_PAD = NS * ROWS_PER_TILE
DEG_W = 16


def _zero_acc_slice(zbuf, acc, sid, d, sem):
    zero = jnp.zeros((16,), jnp.float32)

    def zfill(i, _):
        zbuf[i // (d // 16), pl.ds((i % (d // 16)) * 16, 16)] = zero
        return 0

    lax.fori_loop(0, 16 * (d // 16), zfill, 0)
    base = sid * ROWS_PER_TILE
    nz = ROWS_PER_TILE // 16
    rem = ROWS_PER_TILE - nz * 16
    descs = [pltpu.async_copy(zbuf, acc.at[pl.ds(base + r * 16, 16)], sem)
             for r in range(nz)]
    if rem:
        descs.append(pltpu.async_copy(zbuf.at[pl.ds(0, rem)],
                                      acc.at[pl.ds(base + nz * 16, rem)], sem))
    for dsc in descs:
        dsc.wait()


@functools.lru_cache(maxsize=None)
def _make_agg(d, k, n):
    mesh = plsc.VectorSubcoreMesh(core_axis_name="c", subcore_axis_name="s")

    def body(tbl, srcp, dstp, out, sidx, didx, rows, acc, tbs, semg, sems):
        cid = lax.axis_index("c")
        sid = lax.axis_index("s")
        w = sid * NC + cid
        pltpu.sync_copy(srcp.at[pl.ds(w * k, k)], sidx)
        pltpu.sync_copy(dstp.at[pl.ds(w * k, k)], didx)

        zero = jnp.zeros((16,), jnp.float32)

        def zfill(i, _):
            rows[0, i // (d // 16), pl.ds((i % (d // 16)) * 16, 16)] = zero
            return 0

        lax.fori_loop(0, CHUNK * (d // 16), zfill, 0)
        base = sid * ROWS_PER_TILE
        nfull = ROWS_PER_TILE // CHUNK
        rem = ROWS_PER_TILE - nfull * CHUNK
        zd = [pltpu.async_copy(rows.at[0],
                               acc.at[pl.ds(base + r * CHUNK, CHUNK)], sems)
              for r in range(nfull)]
        if rem:
            zd.append(pltpu.async_copy(
                rows.at[0, pl.ds(0, rem)],
                acc.at[pl.ds(base + nfull * CHUNK, rem)], sems))
        @pl.when(sid == NS - 1)
        def _():
            lr = n - (NS - 1) * ROWS_PER_TILE
            pltpu.async_copy(tbl.at[pl.ds((NS - 1) * ROWS_PER_TILE, lr)],
                             tbs.at[pl.ds((NS - 1) * ROWS_PER_TILE, lr)],
                             semg).wait()

        @pl.when(sid != NS - 1)
        def _():
            pltpu.async_copy(tbl.at[pl.ds(base, ROWS_PER_TILE)],
                             tbs.at[pl.ds(base, ROWS_PER_TILE)], semg).wait()

        for dsc in zd:
            dsc.wait()
        plsc.subcore_barrier()

        pltpu.async_copy(tbs.at[sidx.at[0]], rows.at[0], semg)
        pltpu.async_copy(tbs.at[sidx.at[1]], rows.at[1], semg)

        def step(j, _):
            b = j % 3
            pltpu.make_async_copy(tbs.at[sidx.at[j]], rows.at[b], semg).wait()

            @pl.when(j + 2 < k)
            def _():
                pltpu.async_copy(tbs.at[sidx.at[j + 2]], rows.at[(j + 2) % 3],
                                 semg)

            pltpu.sync_copy(rows.at[b], acc.at[didx.at[j]], add=True)
            return 0

        lax.fori_loop(0, k, step, 0)
        plsc.subcore_barrier()
        pltpu.sync_copy(acc.at[pl.ds(base, ROWS_PER_TILE)],
                        out.at[cid, pl.ds(base, ROWS_PER_TILE)])

    return pl.kernel(
        body,
        out_type=jax.ShapeDtypeStruct((NC, N_PAD, d), jnp.float32),
        mesh=mesh,
        scratch_types=[
            pltpu.VMEM((k, CHUNK), jnp.int32),
            pltpu.VMEM((k, CHUNK), jnp.int32),
            pltpu.VMEM((3, CHUNK, d), jnp.float32),
            pltpu.VMEM_SHARED((N_PAD, d), jnp.float32),
            pltpu.VMEM_SHARED((N_PAD, d), jnp.float32),
            pltpu.SemaphoreType.DMA,
            pltpu.SemaphoreType.DMA,
        ],
        compiler_params=pltpu.CompilerParams(use_tc_tiling_on_sc=False),
    )


@functools.lru_cache(maxsize=None)
def _make_deg(k):
    mesh = plsc.VectorSubcoreMesh(core_axis_name="c", subcore_axis_name="s")

    GB = 8
    assert k % GB == 0

    def body(dstp, out, didx, ones_rows, zbuf, acc, sems):
        cid = lax.axis_index("c")
        sid = lax.axis_index("s")
        w = sid * NC + cid
        pltpu.sync_copy(dstp.at[pl.ds(w * k, k)], didx)
        one = jnp.full((16,), 1.0, jnp.float32)

        def ofill(r, _):
            ones_rows[r, pl.ds(0, 16)] = one
            return 0

        lax.fori_loop(0, CHUNK, ofill, 0)
        _zero_acc_slice(zbuf, acc, sid, DEG_W, sems)
        plsc.subcore_barrier()

        def step(g, _):
            j0 = GB * g
            sc = [pltpu.async_copy(ones_rows, acc.at[didx.at[j0 + i]],
                                   sems, add=True) for i in range(GB)]
            for dsc in sc:
                dsc.wait()
            return 0

        lax.fori_loop(0, k // GB, step, 0)
        plsc.subcore_barrier()
        base = sid * ROWS_PER_TILE
        pltpu.sync_copy(acc.at[pl.ds(base, ROWS_PER_TILE), pl.ds(0, 8)],
                        out.at[cid, pl.ds(base, ROWS_PER_TILE)])

    return pl.kernel(
        body,
        out_type=jax.ShapeDtypeStruct((NC, N_PAD, 8), jnp.float32),
        mesh=mesh,
        scratch_types=[
            pltpu.VMEM((k, CHUNK), jnp.int32),
            pltpu.VMEM((CHUNK, DEG_W), jnp.float32),
            pltpu.VMEM((16, DEG_W), jnp.float32),
            pltpu.VMEM_SHARED((N_PAD, DEG_W), jnp.float32),
            pltpu.SemaphoreType.DMA,
        ],
        compiler_params=pltpu.CompilerParams(use_tc_tiling_on_sc=False),
    )



BR = 2000


def _dis_block(degp):
    p = degp[0, :, :1] + degp[1, :, :1]
    return lax.rsqrt(p + 1.0)


def _tc1_body(degp, x, w1, y1):
    dis = _dis_block(degp)
    y1[...] = dis * jnp.dot(x[...], w1[...], preferred_element_type=jnp.float32)


def _tc2_body(degp, aggp, y1, w2, b1, y2):
    dis = _dis_block(degp)
    h = jnp.maximum(dis * (aggp[0] + aggp[1] + y1[...]) + b1[...], 0.0)
    y2[...] = dis * jnp.dot(h, w2[...], preferred_element_type=jnp.float32)


def _tc3_body(degp, aggp, y2, b2, wfc, bfc, out):
    dis = _dis_block(degp)
    h = jnp.maximum(dis * (aggp[0] + aggp[1] + y2[...]) + b2[...], 0.0)
    logit = jnp.dot(h, wfc[...], preferred_element_type=jnp.float32) + bfc[...]
    m = jnp.max(logit, axis=1, keepdims=True)
    s = jnp.sum(jnp.exp(logit - m), axis=1, keepdims=True)
    out[...] = (logit - m) - jnp.log(s)


def _degp_spec():
    return pl.BlockSpec((NC, BR, 8), lambda i: (0, i, 0))


def _aggp_spec(d):
    return pl.BlockSpec((NC, BR, d), lambda i: (0, i, 0))


def _full(shape):
    nd = len(shape)
    return pl.BlockSpec(shape, lambda i: (0,) * nd)


def kernel(x, edge_index, W1, b1, W2, b2, Wfc, bfc):
    n = x.shape[0]
    e = edge_index.shape[1]
    f_in, d1 = W1.shape
    d2 = W2.shape[1]
    c = Wfc.shape[1]
    assert n % BR == 0

    src = edge_index[0].astype(jnp.int32)
    dst = edge_index[1].astype(jnp.int32)
    k = -(-e // (NW * CHUNK))
    k = -(-k // 8) * 8
    e_pad = NW * k * CHUNK
    srcp = jnp.concatenate([src, jnp.zeros((e_pad - e,), jnp.int32)])
    dstp = jnp.concatenate([dst, jnp.full((e_pad - e,), N_PAD - 1, jnp.int32)])
    srcp = srcp.reshape(NW * k, CHUNK)
    dstp = dstp.reshape(NW * k, CHUNK)

    degp = _make_deg(k)(dstp)

    grid = (n // BR,)
    y1 = pl.pallas_call(
        _tc1_body,
        grid=grid,
        in_specs=[_degp_spec(),
                  pl.BlockSpec((BR, f_in), lambda i: (i, 0)),
                  _full((f_in, d1))],
        out_specs=pl.BlockSpec((BR, d1), lambda i: (i, 0)),
        out_shape=jax.ShapeDtypeStruct((n, d1), jnp.float32),
    )(degp, x, W1)

    aggp1 = _make_agg(d1, k, n)(y1, srcp, dstp)

    y2 = pl.pallas_call(
        _tc2_body,
        grid=grid,
        in_specs=[_degp_spec(), _aggp_spec(d1),
                  pl.BlockSpec((BR, d1), lambda i: (i, 0)),
                  _full((d1, d2)), _full((1, d1))],
        out_specs=pl.BlockSpec((BR, d2), lambda i: (i, 0)),
        out_shape=jax.ShapeDtypeStruct((n, d2), jnp.float32),
    )(degp, aggp1, y1, W2, b1.reshape(1, d1))

    aggp2 = _make_agg(d2, k, n)(y2, srcp, dstp)

    out = pl.pallas_call(
        _tc3_body,
        grid=grid,
        in_specs=[_degp_spec(), _aggp_spec(d2),
                  pl.BlockSpec((BR, d2), lambda i: (i, 0)),
                  _full((1, d2)), _full((d2, c)), _full((1, c))],
        out_specs=pl.BlockSpec((BR, c), lambda i: (i, 0)),
        out_shape=jax.ShapeDtypeStruct((n, c), jnp.float32),
    )(degp, aggp2, y2, b2.reshape(1, d2), Wfc, bfc.reshape(1, c))

    return out

# --- scband reference (transcript-rebuilt; emitter-appended) ---
"""Pipeline reference for scband-gnn-65146063946178 (READ-ONLY COPY).

The authoritative reference and input builder live on the scoring server;
editing this copy changes nothing except your own understanding.
"""

import jax, jax.numpy as jnp
import numpy as np


def gcn_conv(x, src, dst, W, b, n):
    # PyG GCNConv: x' = D^{-1/2} (A + I) D^{-1/2} X W + b
    x = x @ W
    loop = jnp.arange(n, dtype=src.dtype)
    s = jnp.concatenate([src, loop])
    d = jnp.concatenate([dst, loop])
    ew = jnp.ones(s.shape[0], dtype=x.dtype)
    deg = jax.ops.segment_sum(ew, d, num_segments=n)
    dis = jnp.where(deg > 0, jax.lax.rsqrt(jnp.maximum(deg, 1e-12)), 0.0)
    norm = dis[s] * dis[d]
    msg = x[s] * norm[:, None]
    out = jax.ops.segment_sum(msg, d, num_segments=n)
    return out + b


def setup_inputs(seed: int = 0) -> dict:
    key = jax.random.key(seed)
    ks = jax.random.split(key, 8)
    n, e = 10000, 320000
    x = jax.random.normal(ks[0], (n, 189), dtype=jnp.float32)
    edge_index = jax.random.randint(ks[1], (2, e), 0, n)
    W1 = jax.random.normal(ks[2], (189, 64), dtype=jnp.float32) * 0.1
    b1 = jnp.zeros((64,), dtype=jnp.float32)
    W2 = jax.random.normal(ks[3], (64, 32), dtype=jnp.float32) * 0.1
    b2 = jnp.zeros((32,), dtype=jnp.float32)
    Wfc = jax.random.normal(ks[4], (32, 2), dtype=jnp.float32) * 0.1
    bfc = jnp.zeros((2,), dtype=jnp.float32)
    return {"x": x, "edge_index": edge_index, "W1": W1, "b1": b1, "W2": W2, "b2": b2, "Wfc": Wfc, "bfc": bfc}


def reference(x, edge_index, W1, b1, W2, b2, Wfc, bfc):
    n = x.shape[0]
    src, dst = edge_index[0], edge_index[1]
    h = jax.nn.relu(gcn_conv(x, src, dst, W1, b1, n))
    h = jax.nn.relu(gcn_conv(h, src, dst, W2, b2, n))
    out = h @ Wfc + bfc
    return jax.nn.log_softmax(out, axis=1)

if __name__ == "__main__":
    import jax
    _d = setup_inputs()
    print(jax.jit(kernel)(*tuple(_d.values())))

</pallas_src>

<mosaic_0001>
#map = affine_map<(d0, d1) -> (0, 0)>
#map1 = affine_map<(d0, d1) -> (0, 0, 0)>
module attributes {stable_mosaic.version = 14 : i64} {
  func.func @body(%arg0: i32, %arg1: i32, %arg2: memref<10000x64xf32, #tpu.memory_space<hbm>>, %arg3: memref<2560x128xi32, #tpu.memory_space<hbm>>, %arg4: memref<2560x128xi32, #tpu.memory_space<hbm>>, %arg5: memref<2x10016x64xf32, #tpu.memory_space<hbm>>, %arg6: memref<80x128xi32, #tpu.memory_space<vmem>>, %arg7: memref<80x128xi32, #tpu.memory_space<vmem>>, %arg8: memref<3x128x64xf32, #tpu.memory_space<vmem>>, %arg9: memref<10016x64xf32, #tpu.memory_space<vmem_shared>>, %arg10: memref<10016x64xf32, #tpu.memory_space<vmem_shared>>, %arg11: memref<!tpu.dma_semaphore, #tpu.memory_space<semaphore_mem>>, %arg12: memref<!tpu.dma_semaphore, #tpu.memory_space<semaphore_mem>>) attributes {dimension_semantics = [#tpu.dimension_semantics<core_parallel>, #tpu.dimension_semantics<subcore_parallel>], iteration_bounds = array<i64: 2, 16>, scalar_prefetch = 0 : i64, scratch_operands = 7 : i64, tpu.core_type = #tpu.core_type<sc_vector_subcore>, window_params = [{transform_indices = #map}, {transform_indices = #map}, {transform_indices = #map}, {transform_indices = #map1}]} {
    %mul3A = arith.constant 2 : i32
    %mul3A_0 = arith.muli %arg1, %mul3A : i32
    %add3A = arith.addi %mul3A_0, %arg0 : i32
    %mul3A_1 = arith.constant 80 : i32
    %mul3A_2 = arith.muli %add3A, %mul3A_1 : i32
    "tpu.region"() ({
      %run_scoped3A = tpu.sem_alloc : memref<!tpu.dma_semaphore, #tpu.memory_space<semaphore_mem>>
      %dma_start3A_190 = arith.constant 0 : i32
      %dma_start3A_191 = tpu.memref_slice %arg3[%mul3A_2, %dma_start3A_190] : memref<2560x128xi32, #tpu.memory_space<hbm>> -> memref<80x128xi32, #tpu.memory_space<hbm>>
      %dma_start3A_192 = arith.constant 0 : i32
      %dma_start3A_193 = tpu.memref_slice %arg3[%mul3A_2, %dma_start3A_192] : memref<2560x128xi32, #tpu.memory_space<hbm>> -> memref<80x128xi32, #tpu.memory_space<hbm>>
      tpu.enqueue_dma source(%dma_start3A_193 : memref<80x128xi32, #tpu.memory_space<hbm>>) target(%arg6 : memref<80x128xi32, #tpu.memory_space<vmem>>) target_semaphore(%run_scoped3A : memref<!tpu.dma_semaphore, #tpu.memory_space<semaphore_mem>>)
      %dma_wait3A_194 = arith.constant 0 : i32
      %dma_wait3A_195 = tpu.memref_slice %arg3[%mul3A_2, %dma_wait3A_194] : memref<2560x128xi32, #tpu.memory_space<hbm>> -> memref<80x128xi32, #tpu.memory_space<hbm>>
      %dma_wait3A_196 = arith.constant 0 : i32
      %dma_wait3A_197 = tpu.memref_slice %arg3[%mul3A_2, %dma_wait3A_196] : memref<2560x128xi32, #tpu.memory_space<hbm>> -> memref<80x128xi32, #tpu.memory_space<hbm>>
      tpu.wait_dma2 semaphore(%run_scoped3A : memref<!tpu.dma_semaphore, #tpu.memory_space<semaphore_mem>>) src(%dma_wait3A_197 : memref<80x128xi32, #tpu.memory_space<hbm>>) dst(%arg6 : memref<80x128xi32, #tpu.memory_space<vmem>>)
      tpu.yield
    }) : () -> ()
    %mul3A_3 = arith.constant 80 : i32
    %mul3A_4 = arith.muli %add3A, %mul3A_3 : i32
    "tpu.region"() ({
      %run_scoped3A = tpu.sem_alloc : memref<!tpu.dma_semaphore, #tpu.memory_space<semaphore_mem>>
      %dma_start3A_190 = arith.constant 0 : i32
      %dma_start3A_191 = tpu.memref_slice %arg4[%mul3A_4, %dma_start3A_190] : memref<2560x128xi32, #tpu.memory_space<hbm>> -> memref<80x128xi32, #tpu.memory_space<hbm>>
      %dma_start3A_192 = arith.constant 0 : i32
      %dma_start3A_193 = tpu.memref_slice %arg4[%mul3A_4, %dma_start3A_192] : memref<2560x128xi32, #tpu.memory_space<hbm>> -> memref<80x128xi32, #tpu.memory_space<hbm>>
      tpu.enqueue_dma source(%dma_start3A_193 : memref<80x128xi32, #tpu.memory_space<hbm>>) target(%arg7 : memref<80x128xi32, #tpu.memory_space<vmem>>) target_semaphore(%run_scoped3A : memref<!tpu.dma_semaphore, #tpu.memory_space<semaphore_mem>>)
      %dma_wait3A_194 = arith.constant 0 : i32
      %dma_wait3A_195 = tpu.memref_slice %arg4[%mul3A_4, %dma_wait3A_194] : memref<2560x128xi32, #tpu.memory_space<hbm>> -> memref<80x128xi32, #tpu.memory_space<hbm>>
      %dma_wait3A_196 = arith.constant 0 : i32
      %dma_wait3A_197 = tpu.memref_slice %arg4[%mul3A_4, %dma_wait3A_196] : memref<2560x128xi32, #tpu.memory_space<hbm>> -> memref<80x128xi32, #tpu.memory_space<hbm>>
      tpu.wait_dma2 semaphore(%run_scoped3A : memref<!tpu.dma_semaphore, #tpu.memory_space<semaphore_mem>>) src(%dma_wait3A_197 : memref<80x128xi32, #tpu.memory_space<hbm>>) dst(%arg7 : memref<80x128xi32, #tpu.memory_space<vmem>>)
      tpu.yield
    }) : () -> ()
    %broadcast_in_dim3A = arith.constant 0.000000e+00 : f32
    %broadcast_in_dim3A_5 = vector.broadcast %broadcast_in_dim3A : f32 to vector<16xf32>
    %scan3A = arith.constant 0 : i32
    %scan3A_6 = arith.constant 0 : i32
    %scan3A_7 = arith.constant 512 : i32
    %scan3A_8 = arith.addi %scan3A_6, %scan3A_7 : i32
    %scan3A_9 = arith.constant 1 : i32
    %scan3A_10 = scf.for %scan3A_190 = %scan3A_6 to %scan3A_8 step %scan3A_9 iter_args(%scan3A_191 = %scan3A) -> (i32)  : i32 {
      %jit3A = arith.constant 4 : i32
      %div3A = arith.divsi %scan3A_190, %jit3A : i32
      %sign3A = arith.constant 0 : i32
      %sign3A_192 = arith.cmpi sgt, %scan3A_190, %sign3A : i32
      %sign3A_193 = arith.extui %sign3A_192 : i1 to i32
      %sign3A_194 = arith.constant 0 : i32
      %sign3A_195 = arith.cmpi slt, %scan3A_190, %sign3A_194 : i32
      %sign3A_196 = arith.extui %sign3A_195 : i1 to i32
      %sign3A_197 = arith.subi %sign3A_193, %sign3A_196 : i32
      %sign3A_198 = arith.constant 0 : i32
      %sign3A_199 = arith.cmpi sgt, %jit3A, %sign3A_198 : i32
      %sign3A_200 = arith.extui %sign3A_199 : i1 to i32
      %sign3A_201 = arith.constant 0 : i32
      %sign3A_202 = arith.cmpi slt, %jit3A, %sign3A_201 : i32
      %sign3A_203 = arith.extui %sign3A_202 : i1 to i32
      %sign3A_204 = arith.subi %sign3A_200, %sign3A_203 : i32
      %ne3A_205 = arith.cmpi ne, %sign3A_197, %sign3A_204 : i32
      %rem3A = arith.remsi %scan3A_190, %jit3A : i32
      %ne3A_206 = arith.constant 0 : i32
      %ne3A_207 = arith.cmpi ne, %rem3A, %ne3A_206 : i32
      %and3A = arith.andi %ne3A_205, %ne3A_207 : i1
      %sub3A = arith.constant 1 : i32
      %sub3A_208 = arith.subi %div3A, %sub3A : i32
      %select_n3A = arith.select %and3A, %sub3A_208, %div3A : i32
      %jit3A_209 = arith.constant 4 : i32
      %eq3A_210 = arith.constant 0 : i32
      %eq3A_211 = arith.cmpi eq, %jit3A_209, %eq3A_210 : i32
      %jit3A_212 = arith.constant 1 : i32
      %select_n3A_213 = arith.select %eq3A_211, %jit3A_212, %jit3A_209 : i32
      %rem3A_214 = arith.remsi %scan3A_190, %select_n3A_213 : i32
      %ne3A_215 = arith.constant 0 : i32
      %ne3A_216 = arith.cmpi ne, %rem3A_214, %ne3A_215 : i32
      %lt3A = arith.constant 0 : i32
      %lt3A_217 = arith.cmpi slt, %rem3A_214, %lt3A : i32
      %lt3A_218 = arith.constant 0 : i32
      %lt3A_219 = arith.cmpi slt, %select_n3A_213, %lt3A_218 : i32
      %ne3A_220 = arith.xori %lt3A_217, %lt3A_219 : i1
      %and3A_221 = arith.andi %ne3A_220, %ne3A_216 : i1
      %add3A_222 = arith.addi %rem3A_214, %select_n3A_213 : i32
      %select_n3A_223 = arith.select %and3A_221, %add3A_222, %rem3A_214 : i32
      %mul3A_224 = arith.constant 16 : i32
      %mul3A_225 = arith.muli %select_n3A_223, %mul3A_224 : i32
      %swap3A = arith.constant 0 : i32
      %swap3A_226 = arith.index_cast %swap3A : i32 to index
      %swap3A_227 = arith.index_cast %select_n3A : i32 to index
      %swap3A_228 = arith.index_cast %mul3A_225 : i32 to index
      %swap3A_229 = tpu.vector_load %arg8[%swap3A_226, %swap3A_227, %swap3A_228] {strides = array<i32>} : memref<3x128x64xf32, #tpu.memory_space<vmem>>, vector<1x1x16xf32>,
      %swap3A_230 = vector.shape_cast %swap3A_229 : vector<1x1x16xf32> to vector<16xf32>
      %swap3A_231 = vector.shape_cast %broadcast_in_dim3A_5 : vector<16xf32> to vector<1x1x16xf32>
      tpu.vector_store %arg8[%swap3A_226, %swap3A_227, %swap3A_228], %swap3A_231 {strides = array<i32>} : memref<3x128x64xf32, #tpu.memory_space<vmem>>, vector<1x1x16xf32>,
      %scan3A_232 = arith.constant 0 : i32
      scf.yield %scan3A_232 : i32
    }
    %scan3A_11 = arith.constant 512 : i32
    %mul3A_12 = arith.constant 626 : i32
    %mul3A_13 = arith.muli %arg1, %mul3A_12 : i32
    %add3A_14 = arith.constant 0 : i32
    %add3A_15 = arith.addi %mul3A_13, %add3A_14 : i32
    %dma_start3A = arith.constant 0 : i32
    %dma_start3A_16 = arith.constant 0 : i32
    %dma_start3A_17 = arith.constant 0 : i32
    %dma_start3A_18 = tpu.memref_slice %arg8[%dma_start3A, %dma_start3A_16, %dma_start3A_17] : memref<3x128x64xf32, #tpu.memory_space<vmem>> -> memref<1x128x64xf32, #tpu.memory_space<vmem>>
    %dma_start3A_19 = tpu.memref_squeeze %dma_start3A_18 : memref<1x128x64xf32, #tpu.memory_space<vmem>> -> memref<128x64xf32, #tpu.memory_space<vmem>>
    %dma_start3A_20 = arith.constant 0 : i32
    %dma_start3A_21 = tpu.memref_slice %arg9[%add3A_15, %dma_start3A_20] : memref<10016x64xf32, #tpu.memory_space<vmem_shared>> -> memref<128x64xf32, #tpu.memory_space<vmem_shared>>
    %dma_start3A_22 = arith.constant 0 : i32
    %dma_start3A_23 = tpu.memref_slice %arg9[%add3A_15, %dma_start3A_22] : memref<10016x64xf32, #tpu.memory_space<vmem_shared>> -> memref<128x64xf32, #tpu.memory_space<vmem_shared>>
    %dma_start3A_24 = arith.constant 0 : i32
    %dma_start3A_25 = arith.constant 0 : i32
    %dma_start3A_26 = tpu.memref_slice %arg8[%dma_start3A, %dma_start3A_24, %dma_start3A_25] : memref<3x128x64xf32, #tpu.memory_space<vmem>> -> memref<1x128x64xf32, #tpu.memory_space<vmem>>
    %dma_start3A_27 = tpu.memref_squeeze %dma_start3A_26 : memref<1x128x64xf32, #tpu.memory_space<vmem>> -> memref<128x64xf32, #tpu.memory_space<vmem>>
    tpu.enqueue_dma source(%dma_start3A_27 : memref<128x64xf32, #tpu.memory_space<vmem>>) target(%dma_start3A_23 : memref<128x64xf32, #tpu.memory_space<vmem_shared>>) target_semaphore(%arg12 : memref<!tpu.dma_semaphore, #tpu.memory_space<semaphore_mem>>)
    %add3A_28 = arith.constant 128 : i32
    %add3A_29 = arith.addi %mul3A_13, %add3A_28 : i32
    %dma_start3A_30 = arith.constant 0 : i32
    %dma_start3A_31 = arith.constant 0 : i32
    %dma_start3A_32 = arith.constant 0 : i32
    %dma_start3A_33 = tpu.memref_slice %arg8[%dma_start3A_30, %dma_start3A_31, %dma_start3A_32] : memref<3x128x64xf32, #tpu.memory_space<vmem>> -> memref<1x128x64xf32, #tpu.memory_space<vmem>>
    %dma_start3A_34 = tpu.memref_squeeze %dma_start3A_33 : memref<1x128x64xf32, #tpu.memory_space<vmem>> -> memref<128x64xf32, #tpu.memory_space<vmem>>
    %dma_start3A_35 = arith.constant 0 : i32
    %dma_start3A_36 = tpu.memref_slice %arg9[%add3A_29, %dma_start3A_35] : memref<10016x64xf32, #tpu.memory_space<vmem_shared>> -> memref<128x64xf32, #tpu.memory_space<vmem_shared>>
    %dma_start3A_37 = arith.constant 0 : i32
    %dma_start3A_38 = tpu.memref_slice %arg9[%add3A_29, %dma_start3A_37] : memref<10016x64xf32, #tpu.memory_space<vmem_shared>> -> memref<128x64xf32, #tpu.memory_space<vmem_shared>>
    %dma_start3A_39 = arith.constant 0 : i32
    %dma_start3A_40 = arith.constant 0 : i32
    %dma_start3A_41 = tpu.memref_slice %arg8[%dma_start3A_30, %dma_start3A_39, %dma_start3A_40] : memref<3x128x64xf32, #tpu.memory_space<vmem>> -> memref<1x128x64xf32, #tpu.memory_space<vmem>>
    %dma_start3A_42 = tpu.memref_squeeze %dma_start3A_41 : memref<1x128x64xf32, #tpu.memory_space<vmem>> -> memref<128x64xf32, #tpu.memory_space<vmem>>
    tpu.enqueue_dma source(%dma_start3A_42 : memref<128x64xf32, #tpu.memory_space<vmem>>) target(%dma_start3A_38 : memref<128x64xf32, #tpu.memory_space<vmem_shared>>) target_semaphore(%arg12 : memref<!tpu.dma_semaphore, #tpu.memory_space<semaphore_mem>>)
    %add3A_43 = arith.constant 256 : i32
    %add3A_44 = arith.addi %mul3A_13, %add3A_43 : i32
    %dma_start3A_45 = arith.constant 0 : i32
    %dma_start3A_46 = arith.constant 0 : i32
    %dma_start3A_47 = arith.constant 0 : i32
    %dma_start3A_48 = tpu.memref_slice %arg8[%dma_start3A_45, %dma_start3A_46, %dma_start3A_47] : memref<3x128x64xf32, #tpu.memory_space<vmem>> -> memref<1x128x64xf32, #tpu.memory_space<vmem>>
    %dma_start3A_49 = tpu.memref_squeeze %dma_start3A_48 : memref<1x128x64xf32, #tpu.memory_space<vmem>> -> memref<128x64xf32, #tpu.memory_space<vmem>>
    %dma_start3A_50 = arith.constant 0 : i32
    %dma_start3A_51 = tpu.memref_slice %arg9[%add3A_44, %dma_start3A_50] : memref<10016x64xf32, #tpu.memory_space<vmem_shared>> -> memref<128x64xf32, #tpu.memory_space<vmem_shared>>
    %dma_start3A_52 = arith.constant 0 : i32
    %dma_start3A_53 = tpu.memref_slice %arg9[%add3A_44, %dma_start3A_52] : memref<10016x64xf32, #tpu.memory_space<vmem_shared>> -> memref<128x64xf32, #tpu.memory_space<vmem_shared>>
    %dma_start3A_54 = arith.constant 0 : i32
    %dma_start3A_55 = arith.constant 0 : i32
    %dma_start3A_56 = tpu.memref_slice %arg8[%dma_start3A_45, %dma_start3A_54, %dma_start3A_55] : memref<3x128x64xf32, #tpu.memory_space<vmem>> -> memref<1x128x64xf32, #tpu.memory_space<vmem>>
    %dma_start3A_57 = tpu.memref_squeeze %dma_start3A_56 : memref<1x128x64xf32, #tpu.memory_space<vmem>> -> memref<128x64xf32, #tpu.memory_space<vmem>>
    tpu.enqueue_dma source(%dma_start3A_57 : memref<128x64xf32, #tpu.memory_space<vmem>>) target(%dma_start3A_53 : memref<128x64xf32, #tpu.memory_space<vmem_shared>>) target_semaphore(%arg12 : memref<!tpu.dma_semaphore, #tpu.memory_space<semaphore_mem>>)
    %add3A_58 = arith.constant 384 : i32
    %add3A_59 = arith.addi %mul3A_13, %add3A_58 : i32
    %dma_start3A_60 = arith.constant 0 : i32
    %dma_start3A_61 = arith.constant 0 : i32
    %dma_start3A_62 = arith.constant 0 : i32
    %dma_start3A_63 = tpu.memref_slice %arg8[%dma_start3A_60, %dma_start3A_61, %dma_start3A_62] : memref<3x128x64xf32, #tpu.memory_space<vmem>> -> memref<1x128x64xf32, #tpu.memory_space<vmem>>
    %dma_start3A_64 = tpu.memref_squeeze %dma_start3A_63 : memref<1x128x64xf32, #tpu.memory_space<vmem>> -> memref<128x64xf32, #tpu.memory_space<vmem>>
    %dma_start3A_65 = arith.constant 0 : i32
    %dma_start3A_66 = tpu.memref_slice %arg9[%add3A_59, %dma_start3A_65] : memref<10016x64xf32, #tpu.memory_space<vmem_shared>> -> memref<128x64xf32, #tpu.memory_space<vmem_shared>>
    %dma_start3A_67 = arith.constant 0 : i32
    %dma_start3A_68 = tpu.memref_slice %arg9[%add3A_59, %dma_start3A_67] : memref<10016x64xf32, #tpu.memory_space<vmem_shared>> -> memref<128x64xf32, #tpu.memory_space<vmem_shared>>
    %dma_start3A_69 = arith.constant 0 : i32
    %dma_start3A_70 = arith.constant 0 : i32
    %dma_start3A_71 = tpu.memref_slice %arg8[%dma_start3A_60, %dma_start3A_69, %dma_start3A_70] : memref<3x128x64xf32, #tpu.memory_space<vmem>> -> memref<1x128x64xf32, #tpu.memory_space<vmem>>
    %dma_start3A_72 = tpu.memref_squeeze %dma_start3A_71 : memref<1x128x64xf32, #tpu.memory_space<vmem>> -> memref<128x64xf32, #tpu.memory_space<vmem>>
    tpu.enqueue_dma source(%dma_start3A_72 : memref<128x64xf32, #tpu.memory_space<vmem>>) target(%dma_start3A_68 : memref<128x64xf32, #tpu.memory_space<vmem_shared>>) target_semaphore(%arg12 : memref<!tpu.dma_semaphore, #tpu.memory_space<semaphore_mem>>)
    %add3A_73 = arith.constant 512 : i32
    %add3A_74 = arith.addi %mul3A_13, %add3A_73 : i32
    %dma_start3A_75 = arith.constant 0 : i32
    %dma_start3A_76 = arith.constant 0 : i32
    %dma_start3A_77 = arith.constant 0 : i32
    %dma_start3A_78 = tpu.memref_slice %arg8[%dma_start3A_75, %dma_start3A_76, %dma_start3A_77] : memref<3x128x64xf32, #tpu.memory_space<vmem>> -> memref<1x114x64xf32, #tpu.memory_space<vmem>>
    %dma_start3A_79 = tpu.memref_squeeze %dma_start3A_78 : memref<1x114x64xf32, #tpu.memory_space<vmem>> -> memref<114x64xf32, #tpu.memory_space<vmem>>
    %dma_start3A_80 = arith.constant 0 : i32
    %dma_start3A_81 = tpu.memref_slice %arg9[%add3A_74, %dma_start3A_80] : memref<10016x64xf32, #tpu.memory_space<vmem_shared>> -> memref<114x64xf32, #tpu.memory_space<vmem_shared>>
    %dma_start3A_82 = arith.constant 0 : i32
    %dma_start3A_83 = tpu.memref_slice %arg9[%add3A_74, %dma_start3A_82] : memref<10016x64xf32, #tpu.memory_space<vmem_shared>> -> memref<114x64xf32, #tpu.memory_space<vmem_shared>>
    %dma_start3A_84 = arith.constant 0 : i32
    %dma_start3A_85 = arith.constant 0 : i32
    %dma_start3A_86 = tpu.memref_slice %arg8[%dma_start3A_75, %dma_start3A_84, %dma_start3A_85] : memref<3x128x64xf32, #tpu.memory_space<vmem>> -> memref<1x114x64xf32, #tpu.memory_space<vmem>>
    %dma_start3A_87 = tpu.memref_squeeze %dma_start3A_86 : memref<1x114x64xf32, #tpu.memory_space<vmem>> -> memref<114x64xf32, #tpu.memory_space<vmem>>
    tpu.enqueue_dma source(%dma_start3A_87 : memref<114x64xf32, #tpu.memory_space<vmem>>) target(%dma_start3A_83 : memref<114x64xf32, #tpu.memory_space<vmem_shared>>) target_semaphore(%arg12 : memref<!tpu.dma_semaphore, #tpu.memory_space<semaphore_mem>>)
    %eq3A = arith.constant 15 : i32
    %eq3A_88 = arith.cmpi eq, %arg1, %eq3A : i32
    %convert_element_type3A = arith.extui %eq3A_88 : i1 to i32
    %cond3A = arith.constant 0 : i32
    %cond3A_89 = arith.cmpi ne, %convert_element_type3A, %cond3A : i32
    scf.if %cond3A_89 {
      %dma_start3A_190 = arith.constant 9390 : i32
      %dma_start3A_191 = arith.constant 0 : i32
      %dma_start3A_192 = tpu.memref_slice %arg10[%dma_start3A_190, %dma_start3A_191] : memref<10016x64xf32, #tpu.memory_space<vmem_shared>> -> memref<610x64xf32, #tpu.memory_space<vmem_shared>>
      %dma_start3A_193 = arith.constant 9390 : i32
      %dma_start3A_194 = arith.constant 0 : i32
      %dma_start3A_195 = tpu.memref_slice %arg2[%dma_start3A_193, %dma_start3A_194] : memref<10000x64xf32, #tpu.memory_space<hbm>> -> memref<610x64xf32, #tpu.memory_space<hbm>>
      tpu.enqueue_dma source(%dma_start3A_195 : memref<610x64xf32, #tpu.memory_space<hbm>>) target(%dma_start3A_192 : memref<610x64xf32, #tpu.memory_space<vmem_shared>>) target_semaphore(%arg11 : memref<!tpu.dma_semaphore, #tpu.memory_space<semaphore_mem>>)
      %dma_wait3A_196 = arith.constant 9390 : i32
      %dma_wait3A_197 = arith.constant 0 : i32
      %dma_wait3A_198 = tpu.memref_slice %arg10[%dma_wait3A_196, %dma_wait3A_197] : memref<10016x64xf32, #tpu.memory_space<vmem_shared>> -> memref<610x64xf32, #tpu.memory_space<vmem_shared>>
      %dma_wait3A_199 = arith.constant 9390 : i32
      %dma_wait3A_200 = arith.constant 0 : i32
      %dma_wait3A_201 = tpu.memref_slice %arg2[%dma_wait3A_199, %dma_wait3A_200] : memref<10000x64xf32, #tpu.memory_space<hbm>> -> memref<610x64xf32, #tpu.memory_space<hbm>>
      tpu.wait_dma2 semaphore(%arg11 : memref<!tpu.dma_semaphore, #tpu.memory_space<semaphore_mem>>) src(%dma_wait3A_201 : memref<610x64xf32, #tpu.memory_space<hbm>>) dst(%dma_wait3A_198 : memref<610x64xf32, #tpu.memory_space<vmem_shared>>)
    } else {
    }
    %ne3A = arith.constant 15 : i32
    %ne3A_90 = arith.cmpi ne, %arg1, %ne3A : i32
    %convert_element_type3A_91 = arith.extui %ne3A_90 : i1 to i32
    %cond3A_92 = arith.constant 0 : i32
    %cond3A_93 = arith.cmpi ne, %convert_element_type3A_91, %cond3A_92 : i32
    scf.if %cond3A_93 {
      %dma_start3A_190 = arith.constant 0 : i32
      %dma_start3A_191 = tpu.memref_slice %arg10[%mul3A_13, %dma_start3A_190] : memref<10016x64xf32, #tpu.memory_space<vmem_shared>> -> memref<626x64xf32, #tpu.memory_space<vmem_shared>>
      %dma_start3A_192 = arith.constant 0 : i32
      %dma_start3A_193 = tpu.memref_slice %arg2[%mul3A_13, %dma_start3A_192] : memref<10000x64xf32, #tpu.memory_space<hbm>> -> memref<626x64xf32, #tpu.memory_space<hbm>>
      tpu.enqueue_dma source(%dma_start3A_193 : memref<626x64xf32, #tpu.memory_space<hbm>>) target(%dma_start3A_191 : memref<626x64xf32, #tpu.memory_space<vmem_shared>>) target_semaphore(%arg11 : memref<!tpu.dma_semaphore, #tpu.memory_space<semaphore_mem>>)
      %dma_wait3A_194 = arith.constant 0 : i32
      %dma_wait3A_195 = tpu.memref_slice %arg10[%mul3A_13, %dma_wait3A_194] : memref<10016x64xf32, #tpu.memory_space<vmem_shared>> -> memref<626x64xf32, #tpu.memory_space<vmem_shared>>
      %dma_wait3A_196 = arith.constant 0 : i32
      %dma_wait3A_197 = tpu.memref_slice %arg2[%mul3A_13, %dma_wait3A_196] : memref<10000x64xf32, #tpu.memory_space<hbm>> -> memref<626x64xf32, #tpu.memory_space<hbm>>
      tpu.wait_dma2 semaphore(%arg11 : memref<!tpu.dma_semaphore, #tpu.memory_space<semaphore_mem>>) src(%dma_wait3A_197 : memref<626x64xf32, #tpu.memory_space<hbm>>) dst(%dma_wait3A_195 : memref<626x64xf32, #tpu.memory_space<vmem_shared>>)
    } else {
    }
    %dma_wait3A = arith.constant 0 : i32
    %dma_wait3A_94 = arith.constant 0 : i32
    %dma_wait3A_95 = arith.constant 0 : i32
    %dma_wait3A_96 = tpu.memref_slice %arg8[%dma_wait3A, %dma_wait3A_94, %dma_wait3A_95] : memref<3x128x64xf32, #tpu.memory_space<vmem>> -> memref<1x128x64xf32, #tpu.memory_space<vmem>>
    %dma_wait3A_97 = tpu.memref_squeeze %dma_wait3A_96 : memref<1x128x64xf32, #tpu.memory_space<vmem>> -> memref<128x64xf32, #tpu.memory_space<vmem>>
    %dma_wait3A_98 = arith.constant 0 : i32
    %dma_wait3A_99 = tpu.memref_slice %arg9[%add3A_15, %dma_wait3A_98] : memref<10016x64xf32, #tpu.memory_space<vmem_shared>> -> memref<128x64xf32, #tpu.memory_space<vmem_shared>>
    %dma_wait3A_100 = arith.constant 0 : i32
    %dma_wait3A_101 = tpu.memref_slice %arg9[%add3A_15, %dma_wait3A_100] : memref<10016x64xf32, #tpu.memory_space<vmem_shared>> -> memref<128x64xf32, #tpu.memory_space<vmem_shared>>
    %dma_wait3A_102 = arith.constant 0 : i32
    %dma_wait3A_103 = arith.constant 0 : i32
    %dma_wait3A_104 = tpu.memref_slice %arg8[%dma_wait3A, %dma_wait3A_102, %dma_wait3A_103] : memref<3x128x64xf32, #tpu.memory_space<vmem>> -> memref<1x128x64xf32, #tpu.memory_space<vmem>>
    %dma_wait3A_105 = tpu.memref_squeeze %dma_wait3A_104 : memref<1x128x64xf32, #tpu.memory_space<vmem>> -> memref<128x64xf32, #tpu.memory_space<vmem>>
    tpu.wait_dma2 semaphore(%arg12 : memref<!tpu.dma_semaphore, #tpu.memory_space<semaphore_mem>>) src(%dma_wait3A_105 : memref<128x64xf32, #tpu.memory_space<vmem>>) dst(%dma_wait3A_101 : memref<128x64xf32, #tpu.memory_space<vmem_shared>>)
    %dma_wait3A_106 = arith.constant 0 : i32
    %dma_wait3A_107 = arith.constant 0 : i32
    %dma_wait3A_108 = arith.constant 0 : i32
    %dma_wait3A_109 = tpu.memref_slice %arg8[%dma_wait3A_106, %dma_wait3A_107, %dma_wait3A_108] : memref<3x128x64xf32, #tpu.memory_space<vmem>> -> memref<1x128x64xf32, #tpu.memory_space<vmem>>
    %dma_wait3A_110 = tpu.memref_squeeze %dma_wait3A_109 : memref<1x128x64xf32, #tpu.memory_space<vmem>> -> memref<128x64xf32, #tpu.memory_space<vmem>>
    %dma_wait3A_111 = arith.constant 0 : i32
    %dma_wait3A_112 = tpu.memref_slice %arg9[%add3A_29, %dma_wait3A_111] : memref<10016x64xf32, #tpu.memory_space<vmem_shared>> -> memref<128x64xf32, #tpu.memory_space<vmem_shared>>
    %dma_wait3A_113 = arith.constant 0 : i32
    %dma_wait3A_114 = tpu.memref_slice %arg9[%add3A_29, %dma_wait3A_113] : memref<10016x64xf32, #tpu.memory_space<vmem_shared>> -> memref<128x64xf32, #tpu.memory_space<vmem_shared>>
    %dma_wait3A_115 = arith.constant 0 : i32
    %dma_wait3A_116 = arith.constant 0 : i32
    %dma_wait3A_117 = tpu.memref_slice %arg8[%dma_wait3A_106, %dma_wait3A_115, %dma_wait3A_116] : memref<3x128x64xf32, #tpu.memory_space<vmem>> -> memref<1x128x64xf32, #tpu.memory_space<vmem>>
    %dma_wait3A_118 = tpu.memref_squeeze %dma_wait3A_117 : memref<1x128x64xf32, #tpu.memory_space<vmem>> -> memref<128x64xf32, #tpu.memory_space<vmem>>
    tpu.wait_dma2 semaphore(%arg12 : memref<!tpu.dma_semaphore, #tpu.memory_space<semaphore_mem>>) src(%dma_wait3A_118 : memref<128x64xf32, #tpu.memory_space<vmem>>) dst(%dma_wait3A_114 : memref<128x64xf32, #tpu.memory_space<vmem_shared>>)
    %dma_wait3A_119 = arith.constant 0 : i32
    %dma_wait3A_120 = arith.constant 0 : i32
    %dma_wait3A_121 = arith.constant 0 : i32
    %dma_wait3A_122 = tpu.memref_slice %arg8[%dma_wait3A_119, %dma_wait3A_120, %dma_wait3A_121] : memref<3x128x64xf32, #tpu.memory_space<vmem>> -> memref<1x128x64xf32, #tpu.memory_space<vmem>>
    %dma_wait3A_123 = tpu.memref_squeeze %dma_wait3A_122 : memref<1x128x64xf32, #tpu.memory_space<vmem>> -> memref<128x64xf32, #tpu.memory_space<vmem>>
    %dma_wait3A_124 = arith.constant 0 : i32
    %dma_wait3A_125 = tpu.memref_slice %arg9[%add3A_44, %dma_wait3A_124] : memref<10016x64xf32, #tpu.memory_space<vmem_shared>> -> memref<128x64xf32, #tpu.memory_space<vmem_shared>>
    %dma_wait3A_126 = arith.constant 0 : i32
    %dma_wait3A_127 = tpu.memref_slice %arg9[%add3A_44, %dma_wait3A_126] : memref<10016x64xf32, #tpu.memory_space<vmem_shared>> -> memref<128x64xf32, #tpu.memory_space<vmem_shared>>
    %dma_wait3A_128 = arith.constant 0 : i32
    %dma_wait3A_129 = arith.constant 0 : i32
    %dma_wait3A_130 = tpu.memref_slice %arg8[%dma_wait3A_119, %dma_wait3A_128, %dma_wait3A_129] : memref<3x128x64xf32, #tpu.memory_space<vmem>> -> memref<1x128x64xf32, #tpu.memory_space<vmem>>
    %dma_wait3A_131 = tpu.memref_squeeze %dma_wait3A_130 : memref<1x128x64xf32, #tpu.memory_space<vmem>> -> memref<128x64xf32, #tpu.memory_space<vmem>>
    tpu.wait_dma2 semaphore(%arg12 : memref<!tpu.dma_semaphore, #tpu.memory_space<semaphore_mem>>) src(%dma_wait3A_131 : memref<128x64xf32, #tpu.memory_space<vmem>>) dst(%dma_wait3A_127 : memref<128x64xf32, #tpu.memory_space<vmem_shared>>)
    %dma_wait3A_132 = arith.constant 0 : i32
    %dma_wait3A_133 = arith.constant 0 : i32
    %dma_wait3A_134 = arith.constant 0 : i32
    %dma_wait3A_135 = tpu.memref_slice %arg8[%dma_wait3A_132, %dma_wait3A_133, %dma_wait3A_134] : memref<3x128x64xf32, #tpu.memory_space<vmem>> -> memref<1x128x64xf32, #tpu.memory_space<vmem>>
    %dma_wait3A_136 = tpu.memref_squeeze %dma_wait3A_135 : memref<1x128x64xf32, #tpu.memory_space<vmem>> -> memref<128x64xf32, #tpu.memory_space<vmem>>
    %dma_wait3A_137 = arith.constant 0 : i32
    %dma_wait3A_138 = tpu.memref_slice %arg9[%add3A_59, %dma_wait3A_137] : memref<10016x64xf32, #tpu.memory_space<vmem_shared>> -> memref<128x64xf32, #tpu.memory_space<vmem_shared>>
    %dma_wait3A_139 = arith.constant 0 : i32
    %dma_wait3A_140 = tpu.memref_slice %arg9[%add3A_59, %dma_wait3A_139] : memref<10016x64xf32, #tpu.memory_space<vmem_shared>> -> memref<128x64xf32, #tpu.memory_space<vmem_shared>>
    %dma_wait3A_141 = arith.constant 0 : i32
    %dma_wait3A_142 = arith.constant 0 : i32
    %dma_wait3A_143 = tpu.memref_slice %arg8[%dma_wait3A_132, %dma_wait3A_141, %dma_wait3A_142] : memref<3x128x64xf32, #tpu.memory_space<vmem>> -> memref<1x128x64xf32, #tpu.memory_space<vmem>>
    %dma_wait3A_144 = tpu.memref_squeeze %dma_wait3A_143 : memref<1x128x64xf32, #tpu.memory_space<vmem>> -> memref<128x64xf32, #tpu.memory_space<vmem>>
    tpu.wait_dma2 semaphore(%arg12 : memref<!tpu.dma_semaphore, #tpu.memory_space<semaphore_mem>>) src(%dma_wait3A_144 : memref<128x64xf32, #tpu.memory_space<vmem>>) dst(%dma_wait3A_140 : memref<128x64xf32, #tpu.memory_space<vmem_shared>>)
    %dma_wait3A_145 = arith.constant 0 : i32
    %dma_wait3A_146 = arith.constant 0 : i32
    %dma_wait3A_147 = arith.constant 0 : i32
    %dma_wait3A_148 = tpu.memref_slice %arg8[%dma_wait3A_145, %dma_wait3A_146, %dma_wait3A_147] : memref<3x128x64xf32, #tpu.memory_space<vmem>> -> memref<1x114x64xf32, #tpu.memory_space<vmem>>
    %dma_wait3A_149 = tpu.memref_squeeze %dma_wait3A_148 : memref<1x114x64xf32, #tpu.memory_space<vmem>> -> memref<114x64xf32, #tpu.memory_space<vmem>>
    %dma_wait3A_150 = arith.constant 0 : i32
    %dma_wait3A_151 = tpu.memref_slice %arg9[%add3A_74, %dma_wait3A_150] : memref<10016x64xf32, #tpu.memory_space<vmem_shared>> -> memref<114x64xf32, #tpu.memory_space<vmem_shared>>
    %dma_wait3A_152 = arith.constant 0 : i32
    %dma_wait3A_153 = tpu.memref_slice %arg9[%add3A_74, %dma_wait3A_152] : memref<10016x64xf32, #tpu.memory_space<vmem_shared>> -> memref<114x64xf32, #tpu.memory_space<vmem_shared>>
    %dma_wait3A_154 = arith.constant 0 : i32
    %dma_wait3A_155 = arith.constant 0 : i32
    %dma_wait3A_156 = tpu.memref_slice %arg8[%dma_wait3A_145, %dma_wait3A_154, %dma_wait3A_155] : memref<3x128x64xf32, #tpu.memory_space<vmem>> -> memref<1x114x64xf32, #tpu.memory_space<vmem>>
    %dma_wait3A_157 = tpu.memref_squeeze %dma_wait3A_156 : memref<1x114x64xf32, #tpu.memory_space<vmem>> -> memref<114x64xf32, #tpu.memory_space<vmem>>
    tpu.wait_dma2 semaphore(%arg12 : memref<!tpu.dma_semaphore, #tpu.memory_space<semaphore_mem>>) src(%dma_wait3A_157 : memref<114x64xf32, #tpu.memory_space<vmem>>) dst(%dma_wait3A_153 : memref<114x64xf32, #tpu.memory_space<vmem_shared>>)
    %barrier3A = arith.constant 0 : index
    tpu.barrier barrier_id(%barrier3A)
    %dma_start3A_158 = arith.constant 0 : i32
    %dma_start3A_159 = arith.constant 0 : i32
    %dma_start3A_160 = arith.constant 0 : i32
    %dma_start3A_161 = arith.constant 0 : i32
    %dma_start3A_162 = tpu.memref_slice %arg8[%dma_start3A_159, %dma_start3A_160, %dma_start3A_161] : memref<3x128x64xf32, #tpu.memory_space<vmem>> -> memref<1x128x64xf32, #tpu.memory_space<vmem>>
    %dma_start3A_163 = tpu.memref_squeeze %dma_start3A_162 : memref<1x128x64xf32, #tpu.memory_space<vmem>> -> memref<128x64xf32, #tpu.memory_space<vmem>>
    %dma_start3A_164 = arith.constant 0 : i32
    %dma_start3A_165 = tpu.memref_slice %arg6[%dma_start3A_158, %dma_start3A_164] : memref<80x128xi32, #tpu.memory_space<vmem>> -> memref<1x128xi32, #tpu.memory_space<vmem>>
    %dma_start3A_166 = tpu.memref_squeeze %dma_start3A_165 : memref<1x128xi32, #tpu.memory_space<vmem>> -> memref<128xi32, #tpu.memory_space<vmem>>
    %dma_start3A_167 = arith.constant 0 : i32
    %dma_start3A_168 = arith.constant 0 : i32
    %dma_start3A_169 = tpu.memref_slice %arg10[%dma_start3A_167, %dma_start3A_168] : memref<10016x64xf32, #tpu.memory_space<vmem_shared>> -> memref<10016x64xf32, #tpu.memory_space<vmem_shared>>
    tpu.enqueue_indirect_dma source(%dma_start3A_169 : memref<10016x64xf32, #tpu.memory_space<vmem_shared>>) target(%dma_start3A_163 : memref<128x64xf32, #tpu.memory_space<vmem>>) offsets(%dma_start3A_166 : memref<128xi32, #tpu.memory_space<vmem>>) semaphore(%arg11 : memref<!tpu.dma_semaphore, #tpu.memory_space<semaphore_mem>>)
    %dma_start3A_170 = arith.constant 1 : i32
    %dma_start3A_171 = arith.constant 1 : i32
    %dma_start3A_172 = arith.constant 0 : i32
    %dma_start3A_173 = arith.constant 0 : i32
    %dma_start3A_174 = tpu.memref_slice %arg8[%dma_start3A_171, %dma_start3A_172, %dma_start3A_173] : memref<3x128x64xf32, #tpu.memory_space<vmem>> -> memref<1x128x64xf32, #tpu.memory_space<vmem>>
    %dma_start3A_175 = tpu.memref_squeeze %dma_start3A_174 : memref<1x128x64xf32, #tpu.memory_space<vmem>> -> memref<128x64xf32, #tpu.memory_space<vmem>>
    %dma_start3A_176 = arith.constant 0 : i32
    %dma_start3A_177 = tpu.memref_slice %arg6[%dma_start3A_170, %dma_start3A_176] : memref<80x128xi32, #tpu.memory_space<vmem>> -> memref<1x128xi32, #tpu.memory_space<vmem>>
    %dma_start3A_178 = tpu.memref_squeeze %dma_start3A_177 : memref<1x128xi32, #tpu.memory_space<vmem>> -> memref<128xi32, #tpu.memory_space<vmem>>
    %dma_start3A_179 = arith.constant 0 : i32
    %dma_start3A_180 = arith.constant 0 : i32
    %dma_start3A_181 = tpu.memref_slice %arg10[%dma_start3A_179, %dma_start3A_180] : memref<10016x64xf32, #tpu.memory_space<vmem_shared>> -> memref<10016x64xf32, #tpu.memory_space<vmem_shared>>
    tpu.enqueue_indirect_dma source(%dma_start3A_181 : memref<10016x64xf32, #tpu.memory_space<vmem_shared>>) target(%dma_start3A_175 : memref<128x64xf32, #tpu.memory_space<vmem>>) offsets(%dma_start3A_178 : memref<128xi32, #tpu.memory_space<vmem>>) semaphore(%arg11 : memref<!tpu.dma_semaphore, #tpu.memory_space<semaphore_mem>>)
    %scan3A_182 = arith.constant 0 : i32
    %scan3A_183 = arith.constant 0 : i32
    %scan3A_184 = arith.constant 80 : i32
    %scan3A_185 = arith.addi %scan3A_183, %scan3A_184 : i32
    %scan3A_186 = arith.constant 1 : i32
    %scan3A_187 = scf.for %scan3A_190 = %scan3A_183 to %scan3A_185 step %scan3A_186 iter_args(%scan3A_191 = %scan3A_182) -> (i32)  : i32 {
      %jit3A = arith.constant 3 : i32
      %eq3A_192 = arith.constant 0 : i32
      %eq3A_193 = arith.cmpi eq, %jit3A, %eq3A_192 : i32
      %jit3A_194 = arith.constant 1 : i32
      %select_n3A = arith.select %eq3A_193, %jit3A_194, %jit3A : i32
      %rem3A = arith.remsi %scan3A_190, %select_n3A : i32
      %ne3A_195 = arith.constant 0 : i32
      %ne3A_196 = arith.cmpi ne, %rem3A, %ne3A_195 : i32
      %lt3A = arith.constant 0 : i32
      %lt3A_197 = arith.cmpi slt, %rem3A, %lt3A : i32
      %lt3A_198 = arith.constant 0 : i32
      %lt3A_199 = arith.cmpi slt, %select_n3A, %lt3A_198 : i32
      %ne3A_200 = arith.xori %lt3A_197, %lt3A_199 : i1
      %and3A = arith.andi %ne3A_200, %ne3A_196 : i1
      %add3A_201 = arith.addi %rem3A, %select_n3A : i32
      %select_n3A_202 = arith.select %and3A, %add3A_201, %rem3A : i32
      %dma_wait3A_203 = arith.constant 0 : i32
      %dma_wait3A_204 = arith.constant 0 : i32
      %dma_wait3A_205 = tpu.memref_slice %arg8[%select_n3A_202, %dma_wait3A_203, %dma_wait3A_204] : memref<3x128x64xf32, #tpu.memory_space<vmem>> -> memref<1x128x64xf32, #tpu.memory_space<vmem>>
      %dma_wait3A_206 = tpu.memref_squeeze %dma_wait3A_205 : memref<1x128x64xf32, #tpu.memory_space<vmem>> -> memref<128x64xf32, #tpu.memory_space<vmem>>
      %dma_wait3A_207 = arith.constant 0 : i32
      %dma_wait3A_208 = tpu.memref_slice %arg6[%scan3A_190, %dma_wait3A_207] : memref<80x128xi32, #tpu.memory_space<vmem>> -> memref<1x128xi32, #tpu.memory_space<vmem>>
      %dma_wait3A_209 = tpu.memref_squeeze %dma_wait3A_208 : memref<1x128xi32, #tpu.memory_space<vmem>> -> memref<128xi32, #tpu.memory_space<vmem>>
      %dma_wait3A_210 = arith.constant 0 : i32
      %dma_wait3A_211 = arith.constant 0 : i32
      %dma_wait3A_212 = tpu.memref_slice %arg10[%dma_wait3A_210, %dma_wait3A_211] : memref<10016x64xf32, #tpu.memory_space<vmem_shared>> -> memref<10016x64xf32, #tpu.memory_space<vmem_shared>>
      tpu.wait_indirect_dma semaphore(%arg11 : memref<!tpu.dma_semaphore, #tpu.memory_space<semaphore_mem>>) src(%dma_wait3A_212 : memref<10016x64xf32, #tpu.memory_space<vmem_shared>>) dst(%dma_wait3A_206 : memref<128x64xf32, #tpu.memory_space<vmem>>)
      %add3A_213 = arith.constant 2 : i32
      %add3A_214 = arith.addi %scan3A_190, %add3A_213 : i32
      %lt3A_215 = arith.constant 80 : i32
      %lt3A_216 = arith.cmpi slt, %add3A_214, %lt3A_215 : i32
      %convert_element_type3A_217 = arith.extui %lt3A_216 : i1 to i32
      %cond3A_218 = arith.constant 0 : i32
      %cond3A_219 = arith.cmpi ne, %convert_element_type3A_217, %cond3A_218 : i32
      scf.if %cond3A_219 {
        %add3A_221 = arith.constant 2 : i32
        %add3A_222 = arith.addi %scan3A_190, %add3A_221 : i32
        %add3A_223 = arith.constant 2 : i32
        %add3A_224 = arith.addi %scan3A_190, %add3A_223 : i32
        %jit3A_225 = arith.constant 3 : i32
        %eq3A_226 = arith.constant 0 : i32
        %eq3A_227 = arith.cmpi eq, %jit3A_225, %eq3A_226 : i32
        %jit3A_228 = arith.constant 1 : i32
        %select_n3A_229 = arith.select %eq3A_227, %jit3A_228, %jit3A_225 : i32
        %rem3A_230 = arith.remsi %add3A_224, %select_n3A_229 : i32
        %ne3A_231 = arith.constant 0 : i32
        %ne3A_232 = arith.cmpi ne, %rem3A_230, %ne3A_231 : i32
        %lt3A_233 = arith.constant 0 : i32
        %lt3A_234 = arith.cmpi slt, %rem3A_230, %lt3A_233 : i32
        %lt3A_235 = arith.constant 0 : i32
        %lt3A_236 = arith.cmpi slt, %select_n3A_229, %lt3A_235 : i32
        %ne3A_237 = arith.xori %lt3A_234, %lt3A_236 : i1
        %and3A_238 = arith.andi %ne3A_237, %ne3A_232 : i1
        %add3A_239 = arith.addi %rem3A_230, %select_n3A_229 : i32
        %select_n3A_240 = arith.select %and3A_238, %add3A_239, %rem3A_230 : i32
        %dma_start3A_241 = arith.constant 0 : i32
        %dma_start3A_242 = arith.constant 0 : i32
        %dma_start3A_243 = tpu.memref_slice %arg8[%select_n3A_240, %dma_start3A_241, %dma_start3A_242] : memref<3x128x64xf32, #tpu.memory_space<vmem>> -> memref<1x128x64xf32, #tpu.memory_space<vmem>>
        %dma_start3A_244 = tpu.memref_squeeze %dma_start3A_243 : memref<1x128x64xf32, #tpu.memory_space<vmem>> -> memref<128x64xf32, #tpu.memory_space<vmem>>
        %dma_start3A_245 = arith.constant 0 : i32
        %dma_start3A_246 = tpu.memref_slice %arg6[%add3A_222, %dma_start3A_245] : memref<80x128xi32, #tpu.memory_space<vmem>> -> memref<1x128xi32, #tpu.memory_space<vmem>>
        %dma_start3A_247 = tpu.memref_squeeze %dma_start3A_246 : memref<1x128xi32, #tpu.memory_space<vmem>> -> memref<128xi32, #tpu.memory_space<vmem>>
        %dma_start3A_248 = arith.constant 0 : i32
        %dma_start3A_249 = arith.constant 0 : i32
        %dma_start3A_250 = tpu.memref_slice %arg10[%dma_start3A_248, %dma_start3A_249] : memref<10016x64xf32, #tpu.memory_space<vmem_shared>> -> memref<10016x64xf32, #tpu.memory_space<vmem_shared>>
        tpu.enqueue_indirect_dma source(%dma_start3A_250 : memref<10016x64xf32, #tpu.memory_space<vmem_shared>>) target(%dma_start3A_244 : memref<128x64xf32, #tpu.memory_space<vmem>>) offsets(%dma_start3A_247 : memref<128xi32, #tpu.memory_space<vmem>>) semaphore(%arg11 : memref<!tpu.dma_semaphore, #tpu.memory_space<semaphore_mem>>)
      } else {
      }
      "tpu.region"() ({
        %run_scoped3A = tpu.sem_alloc : memref<!tpu.dma_semaphore, #tpu.memory_space<semaphore_mem>>
        %dma_start3A_221 = arith.constant 0 : i32
        %dma_start3A_222 = arith.constant 0 : i32
        %dma_start3A_223 = tpu.memref_slice %arg8[%select_n3A_202, %dma_start3A_221, %dma_start3A_222] : memref<3x128x64xf32, #tpu.memory_space<vmem>> -> memref<1x128x64xf32, #tpu.memory_space<vmem>>
        %dma_start3A_224 = tpu.memref_squeeze %dma_start3A_223 : memref<1x128x64xf32, #tpu.memory_space<vmem>> -> memref<128x64xf32, #tpu.memory_space<vmem>>
        %dma_start3A_225 = arith.constant 0 : i32
        %dma_start3A_226 = tpu.memref_slice %arg7[%scan3A_190, %dma_start3A_225] : memref<80x128xi32, #tpu.memory_space<vmem>> -> memref<1x128xi32, #tpu.memory_space<vmem>>
        %dma_start3A_227 = tpu.memref_squeeze %dma_start3A_226 : memref<1x128xi32, #tpu.memory_space<vmem>> -> memref<128xi32, #tpu.memory_space<vmem>>
        %dma_start3A_228 = arith.constant 0 : i32
        %dma_start3A_229 = arith.constant 0 : i32
        %dma_start3A_230 = tpu.memref_slice %arg9[%dma_start3A_228, %dma_start3A_229] : memref<10016x64xf32, #tpu.memory_space<vmem_shared>> -> memref<10016x64xf32, #tpu.memory_space<vmem_shared>>
        tpu.enqueue_indirect_dma source(%dma_start3A_224 : memref<128x64xf32, #tpu.memory_space<vmem>>) target(%dma_start3A_230 : memref<10016x64xf32, #tpu.memory_space<vmem_shared>>) offsets(%dma_start3A_227 : memref<128xi32, #tpu.memory_space<vmem>>) semaphore(%run_scoped3A : memref<!tpu.dma_semaphore, #tpu.memory_space<semaphore_mem>>) {add = true}
        %dma_wait3A_231 = arith.constant 0 : i32
        %dma_wait3A_232 = arith.constant 0 : i32
        %dma_wait3A_233 = tpu.memref_slice %arg8[%select_n3A_202, %dma_wait3A_231, %dma_wait3A_232] : memref<3x128x64xf32, #tpu.memory_space<vmem>> -> memref<1x128x64xf32, #tpu.memory_space<vmem>>
        %dma_wait3A_234 = tpu.memref_squeeze %dma_wait3A_233 : memref<1x128x64xf32, #tpu.memory_space<vmem>> -> memref<128x64xf32, #tpu.memory_space<vmem>>
        %dma_wait3A_235 = arith.constant 0 : i32
        %dma_wait3A_236 = tpu.memref_slice %arg7[%scan3A_190, %dma_wait3A_235] : memref<80x128xi32, #tpu.memory_space<vmem>> -> memref<1x128xi32, #tpu.memory_space<vmem>>
        %dma_wait3A_237 = tpu.memref_squeeze %dma_wait3A_236 : memref<1x128xi32, #tpu.memory_space<vmem>> -> memref<128xi32, #tpu.memory_space<vmem>>
        %dma_wait3A_238 = arith.constant 0 : i32
        %dma_wait3A_239 = arith.constant 0 : i32
        %dma_wait3A_240 = tpu.memref_slice %arg9[%dma_wait3A_238, %dma_wait3A_239] : memref<10016x64xf32, #tpu.memory_space<vmem_shared>> -> memref<10016x64xf32, #tpu.memory_space<vmem_shared>>
        tpu.wait_indirect_dma semaphore(%run_scoped3A : memref<!tpu.dma_semaphore, #tpu.memory_space<semaphore_mem>>) src(%dma_wait3A_234 : memref<128x64xf32, #tpu.memory_space<vmem>>) dst(%dma_wait3A_240 : memref<10016x64xf32, #tpu.memory_space<vmem_shared>>)
        tpu.yield
      }) : () -> ()
      %scan3A_220 = arith.constant 0 : i32
      scf.yield %scan3A_220 : i32
    }
    %scan3A_188 = arith.constant 80 : i32
    %barrier3A_189 = arith.constant 0 : index
    tpu.barrier barrier_id(%barrier3A_189)
    "tpu.region"() ({
      %run_scoped3A = tpu.sem_alloc : memref<!tpu.dma_semaphore, #tpu.memory_space<semaphore_mem>>
      %dma_start3A_190 = arith.constant 0 : i32
      %dma_start3A_191 = tpu.memref_slice %arg5[%arg0, %mul3A_13, %dma_start3A_190] : memref<2x10016x64xf32, #tpu.memory_space<hbm>> -> memref<1x626x64xf32, #tpu.memory_space<hbm>>
      %dma_start3A_192 = tpu.memref_squeeze %dma_start3A_191 : memref<1x626x64xf32, #tpu.memory_space<hbm>> -> memref<626x64xf32, #tpu.memory_space<hbm>>
      %dma_start3A_193 = arith.constant 0 : i32
      %dma_start3A_194 = tpu.memref_slice %arg9[%mul3A_13, %dma_start3A_193] : memref<10016x64xf32, #tpu.memory_space<vmem_shared>> -> memref<626x64xf32, #tpu.memory_space<vmem_shared>>
      tpu.enqueue_dma source(%dma_start3A_194 : memref<626x64xf32, #tpu.memory_space<vmem_shared>>) target(%dma_start3A_192 : memref<626x64xf32, #tpu.memory_space<hbm>>) target_semaphore(%run_scoped3A : memref<!tpu.dma_semaphore, #tpu.memory_space<semaphore_mem>>)
      %dma_wait3A_195 = arith.constant 0 : i32
      %dma_wait3A_196 = tpu.memref_slice %arg5[%arg0, %mul3A_13, %dma_wait3A_195] : memref<2x10016x64xf32, #tpu.memory_space<hbm>> -> memref<1x626x64xf32, #tpu.memory_space<hbm>>
      %dma_wait3A_197 = tpu.memref_squeeze %dma_wait3A_196 : memref<1x626x64xf32, #tpu.memory_space<hbm>> -> memref<626x64xf32, #tpu.memory_space<hbm>>
      %dma_wait3A_198 = arith.constant 0 : i32
      %dma_wait3A_199 = tpu.memref_slice %arg9[%mul3A_13, %dma_wait3A_198] : memref<10016x64xf32, #tpu.memory_space<vmem_shared>> -> memref<626x64xf32, #tpu.memory_space<vmem_shared>>
      tpu.wait_dma2 semaphore(%run_scoped3A : memref<!tpu.dma_semaphore, #tpu.memory_space<semaphore_mem>>) src(%dma_wait3A_199 : memref<626x64xf32, #tpu.memory_space<vmem_shared>>) dst(%dma_wait3A_197 : memref<626x64xf32, #tpu.memory_space<hbm>>)
      tpu.yield
    }) : () -> ()
    return
  }
}

#map = affine_map<(d0, d1) -> (0, 0)>
#map1 = affine_map<(d0, d1) -> (0, 0, 0)>
module attributes {stable_mosaic.version = 14 : i64} {
  func.func @body(%arg0: i32, %arg1: i32, %arg2: memref<2560x128xi32, #tpu.memory_space<hbm>>, %arg3: memref<2x10016x8xf32, #tpu.memory_space<hbm>>, %arg4: memref<80x128xi32, #tpu.memory_space<vmem>>, %arg5: memref<128x16xf32, #tpu.memory_space<vmem>>, %arg6: memref<16x16xf32, #tpu.memory_space<vmem>>, %arg7: memref<10016x16xf32, #tpu.memory_space<vmem_shared>>, %arg8: memref<!tpu.dma_semaphore, #tpu.memory_space<semaphore_mem>>) attributes {dimension_semantics = [#tpu.dimension_semantics<core_parallel>, #tpu.dimension_semantics<subcore_parallel>], iteration_bounds = array<i64: 2, 16>, scalar_prefetch = 0 : i64, scratch_operands = 5 : i64, tpu.core_type = #tpu.core_type<sc_vector_subcore>, window_params = [{transform_indices = #map}, {transform_indices = #map1}]} {
    %mul3A = arith.constant 2 : i32
    %mul3A_0 = arith.muli %arg1, %mul3A : i32
    %add3A = arith.addi %mul3A_0, %arg0 : i32
    %mul3A_1 = arith.constant 80 : i32
    %mul3A_2 = arith.muli %add3A, %mul3A_1 : i32
    "tpu.region"() ({
      %run_scoped3A = tpu.sem_alloc : memref<!tpu.dma_semaphore, #tpu.memory_space<semaphore_mem>>
      %dma_start3A_441 = arith.constant 0 : i32
      %dma_start3A_442 = tpu.memref_slice %arg2[%mul3A_2, %dma_start3A_441] : memref<2560x128xi32, #tpu.memory_space<hbm>> -> memref<80x128xi32, #tpu.memory_space<hbm>>
      %dma_start3A_443 = arith.constant 0 : i32
      %dma_start3A_444 = tpu.memref_slice %arg2[%mul3A_2, %dma_start3A_443] : memref<2560x128xi32, #tpu.memory_space<hbm>> -> memref<80x128xi32, #tpu.memory_space<hbm>>
      tpu.enqueue_dma source(%dma_start3A_444 : memref<80x128xi32, #tpu.memory_space<hbm>>) target(%arg4 : memref<80x128xi32, #tpu.memory_space<vmem>>) target_semaphore(%run_scoped3A : memref<!tpu.dma_semaphore, #tpu.memory_space<semaphore_mem>>)
      %dma_wait3A_445 = arith.constant 0 : i32
      %dma_wait3A_446 = tpu.memref_slice %arg2[%mul3A_2, %dma_wait3A_445] : memref<2560x128xi32, #tpu.memory_space<hbm>> -> memref<80x128xi32, #tpu.memory_space<hbm>>
      %dma_wait3A_447 = arith.constant 0 : i32
      %dma_wait3A_448 = tpu.memref_slice %arg2[%mul3A_2, %dma_wait3A_447] : memref<2560x128xi32, #tpu.memory_space<hbm>> -> memref<80x128xi32, #tpu.memory_space<hbm>>
      tpu.wait_dma2 semaphore(%run_scoped3A : memref<!tpu.dma_semaphore, #tpu.memory_space<semaphore_mem>>) src(%dma_wait3A_448 : memref<80x128xi32, #tpu.memory_space<hbm>>) dst(%arg4 : memref<80x128xi32, #tpu.memory_space<vmem>>)
      tpu.yield
    }) : () -> ()
    %broadcast_in_dim3A = arith.constant 1.000000e+00 : f32
    %broadcast_in_dim3A_3 = vector.broadcast %broadcast_in_dim3A : f32 to vector<16xf32>
    %scan3A = arith.constant 0 : i32
    %scan3A_4 = arith.constant 0 : i32
    %scan3A_5 = arith.constant 128 : i32
    %scan3A_6 = arith.addi %scan3A_4, %scan3A_5 : i32
    %scan3A_7 = arith.constant 1 : i32
    %scan3A_8 = scf.for %scan3A_441 = %scan3A_4 to %scan3A_6 step %scan3A_7 iter_args(%scan3A_442 = %scan3A) -> (i32)  : i32 {
      %swap3A = arith.index_cast %scan3A_441 : i32 to index
      %swap3A_443 = arith.constant 0 : index
      %swap3A_444 = tpu.vector_load %arg5[%swap3A, %swap3A_443] {strides = array<i32>} : memref<128x16xf32, #tpu.memory_space<vmem>>, vector<1x16xf32>,
      %swap3A_445 = vector.shape_cast %swap3A_444 : vector<1x16xf32> to vector<16xf32>
      %swap3A_446 = vector.shape_cast %broadcast_in_dim3A_3 : vector<16xf32> to vector<1x16xf32>
      tpu.vector_store %arg5[%swap3A, %swap3A_443], %swap3A_446 {strides = array<i32>} : memref<128x16xf32, #tpu.memory_space<vmem>>, vector<1x16xf32>,
      %scan3A_447 = arith.constant 0 : i32
      scf.yield %scan3A_447 : i32
    }
    %scan3A_9 = arith.constant 128 : i32
    %broadcast_in_dim3A_10 = arith.constant 0.000000e+00 : f32
    %broadcast_in_dim3A_11 = vector.broadcast %broadcast_in_dim3A_10 : f32 to vector<16xf32>
    %scan3A_12 = arith.constant 0 : i32
    %scan3A_13 = arith.constant 0 : i32
    %scan3A_14 = arith.constant 16 : i32
    %scan3A_15 = arith.addi %scan3A_13, %scan3A_14 : i32
    %scan3A_16 = arith.constant 1 : i32
    %scan3A_17 = scf.for %scan3A_441 = %scan3A_13 to %scan3A_15 step %scan3A_16 iter_args(%scan3A_442 = %scan3A_12) -> (i32)  : i32 {
      %jit3A = arith.constant 1 : i32
      %div3A = arith.divsi %scan3A_441, %jit3A : i32
      %sign3A = arith.constant 0 : i32
      %sign3A_443 = arith.cmpi sgt, %scan3A_441, %sign3A : i32
      %sign3A_444 = arith.extui %sign3A_443 : i1 to i32
      %sign3A_445 = arith.constant 0 : i32
      %sign3A_446 = arith.cmpi slt, %scan3A_441, %sign3A_445 : i32
      %sign3A_447 = arith.extui %sign3A_446 : i1 to i32
      %sign3A_448 = arith.subi %sign3A_444, %sign3A_447 : i32
      %sign3A_449 = arith.constant 0 : i32
      %sign3A_450 = arith.cmpi sgt, %jit3A, %sign3A_449 : i32
      %sign3A_451 = arith.extui %sign3A_450 : i1 to i32
      %sign3A_452 = arith.constant 0 : i32
      %sign3A_453 = arith.cmpi slt, %jit3A, %sign3A_452 : i32
      %sign3A_454 = arith.extui %sign3A_453 : i1 to i32
      %sign3A_455 = arith.subi %sign3A_451, %sign3A_454 : i32
      %ne3A = arith.cmpi ne, %sign3A_448, %sign3A_455 : i32
      %rem3A = arith.remsi %scan3A_441, %jit3A : i32
      %ne3A_456 = arith.constant 0 : i32
      %ne3A_457 = arith.cmpi ne, %rem3A, %ne3A_456 : i32
      %and3A = arith.andi %ne3A, %ne3A_457 : i1
      %sub3A = arith.constant 1 : i32
      %sub3A_458 = arith.subi %div3A, %sub3A : i32
      %select_n3A = arith.select %and3A, %sub3A_458, %div3A : i32
      %jit3A_459 = arith.constant 1 : i32
      %eq3A = arith.constant 0 : i32
      %eq3A_460 = arith.cmpi eq, %jit3A_459, %eq3A : i32
      %jit3A_461 = arith.constant 1 : i32
      %select_n3A_462 = arith.select %eq3A_460, %jit3A_461, %jit3A_459 : i32
      %rem3A_463 = arith.remsi %scan3A_441, %select_n3A_462 : i32
      %ne3A_464 = arith.constant 0 : i32
      %ne3A_465 = arith.cmpi ne, %rem3A_463, %ne3A_464 : i32
      %lt3A = arith.constant 0 : i32
      %lt3A_466 = arith.cmpi slt, %rem3A_463, %lt3A : i32
      %lt3A_467 = arith.constant 0 : i32
      %lt3A_468 = arith.cmpi slt, %select_n3A_462, %lt3A_467 : i32
      %ne3A_469 = arith.xori %lt3A_466, %lt3A_468 : i1
      %and3A_470 = arith.andi %ne3A_469, %ne3A_465 : i1
      %add3A_471 = arith.addi %rem3A_463, %select_n3A_462 : i32
      %select_n3A_472 = arith.select %and3A_470, %add3A_471, %rem3A_463 : i32
      %mul3A_473 = arith.constant 16 : i32
      %mul3A_474 = arith.muli %select_n3A_472, %mul3A_473 : i32
      %swap3A = arith.index_cast %select_n3A : i32 to index
      %swap3A_475 = arith.index_cast %mul3A_474 : i32 to index
      %swap3A_476 = tpu.vector_load %arg6[%swap3A, %swap3A_475] {strides = array<i32>} : memref<16x16xf32, #tpu.memory_space<vmem>>, vector<1x16xf32>,
      %swap3A_477 = vector.shape_cast %swap3A_476 : vector<1x16xf32> to vector<16xf32>
      %swap3A_478 = vector.shape_cast %broadcast_in_dim3A_11 : vector<16xf32> to vector<1x16xf32>
      tpu.vector_store %arg6[%swap3A, %swap3A_475], %swap3A_478 {strides = array<i32>} : memref<16x16xf32, #tpu.memory_space<vmem>>, vector<1x16xf32>,
      %scan3A_479 = arith.constant 0 : i32
      scf.yield %scan3A_479 : i32
    }
    %scan3A_18 = arith.constant 16 : i32
    %mul3A_19 = arith.constant 626 : i32
    %mul3A_20 = arith.muli %arg1, %mul3A_19 : i32
    %add3A_21 = arith.constant 0 : i32
    %add3A_22 = arith.addi %mul3A_20, %add3A_21 : i32
    %dma_start3A = arith.constant 0 : i32
    %dma_start3A_23 = tpu.memref_slice %arg7[%add3A_22, %dma_start3A] : memref<10016x16xf32, #tpu.memory_space<vmem_shared>> -> memref<16x16xf32, #tpu.memory_space<vmem_shared>>
    %dma_start3A_24 = arith.constant 0 : i32
    %dma_start3A_25 = tpu.memref_slice %arg7[%add3A_22, %dma_start3A_24] : memref<10016x16xf32, #tpu.memory_space<vmem_shared>> -> memref<16x16xf32, #tpu.memory_space<vmem_shared>>
    tpu.enqueue_dma source(%arg6 : memref<16x16xf32, #tpu.memory_space<vmem>>) target(%dma_start3A_25 : memref<16x16xf32, #tpu.memory_space<vmem_shared>>) target_semaphore(%arg8 : memref<!tpu.dma_semaphore, #tpu.memory_space<semaphore_mem>>)
    %add3A_26 = arith.constant 16 : i32
    %add3A_27 = arith.addi %mul3A_20, %add3A_26 : i32
    %dma_start3A_28 = arith.constant 0 : i32
    %dma_start3A_29 = tpu.memref_slice %arg7[%add3A_27, %dma_start3A_28] : memref<10016x16xf32, #tpu.memory_space<vmem_shared>> -> memref<16x16xf32, #tpu.memory_space<vmem_shared>>
    %dma_start3A_30 = arith.constant 0 : i32
    %dma_start3A_31 = tpu.memref_slice %arg7[%add3A_27, %dma_start3A_30] : memref<10016x16xf32, #tpu.memory_space<vmem_shared>> -> memref<16x16xf32, #tpu.memory_space<vmem_shared>>
    tpu.enqueue_dma source(%arg6 : memref<16x16xf32, #tpu.memory_space<vmem>>) target(%dma_start3A_31 : memref<16x16xf32, #tpu.memory_space<vmem_shared>>) target_semaphore(%arg8 : memref<!tpu.dma_semaphore, #tpu.memory_space<semaphore_mem>>)
    %add3A_32 = arith.constant 32 : i32
    %add3A_33 = arith.addi %mul3A_20, %add3A_32 : i32
    %dma_start3A_34 = arith.constant 0 : i32
    %dma_start3A_35 = tpu.memref_slice %arg7[%add3A_33, %dma_start3A_34] : memref<10016x16xf32, #tpu.memory_space<vmem_shared>> -> memref<16x16xf32, #tpu.memory_space<vmem_shared>>
    %dma_start3A_36 = arith.constant 0 : i32
    %dma_start3A_37 = tpu.memref_slice %arg7[%add3A_33, %dma_start3A_36] : memref<10016x16xf32, #tpu.memory_space<vmem_shared>> -> memref<16x16xf32, #tpu.memory_space<vmem_shared>>
    tpu.enqueue_dma source(%arg6 : memref<16x16xf32, #tpu.memory_space<vmem>>) target(%dma_start3A_37 : memref<16x16xf32, #tpu.memory_space<vmem_shared>>) target_semaphore(%arg8 : memref<!tpu.dma_semaphore, #tpu.memory_space<semaphore_mem>>)
    %add3A_38 = arith.constant 48 : i32
    %add3A_39 = arith.addi %mul3A_20, %add3A_38 : i32
    %dma_start3A_40 = arith.constant 0 : i32
    %dma_start3A_41 = tpu.memref_slice %arg7[%add3A_39, %dma_start3A_40] : memref<10016x16xf32, #tpu.memory_space<vmem_shared>> -> memref<16x16xf32, #tpu.memory_space<vmem_shared>>
    %dma_start3A_42 = arith.constant 0 : i32
    %dma_start3A_43 = tpu.memref_slice %arg7[%add3A_39, %dma_start3A_42] : memref<10016x16xf32, #tpu.memory_space<vmem_shared>> -> memref<16x16xf32, #tpu.memory_space<vmem_shared>>
    tpu.enqueue_dma source(%arg6 : memref<16x16xf32, #tpu.memory_space<vmem>>) target(%dma_start3A_43 : memref<16x16xf32, #tpu.memory_space<vmem_shared>>) target_semaphore(%arg8 : memref<!tpu.dma_semaphore, #tpu.memory_space<semaphore_mem>>)
    %add3A_44 = arith.constant 64 : i32
    %add3A_45 = arith.addi %mul3A_20, %add3A_44 : i32
    %dma_start3A_46 = arith.constant 0 : i32
    %dma_start3A_47 = tpu.memref_slice %arg7[%add3A_45, %dma_start3A_46] : memref<10016x16xf32, #tpu.memory_space<vmem_shared>> -> memref<16x16xf32, #tpu.memory_space<vmem_shared>>
    %dma_start3A_48 = arith.constant 0 : i32
    %dma_start3A_49 = tpu.memref_slice %arg7[%add3A_45, %dma_start3A_48] : memref<10016x16xf32, #tpu.memory_space<vmem_shared>> -> memref<16x16xf32, #tpu.memory_space<vmem_shared>>
    tpu.enqueue_dma source(%arg6 : memref<16x16xf32, #tpu.memory_space<vmem>>) target(%dma_start3A_49 : memref<16x16xf32, #tpu.memory_space<vmem_shared>>) target_semaphore(%arg8 : memref<!tpu.dma_semaphore, #tpu.memory_space<semaphore_mem>>)
    %add3A_50 = arith.constant 80 : i32
    %add3A_51 = arith.addi %mul3A_20, %add3A_50 : i32
    %dma_start3A_52 = arith.constant 0 : i32
    %dma_start3A_53 = tpu.memref_slice %arg7[%add3A_51, %dma_start3A_52] : memref<10016x16xf32, #tpu.memory_space<vmem_shared>> -> memref<16x16xf32, #tpu.memory_space<vmem_shared>>
    %dma_start3A_54 = arith.constant 0 : i32
    %dma_start3A_55 = tpu.memref_slice %arg7[%add3A_51, %dma_start3A_54] : memref<10016x16xf32, #tpu.memory_space<vmem_shared>> -> memref<16x16xf32, #tpu.memory_space<vmem_shared>>
    tpu.enqueue_dma source(%arg6 : memref<16x16xf32, #tpu.memory_space<vmem>>) target(%dma_start3A_55 : memref<16x16xf32, #tpu.memory_space<vmem_shared>>) target_semaphore(%arg8 : memref<!tpu.dma_semaphore, #tpu.memory_space<semaphore_mem>>)
    %add3A_56 = arith.constant 96 : i32
    %add3A_57 = arith.addi %mul3A_20, %add3A_56 : i32
    %dma_start3A_58 = arith.constant 0 : i32
    %dma_start3A_59 = tpu.memref_slice %arg7[%add3A_57, %dma_start3A_58] : memref<10016x16xf32, #tpu.memory_space<vmem_shared>> -> memref<16x16xf32, #tpu.memory_space<vmem_shared>>
    %dma_start3A_60 = arith.constant 0 : i32
    %dma_start3A_61 = tpu.memref_slice %arg7[%add3A_57, %dma_start3A_60] : memref<10016x16xf32, #tpu.memory_space<vmem_shared>> -> memref<16x16xf32, #tpu.memory_space<vmem_shared>>
    tpu.enqueue_dma source(%arg6 : memref<16x16xf32, #tpu.memory_space<vmem>>) target(%dma_start3A_61 : memref<16x16xf32, #tpu.memory_space<vmem_shared>>) target_semaphore(%arg8 : memref<!tpu.dma_semaphore, #tpu.memory_space<semaphore_mem>>)
    %add3A_62 = arith.constant 112 : i32
    %add3A_63 = arith.addi %mul3A_20, %add3A_62 : i32
    %dma_start3A_64 = arith.constant 0 : i32
    %dma_start3A_65 = tpu.memref_slice %arg7[%add3A_63, %dma_start3A_64] : memref<10016x16xf32, #tpu.memory_space<vmem_shared>> -> memref<16x16xf32, #tpu.memory_space<vmem_shared>>
    %dma_start3A_66 = arith.constant 0 : i32
    %dma_start3A_67 = tpu.memref_slice %arg7[%add3A_63, %dma_start3A_66] : memref<10016x16xf32, #tpu.memory_space<vmem_shared>> -> memref<16x16xf32, #tpu.memory_space<vmem_shared>>
    tpu.enqueue_dma source(%arg6 : memref<16x16xf32, #tpu.memory_space<vmem>>) target(%dma_start3A_67 : memref<16x16xf32, #tpu.memory_space<vmem_shared>>) target_semaphore(%arg8 : memref<!tpu.dma_semaphore, #tpu.memory_space<semaphore_mem>>)
    %add3A_68 = arith.constant 128 : i32
    %add3A_69 = arith.addi %mul3A_20, %add3A_68 : i32
    %dma_start3A_70 = arith.constant 0 : i32
    %dma_start3A_71 = tpu.memref_slice %arg7[%add3A_69, %dma_start3A_70] : memref<10016x16xf32, #tpu.memory_space<vmem_shared>> -> memref<16x16xf32, #tpu.memory_space<vmem_shared>>
    %dma_start3A_72 = arith.constant 0 : i32
    %dma_start3A_73 = tpu.memref_slice %arg7[%add3A_69, %dma_start3A_72] : memref<10016x16xf32, #tpu.memory_space<vmem_shared>> -> memref<16x16xf32, #tpu.memory_space<vmem_shared>>
    tpu.enqueue_dma source(%arg6 : memref<16x16xf32, #tpu.memory_space<vmem>>) target(%dma_start3A_73 : memref<16x16xf32, #tpu.memory_space<vmem_shared>>) target_semaphore(%arg8 : memref<!tpu.dma_semaphore, #tpu.memory_space<semaphore_mem>>)
    %add3A_74 = arith.constant 144 : i32
    %add3A_75 = arith.addi %mul3A_20, %add3A_74 : i32
    %dma_start3A_76 = arith.constant 0 : i32
    %dma_start3A_77 = tpu.memref_slice %arg7[%add3A_75, %dma_start3A_76] : memref<10016x16xf32, #tpu.memory_space<vmem_shared>> -> memref<16x16xf32, #tpu.memory_space<vmem_shared>>
    %dma_start3A_78 = arith.constant 0 : i32
    %dma_start3A_79 = tpu.memref_slice %arg7[%add3A_75, %dma_start3A_78] : memref<10016x16xf32, #tpu.memory_space<vmem_shared>> -> memref<16x16xf32, #tpu.memory_space<vmem_shared>>
    tpu.enqueue_dma source(%arg6 : memref<16x16xf32, #tpu.memory_space<vmem>>) target(%dma_start3A_79 : memref<16x16xf32, #tpu.memory_space<vmem_shared>>) target_semaphore(%arg8 : memref<!tpu.dma_semaphore, #tpu.memory_space<semaphore_mem>>)
    %add3A_80 = arith.constant 160 : i32
    %add3A_81 = arith.addi %mul3A_20, %add3A_80 : i32
    %dma_start3A_82 = arith.constant 0 : i32
    %dma_start3A_83 = tpu.memref_slice %arg7[%add3A_81, %dma_start3A_82] : memref<10016x16xf32, #tpu.memory_space<vmem_shared>> -> memref<16x16xf32, #tpu.memory_space<vmem_shared>>
    %dma_start3A_84 = arith.constant 0 : i32
    %dma_start3A_85 = tpu.memref_slice %arg7[%add3A_81, %dma_start3A_84] : memref<10016x16xf32, #tpu.memory_space<vmem_shared>> -> memref<16x16xf32, #tpu.memory_space<vmem_shared>>
    tpu.enqueue_dma source(%arg6 : memref<16x16xf32, #tpu.memory_space<vmem>>) target(%dma_start3A_85 : memref<16x16xf32, #tpu.memory_space<vmem_shared>>) target_semaphore(%arg8 : memref<!tpu.dma_semaphore, #tpu.memory_space<semaphore_mem>>)
    %add3A_86 = arith.constant 176 : i32
    %add3A_87 = arith.addi %mul3A_20, %add3A_86 : i32
    %dma_start3A_88 = arith.constant 0 : i32
    %dma_start3A_89 = tpu.memref_slice %arg7[%add3A_87, %dma_start3A_88] : memref<10016x16xf32, #tpu.memory_space<vmem_shared>> -> memref<16x16xf32, #tpu.memory_space<vmem_shared>>
    %dma_start3A_90 = arith.constant 0 : i32
    %dma_start3A_91 = tpu.memref_slice %arg7[%add3A_87, %dma_start3A_90] : memref<10016x16xf32, #tpu.memory_space<vmem_shared>> -> memref<16x16xf32, #tpu.memory_space<vmem_shared>>
    tpu.enqueue_dma source(%arg6 : memref<16x16xf32, #tpu.memory_space<vmem>>) target(%dma_start3A_91 : memref<16x16xf32, #tpu.memory_space<vmem_shared>>) target_semaphore(%arg8 : memref<!tpu.dma_semaphore, #tpu.memory_space<semaphore_mem>>)
    %add3A_92 = arith.constant 192 : i32
    %add3A_93 = arith.addi %mul3A_20, %add3A_92 : i32
    %dma_start3A_94 = arith.constant 0 : i32
    %dma_start3A_95 = tpu.memref_slice %arg7[%add3A_93, %dma_start3A_94] : memref<10016x16xf32, #tpu.memory_space<vmem_shared>> -> memref<16x16xf32, #tpu.memory_space<vmem_shared>>
    %dma_start3A_96 = arith.constant 0 : i32
    %dma_start3A_97 = tpu.memref_slice %arg7[%add3A_93, %dma_start3A_96] : memref<10016x16xf32, #tpu.memory_space<vmem_shared>> -> memref<16x16xf32, #tpu.memory_space<vmem_shared>>
    tpu.enqueue_dma source(%arg6 : memref<16x16xf32, #tpu.memory_space<vmem>>) target(%dma_start3A_97 : memref<16x16xf32, #tpu.memory_space<vmem_shared>>) target_semaphore(%arg8 : memref<!tpu.dma_semaphore, #tpu.memory_space<semaphore_mem>>)
    %add3A_98 = arith.constant 208 : i32
    %add3A_99 = arith.addi %mul3A_20, %add3A_98 : i32
    %dma_start3A_100 = arith.constant 0 : i32
    %dma_start3A_101 = tpu.memref_slice %arg7[%add3A_99, %dma_start3A_100] : memref<10016x16xf32, #tpu.memory_space<vmem_shared>> -> memref<16x16xf32, #tpu.memory_space<vmem_shared>>
    %dma_start3A_102 = arith.constant 0 : i32
    %dma_start3A_103 = tpu.memref_slice %arg7[%add3A_99, %dma_start3A_102] : memref<10016x16xf32, #tpu.memory_space<vmem_shared>> -> memref<16x16xf32, #tpu.memory_space<vmem_shared>>
    tpu.enqueue_dma source(%arg6 : memref<16x16xf32, #tpu.memory_space<vmem>>) target(%dma_start3A_103 : memref<16x16xf32, #tpu.memory_space<vmem_shared>>) target_semaphore(%arg8 : memref<!tpu.dma_semaphore, #tpu.memory_space<semaphore_mem>>)
    %add3A_104 = arith.constant 224 : i32
    %add3A_105 = arith.addi %mul3A_20, %add3A_104 : i32
    %dma_start3A_106 = arith.constant 0 : i32
    %dma_start3A_107 = tpu.memref_slice %arg7[%add3A_105, %dma_start3A_106] : memref<10016x16xf32, #tpu.memory_space<vmem_shared>> -> memref<16x16xf32, #tpu.memory_space<vmem_shared>>
    %dma_start3A_108 = arith.constant 0 : i32
    %dma_start3A_109 = tpu.memref_slice %arg7[%add3A_105, %dma_start3A_108] : memref<10016x16xf32, #tpu.memory_space<vmem_shared>> -> memref<16x16xf32, #tpu.memory_space<vmem_shared>>
    tpu.enqueue_dma source(%arg6 : memref<16x16xf32, #tpu.memory_space<vmem>>) target(%dma_start3A_109 : memref<16x16xf32, #tpu.memory_space<vmem_shared>>) target_semaphore(%arg8 : memref<!tpu.dma_semaphore, #tpu.memory_space<semaphore_mem>>)
    %add3A_110 = arith.constant 240 : i32
    %add3A_111 = arith.addi %mul3A_20, %add3A_110 : i32
    %dma_start3A_112 = arith.constant 0 : i32
    %dma_start3A_113 = tpu.memref_slice %arg7[%add3A_111, %dma_start3A_112] : memref<10016x16xf32, #tpu.memory_space<vmem_shared>> -> memref<16x16xf32, #tpu.memory_space<vmem_shared>>
    %dma_start3A_114 = arith.constant 0 : i32
    %dma_start3A_115 = tpu.memref_slice %arg7[%add3A_111, %dma_start3A_114] : memref<10016x16xf32, #tpu.memory_space<vmem_shared>> -> memref<16x16xf32, #tpu.memory_space<vmem_shared>>
    tpu.enqueue_dma source(%arg6 : memref<16x16xf32, #tpu.memory_space<vmem>>) target(%dma_start3A_115 : memref<16x16xf32, #tpu.memory_space<vmem_shared>>) target_semaphore(%arg8 : memref<!tpu.dma_semaphore, #tpu.memory_space<semaphore_mem>>)
    %add3A_116 = arith.constant 256 : i32
    %add3A_117 = arith.addi %mul3A_20, %add3A_116 : i32
    %dma_start3A_118 = arith.constant 0 : i32
    %dma_start3A_119 = tpu.memref_slice %arg7[%add3A_117, %dma_start3A_118] : memref<10016x16xf32, #tpu.memory_space<vmem_shared>> -> memref<16x16xf32, #tpu.memory_space<vmem_shared>>
    %dma_start3A_120 = arith.constant 0 : i32
    %dma_start3A_121 = tpu.memref_slice %arg7[%add3A_117, %dma_start3A_120] : memref<10016x16xf32, #tpu.memory_space<vmem_shared>> -> memref<16x16xf32, #tpu.memory_space<vmem_shared>>
    tpu.enqueue_dma source(%arg6 : memref<16x16xf32, #tpu.memory_space<vmem>>) target(%dma_start3A_121 : memref<16x16xf32, #tpu.memory_space<vmem_shared>>) target_semaphore(%arg8 : memref<!tpu.dma_semaphore, #tpu.memory_space<semaphore_mem>>)
    %add3A_122 = arith.constant 272 : i32
    %add3A_123 = arith.addi %mul3A_20, %add3A_122 : i32
    %dma_start3A_124 = arith.constant 0 : i32
    %dma_start3A_125 = tpu.memref_slice %arg7[%add3A_123, %dma_start3A_124] : memref<10016x16xf32, #tpu.memory_space<vmem_shared>> -> memref<16x16xf32, #tpu.memory_space<vmem_shared>>
    %dma_start3A_126 = arith.constant 0 : i32
    %dma_start3A_127 = tpu.memref_slice %arg7[%add3A_123, %dma_start3A_126] : memref<10016x16xf32, #tpu.memory_space<vmem_shared>> -> memref<16x16xf32, #tpu.memory_space<vmem_shared>>
    tpu.enqueue_dma source(%arg6 : memref<16x16xf32, #tpu.memory_space<vmem>>) target(%dma_start3A_127 : memref<16x16xf32, #tpu.memory_space<vmem_shared>>) target_semaphore(%arg8 : memref<!tpu.dma_semaphore, #tpu.memory_space<semaphore_mem>>)
    %add3A_128 = arith.constant 288 : i32
    %add3A_129 = arith.addi %mul3A_20, %add3A_128 : i32
    %dma_start3A_130 = arith.constant 0 : i32
    %dma_start3A_131 = tpu.memref_slice %arg7[%add3A_129, %dma_start3A_130] : memref<10016x16xf32, #tpu.memory_space<vmem_shared>> -> memref<16x16xf32, #tpu.memory_space<vmem_shared>>
    %dma_start3A_132 = arith.constant 0 : i32
    %dma_start3A_133 = tpu.memref_slice %arg7[%add3A_129, %dma_start3A_132] : memref<10016x16xf32, #tpu.memory_space<vmem_shared>> -> memref<16x16xf32, #tpu.memory_space<vmem_shared>>
    tpu.enqueue_dma source(%arg6 : memref<16x16xf32, #tpu.memory_space<vmem>>) target(%dma_start3A_133 : memref<16x16xf32, #tpu.memory_space<vmem_shared>>) target_semaphore(%arg8 : memref<!tpu.dma_semaphore, #tpu.memory_space<semaphore_mem>>)
    %add3A_134 = arith.constant 304 : i32
    %add3A_135 = arith.addi %mul3A_20, %add3A_134 : i32
    %dma_start3A_136 = arith.constant 0 : i32
    %dma_start3A_137 = tpu.memref_slice %arg7[%add3A_135, %dma_start3A_136] : memref<10016x16xf32, #tpu.memory_space<vmem_shared>> -> memref<16x16xf32, #tpu.memory_space<vmem_shared>>
    %dma_start3A_138 = arith.constant 0 : i32
    %dma_start3A_139 = tpu.memref_slice %arg7[%add3A_135, %dma_start3A_138] : memref<10016x16xf32, #tpu.memory_space<vmem_shared>> -> memref<16x16xf32, #tpu.memory_space<vmem_shared>>
    tpu.enqueue_dma source(%arg6 : memref<16x16xf32, #tpu.memory_space<vmem>>) target(%dma_start3A_139 : memref<16x16xf32, #tpu.memory_space<vmem_shared>>) target_semaphore(%arg8 : memref<!tpu.dma_semaphore, #tpu.memory_space<semaphore_mem>>)
    %add3A_140 = arith.constant 320 : i32
    %add3A_141 = arith.addi %mul3A_20, %add3A_140 : i32
    %dma_start3A_142 = arith.constant 0 : i32
    %dma_start3A_143 = tpu.memref_slice %arg7[%add3A_141, %dma_start3A_142] : memref<10016x16xf32, #tpu.memory_space<vmem_shared>> -> memref<16x16xf32, #tpu.memory_space<vmem_shared>>
    %dma_start3A_144 = arith.constant 0 : i32
    %dma_start3A_145 = tpu.memref_slice %arg7[%add3A_141, %dma_start3A_144] : memref<10016x16xf32, #tpu.memory_space<vmem_shared>> -> memref<16x16xf32, #tpu.memory_space<vmem_shared>>
    tpu.enqueue_dma source(%arg6 : memref<16x16xf32, #tpu.memory_space<vmem>>) target(%dma_start3A_145 : memref<16x16xf32, #tpu.memory_space<vmem_shared>>) target_semaphore(%arg8 : memref<!tpu.dma_semaphore, #tpu.memory_space<semaphore_mem>>)
    %add3A_146 = arith.constant 336 : i32
    %add3A_147 = arith.addi %mul3A_20, %add3A_146 : i32
    %dma_start3A_148 = arith.constant 0 : i32
    %dma_start3A_149 = tpu.memref_slice %arg7[%add3A_147, %dma_start3A_148] : memref<10016x16xf32, #tpu.memory_space<vmem_shared>> -> memref<16x16xf32, #tpu.memory_space<vmem_shared>>
    %dma_start3A_150 = arith.constant 0 : i32
    %dma_start3A_151 = tpu.memref_slice %arg7[%add3A_147, %dma_start3A_150] : memref<10016x16xf32, #tpu.memory_space<vmem_shared>> -> memref<16x16xf32, #tpu.memory_space<vmem_shared>>
    tpu.enqueue_dma source(%arg6 : memref<16x16xf32, #tpu.memory_space<vmem>>) target(%dma_start3A_151 : memref<16x16xf32, #tpu.memory_space<vmem_shared>>) target_semaphore(%arg8 : memref<!tpu.dma_semaphore, #tpu.memory_space<semaphore_mem>>)
    %add3A_152 = arith.constant 352 : i32
    %add3A_153 = arith.addi %mul3A_20, %add3A_152 : i32
    %dma_start3A_154 = arith.constant 0 : i32
    %dma_start3A_155 = tpu.memref_slice %arg7[%add3A_153, %dma_start3A_154] : memref<10016x16xf32, #tpu.memory_space<vmem_shared>> -> memref<16x16xf32, #tpu.memory_space<vmem_shared>>
    %dma_start3A_156 = arith.constant 0 : i32
    %dma_start3A_157 = tpu.memref_slice %arg7[%add3A_153, %dma_start3A_156] : memref<10016x16xf32, #tpu.memory_space<vmem_shared>> -> memref<16x16xf32, #tpu.memory_space<vmem_shared>>
    tpu.enqueue_dma source(%arg6 : memref<16x16xf32, #tpu.memory_space<vmem>>) target(%dma_start3A_157 : memref<16x16xf32, #tpu.memory_space<vmem_shared>>) target_semaphore(%arg8 : memref<!tpu.dma_semaphore, #tpu.memory_space<semaphore_mem>>)
    %add3A_158 = arith.constant 368 : i32
    %add3A_159 = arith.addi %mul3A_20, %add3A_158 : i32
    %dma_start3A_160 = arith.constant 0 : i32
    %dma_start3A_161 = tpu.memref_slice %arg7[%add3A_159, %dma_start3A_160] : memref<10016x16xf32, #tpu.memory_space<vmem_shared>> -> memref<16x16xf32, #tpu.memory_space<vmem_shared>>
    %dma_start3A_162 = arith.constant 0 : i32
    %dma_start3A_163 = tpu.memref_slice %arg7[%add3A_159, %dma_start3A_162] : memref<10016x16xf32, #tpu.memory_space<vmem_shared>> -> memref<16x16xf32, #tpu.memory_space<vmem_shared>>
    tpu.enqueue_dma source(%arg6 : memref<16x16xf32, #tpu.memory_space<vmem>>) target(%dma_start3A_163 : memref<16x16xf32, #tpu.memory_space<vmem_shared>>) target_semaphore(%arg8 : memref<!tpu.dma_semaphore, #tpu.memory_space<semaphore_mem>>)
    %add3A_164 = arith.constant 384 : i32
    %add3A_165 = arith.addi %mul3A_20, %add3A_164 : i32
    %dma_start3A_166 = arith.constant 0 : i32
    %dma_start3A_167 = tpu.memref_slice %arg7[%add3A_165, %dma_start3A_166] : memref<10016x16xf32, #tpu.memory_space<vmem_shared>> -> memref<16x16xf32, #tpu.memory_space<vmem_shared>>
    %dma_start3A_168 = arith.constant 0 : i32
    %dma_start3A_169 = tpu.memref_slice %arg7[%add3A_165, %dma_start3A_168] : memref<10016x16xf32, #tpu.memory_space<vmem_shared>> -> memref<16x16xf32, #tpu.memory_space<vmem_shared>>
    tpu.enqueue_dma source(%arg6 : memref<16x16xf32, #tpu.memory_space<vmem>>) target(%dma_start3A_169 : memref<16x16xf32, #tpu.memory_space<vmem_shared>>) target_semaphore(%arg8 : memref<!tpu.dma_semaphore, #tpu.memory_space<semaphore_mem>>)
    %add3A_170 = arith.constant 400 : i32
    %add3A_171 = arith.addi %mul3A_20, %add3A_170 : i32
    %dma_start3A_172 = arith.constant 0 : i32
    %dma_start3A_173 = tpu.memref_slice %arg7[%add3A_171, %dma_start3A_172] : memref<10016x16xf32, #tpu.memory_space<vmem_shared>> -> memref<16x16xf32, #tpu.memory_space<vmem_shared>>
    %dma_start3A_174 = arith.constant 0 : i32
    %dma_start3A_175 = tpu.memref_slice %arg7[%add3A_171, %dma_start3A_174] : memref<10016x16xf32, #tpu.memory_space<vmem_shared>> -> memref<16x16xf32, #tpu.memory_space<vmem_shared>>
    tpu.enqueue_dma source(%arg6 : memref<16x16xf32, #tpu.memory_space<vmem>>) target(%dma_start3A_175 : memref<16x16xf32, #tpu.memory_space<vmem_shared>>) target_semaphore(%arg8 : memref<!tpu.dma_semaphore, #tpu.memory_space<semaphore_mem>>)
    %add3A_176 = arith.constant 416 : i32
    %add3A_177 = arith.addi %mul3A_20, %add3A_176 : i32
    %dma_start3A_178 = arith.constant 0 : i32
    %dma_start3A_179 = tpu.memref_slice %arg7[%add3A_177, %dma_start3A_178] : memref<10016x16xf32, #tpu.memory_space<vmem_shared>> -> memref<16x16xf32, #tpu.memory_space<vmem_shared>>
    %dma_start3A_180 = arith.constant 0 : i32
    %dma_start3A_181 = tpu.memref_slice %arg7[%add3A_177, %dma_start3A_180] : memref<10016x16xf32, #tpu.memory_space<vmem_shared>> -> memref<16x16xf32, #tpu.memory_space<vmem_shared>>
    tpu.enqueue_dma source(%arg6 : memref<16x16xf32, #tpu.memory_space<vmem>>) target(%dma_start3A_181 : memref<16x16xf32, #tpu.memory_space<vmem_shared>>) target_semaphore(%arg8 : memref<!tpu.dma_semaphore, #tpu.memory_space<semaphore_mem>>)
    %add3A_182 = arith.constant 432 : i32
    %add3A_183 = arith.addi %mul3A_20, %add3A_182 : i32
    %dma_start3A_184 = arith.constant 0 : i32
    %dma_start3A_185 = tpu.memref_slice %arg7[%add3A_183, %dma_start3A_184] : memref<10016x16xf32, #tpu.memory_space<vmem_shared>> -> memref<16x16xf32, #tpu.memory_space<vmem_shared>>
    %dma_start3A_186 = arith.constant 0 : i32
    %dma_start3A_187 = tpu.memref_slice %arg7[%add3A_183, %dma_start3A_186] : memref<10016x16xf32, #tpu.memory_space<vmem_shared>> -> memref<16x16xf32, #tpu.memory_space<vmem_shared>>
    tpu.enqueue_dma source(%arg6 : memref<16x16xf32, #tpu.memory_space<vmem>>) target(%dma_start3A_187 : memref<16x16xf32, #tpu.memory_space<vmem_shared>>) target_semaphore(%arg8 : memref<!tpu.dma_semaphore, #tpu.memory_space<semaphore_mem>>)
    %add3A_188 = arith.constant 448 : i32
    %add3A_189 = arith.addi %mul3A_20, %add3A_188 : i32
    %dma_start3A_190 = arith.constant 0 : i32
    %dma_start3A_191 = tpu.memref_slice %arg7[%add3A_189, %dma_start3A_190] : memref<10016x16xf32, #tpu.memory_space<vmem_shared>> -> memref<16x16xf32, #tpu.memory_space<vmem_shared>>
    %dma_start3A_192 = arith.constant 0 : i32
    %dma_start3A_193 = tpu.memref_slice %arg7[%add3A_189, %dma_start3A_192] : memref<10016x16xf32, #tpu.memory_space<vmem_shared>> -> memref<16x16xf32, #tpu.memory_space<vmem_shared>>
    tpu.enqueue_dma source(%arg6 : memref<16x16xf32, #tpu.memory_space<vmem>>) target(%dma_start3A_193 : memref<16x16xf32, #tpu.memory_space<vmem_shared>>) target_semaphore(%arg8 : memref<!tpu.dma_semaphore, #tpu.memory_space<semaphore_mem>>)
    %add3A_194 = arith.constant 464 : i32
    %add3A_195 = arith.addi %mul3A_20, %add3A_194 : i32
    %dma_start3A_196 = arith.constant 0 : i32
    %dma_start3A_197 = tpu.memref_slice %arg7[%add3A_195, %dma_start3A_196] : memref<10016x16xf32, #tpu.memory_space<vmem_shared>> -> memref<16x16xf32, #tpu.memory_space<vmem_shared>>
    %dma_start3A_198 = arith.constant 0 : i32
    %dma_start3A_199 = tpu.memref_slice %arg7[%add3A_195, %dma_start3A_198] : memref<10016x16xf32, #tpu.memory_space<vmem_shared>> -> memref<16x16xf32, #tpu.memory_space<vmem_shared>>
    tpu.enqueue_dma source(%arg6 : memref<16x16xf32, #tpu.memory_space<vmem>>) target(%dma_start3A_199 : memref<16x16xf32, #tpu.memory_space<vmem_shared>>) target_semaphore(%arg8 : memref<!tpu.dma_semaphore, #tpu.memory_space<semaphore_mem>>)
    %add3A_200 = arith.constant 480 : i32
    %add3A_201 = arith.addi %mul3A_20, %add3A_200 : i32
    %dma_start3A_202 = arith.constant 0 : i32
    %dma_start3A_203 = tpu.memref_slice %arg7[%add3A_201, %dma_start3A_202] : memref<10016x16xf32, #tpu.memory_space<vmem_shared>> -> memref<16x16xf32, #tpu.memory_space<vmem_shared>>
    %dma_start3A_204 = arith.constant 0 : i32
    %dma_start3A_205 = tpu.memref_slice %arg7[%add3A_201, %dma_start3A_204] : memref<10016x16xf32, #tpu.memory_space<vmem_shared>> -> memref<16x16xf32, #tpu.memory_space<vmem_shared>>
    tpu.enqueue_dma source(%arg6 : memref<16x16xf32, #tpu.memory_space<vmem>>) target(%dma_start3A_205 : memref<16x16xf32, #tpu.memory_space<vmem_shared>>) target_semaphore(%arg8 : memref<!tpu.dma_semaphore, #tpu.memory_space<semaphore_mem>>)
    %add3A_206 = arith.constant 496 : i32
    %add3A_207 = arith.addi %mul3A_20, %add3A_206 : i32
    %dma_start3A_208 = arith.constant 0 : i32
    %dma_start3A_209 = tpu.memref_slice %arg7[%add3A_207, %dma_start3A_208] : memref<10016x16xf32, #tpu.memory_space<vmem_shared>> -> memref<16x16xf32, #tpu.memory_space<vmem_shared>>
    %dma_start3A_210 = arith.constant 0 : i32
    %dma_start3A_211 = tpu.memref_slice %arg7[%add3A_207, %dma_start3A_210] : memref<10016x16xf32, #tpu.memory_space<vmem_shared>> -> memref<16x16xf32, #tpu.memory_space<vmem_shared>>
    tpu.enqueue_dma source(%arg6 : memref<16x16xf32, #tpu.memory_space<vmem>>) target(%dma_start3A_211 : memref<16x16xf32, #tpu.memory_space<vmem_shared>>) target_semaphore(%arg8 : memref<!tpu.dma_semaphore, #tpu.memory_space<semaphore_mem>>)
    %add3A_212 = arith.constant 512 : i32
    %add3A_213 = arith.addi %mul3A_20, %add3A_212 : i32
    %dma_start3A_214 = arith.constant 0 : i32
    %dma_start3A_215 = tpu.memref_slice %arg7[%add3A_213, %dma_start3A_214] : memref<10016x16xf32, #tpu.memory_space<vmem_shared>> -> memref<16x16xf32, #tpu.memory_space<vmem_shared>>
    %dma_start3A_216 = arith.constant 0 : i32
    %dma_start3A_217 = tpu.memref_slice %arg7[%add3A_213, %dma_start3A_216] : memref<10016x16xf32, #tpu.memory_space<vmem_shared>> -> memref<16x16xf32, #tpu.memory_space<vmem_shared>>
    tpu.enqueue_dma source(%arg6 : memref<16x16xf32, #tpu.memory_space<vmem>>) target(%dma_start3A_217 : memref<16x16xf32, #tpu.memory_space<vmem_shared>>) target_semaphore(%arg8 : memref<!tpu.dma_semaphore, #tpu.memory_space<semaphore_mem>>)
    %add3A_218 = arith.constant 528 : i32
    %add3A_219 = arith.addi %mul3A_20, %add3A_218 : i32
    %dma_start3A_220 = arith.constant 0 : i32
    %dma_start3A_221 = tpu.memref_slice %arg7[%add3A_219, %dma_start3A_220] : memref<10016x16xf32, #tpu.memory_space<vmem_shared>> -> memref<16x16xf32, #tpu.memory_space<vmem_shared>>
    %dma_start3A_222 = arith.constant 0 : i32
    %dma_start3A_223 = tpu.memref_slice %arg7[%add3A_219, %dma_start3A_222] : memref<10016x16xf32, #tpu.memory_space<vmem_shared>> -> memref<16x16xf32, #tpu.memory_space<vmem_shared>>
    tpu.enqueue_dma source(%arg6 : memref<16x16xf32, #tpu.memory_space<vmem>>) target(%dma_start3A_223 : memref<16x16xf32, #tpu.memory_space<vmem_shared>>) target_semaphore(%arg8 : memref<!tpu.dma_semaphore, #tpu.memory_space<semaphore_mem>>)
    %add3A_224 = arith.constant 544 : i32
    %add3A_225 = arith.addi %mul3A_20, %add3A_224 : i32
    %dma_start3A_226 = arith.constant 0 : i32
    %dma_start3A_227 = tpu.memref_slice %arg7[%add3A_225, %dma_start3A_226] : memref<10016x16xf32, #tpu.memory_space<vmem_shared>> -> memref<16x16xf32, #tpu.memory_space<vmem_shared>>
    %dma_start3A_228 = arith.constant 0 : i32
    %dma_start3A_229 = tpu.memref_slice %arg7[%add3A_225, %dma_start3A_228] : memref<10016x16xf32, #tpu.memory_space<vmem_shared>> -> memref<16x16xf32, #tpu.memory_space<vmem_shared>>
    tpu.enqueue_dma source(%arg6 : memref<16x16xf32, #tpu.memory_space<vmem>>) target(%dma_start3A_229 : memref<16x16xf32, #tpu.memory_space<vmem_shared>>) target_semaphore(%arg8 : memref<!tpu.dma_semaphore, #tpu.memory_space<semaphore_mem>>)
    %add3A_230 = arith.constant 560 : i32
    %add3A_231 = arith.addi %mul3A_20, %add3A_230 : i32
    %dma_start3A_232 = arith.constant 0 : i32
    %dma_start3A_233 = tpu.memref_slice %arg7[%add3A_231, %dma_start3A_232] : memref<10016x16xf32, #tpu.memory_space<vmem_shared>> -> memref<16x16xf32, #tpu.memory_space<vmem_shared>>
    %dma_start3A_234 = arith.constant 0 : i32
    %dma_start3A_235 = tpu.memref_slice %arg7[%add3A_231, %dma_start3A_234] : memref<10016x16xf32, #tpu.memory_space<vmem_shared>> -> memref<16x16xf32, #tpu.memory_space<vmem_shared>>
    tpu.enqueue_dma source(%arg6 : memref<16x16xf32, #tpu.memory_space<vmem>>) target(%dma_start3A_235 : memref<16x16xf32, #tpu.memory_space<vmem_shared>>) target_semaphore(%arg8 : memref<!tpu.dma_semaphore, #tpu.memory_space<semaphore_mem>>)
    %add3A_236 = arith.constant 576 : i32
    %add3A_237 = arith.addi %mul3A_20, %add3A_236 : i32
    %dma_start3A_238 = arith.constant 0 : i32
    %dma_start3A_239 = tpu.memref_slice %arg7[%add3A_237, %dma_start3A_238] : memref<10016x16xf32, #tpu.memory_space<vmem_shared>> -> memref<16x16xf32, #tpu.memory_space<vmem_shared>>
    %dma_start3A_240 = arith.constant 0 : i32
    %dma_start3A_241 = tpu.memref_slice %arg7[%add3A_237, %dma_start3A_240] : memref<10016x16xf32, #tpu.memory_space<vmem_shared>> -> memref<16x16xf32, #tpu.memory_space<vmem_shared>>
    tpu.enqueue_dma source(%arg6 : memref<16x16xf32, #tpu.memory_space<vmem>>) target(%dma_start3A_241 : memref<16x16xf32, #tpu.memory_space<vmem_shared>>) target_semaphore(%arg8 : memref<!tpu.dma_semaphore, #tpu.memory_space<semaphore_mem>>)
    %add3A_242 = arith.constant 592 : i32
    %add3A_243 = arith.addi %mul3A_20, %add3A_242 : i32
    %dma_start3A_244 = arith.constant 0 : i32
    %dma_start3A_245 = tpu.memref_slice %arg7[%add3A_243, %dma_start3A_244] : memref<10016x16xf32, #tpu.memory_space<vmem_shared>> -> memref<16x16xf32, #tpu.memory_space<vmem_shared>>
    %dma_start3A_246 = arith.constant 0 : i32
    %dma_start3A_247 = tpu.memref_slice %arg7[%add3A_243, %dma_start3A_246] : memref<10016x16xf32, #tpu.memory_space<vmem_shared>> -> memref<16x16xf32, #tpu.memory_space<vmem_shared>>
    tpu.enqueue_dma source(%arg6 : memref<16x16xf32, #tpu.memory_space<vmem>>) target(%dma_start3A_247 : memref<16x16xf32, #tpu.memory_space<vmem_shared>>) target_semaphore(%arg8 : memref<!tpu.dma_semaphore, #tpu.memory_space<semaphore_mem>>)
    %add3A_248 = arith.constant 608 : i32
    %add3A_249 = arith.addi %mul3A_20, %add3A_248 : i32
    %dma_start3A_250 = arith.constant 0 : i32
    %dma_start3A_251 = tpu.memref_slice %arg7[%add3A_249, %dma_start3A_250] : memref<10016x16xf32, #tpu.memory_space<vmem_shared>> -> memref<16x16xf32, #tpu.memory_space<vmem_shared>>
    %dma_start3A_252 = arith.constant 0 : i32
    %dma_start3A_253 = tpu.memref_slice %arg7[%add3A_249, %dma_start3A_252] : memref<10016x16xf32, #tpu.memory_space<vmem_shared>> -> memref<16x16xf32, #tpu.memory_space<vmem_shared>>
    tpu.enqueue_dma source(%arg6 : memref<16x16xf32, #tpu.memory_space<vmem>>) target(%dma_start3A_253 : memref<16x16xf32, #tpu.memory_space<vmem_shared>>) target_semaphore(%arg8 : memref<!tpu.dma_semaphore, #tpu.memory_space<semaphore_mem>>)
    %add3A_254 = arith.constant 624 : i32
    %add3A_255 = arith.addi %mul3A_20, %add3A_254 : i32
    %dma_start3A_256 = arith.constant 0 : i32
    %dma_start3A_257 = arith.constant 0 : i32
    %dma_start3A_258 = tpu.memref_slice %arg6[%dma_start3A_256, %dma_start3A_257] : memref<16x16xf32, #tpu.memory_space<vmem>> -> memref<2x16xf32, #tpu.memory_space<vmem>>
    %dma_start3A_259 = arith.constant 0 : i32
    %dma_start3A_260 = tpu.memref_slice %arg7[%add3A_255, %dma_start3A_259] : memref<10016x16xf32, #tpu.memory_space<vmem_shared>> -> memref<2x16xf32, #tpu.memory_space<vmem_shared>>
    %dma_start3A_261 = arith.constant 0 : i32
    %dma_start3A_262 = tpu.memref_slice %arg7[%add3A_255, %dma_start3A_261] : memref<10016x16xf32, #tpu.memory_space<vmem_shared>> -> memref<2x16xf32, #tpu.memory_space<vmem_shared>>
    %dma_start3A_263 = arith.constant 0 : i32
    %dma_start3A_264 = arith.constant 0 : i32
    %dma_start3A_265 = tpu.memref_slice %arg6[%dma_start3A_263, %dma_start3A_264] : memref<16x16xf32, #tpu.memory_space<vmem>> -> memref<2x16xf32, #tpu.memory_space<vmem>>
    tpu.enqueue_dma source(%dma_start3A_265 : memref<2x16xf32, #tpu.memory_space<vmem>>) target(%dma_start3A_262 : memref<2x16xf32, #tpu.memory_space<vmem_shared>>) target_semaphore(%arg8 : memref<!tpu.dma_semaphore, #tpu.memory_space<semaphore_mem>>)
    %dma_wait3A = arith.constant 0 : i32
    %dma_wait3A_266 = tpu.memref_slice %arg7[%add3A_22, %dma_wait3A] : memref<10016x16xf32, #tpu.memory_space<vmem_shared>> -> memref<16x16xf32, #tpu.memory_space<vmem_shared>>
    %dma_wait3A_267 = arith.constant 0 : i32
    %dma_wait3A_268 = tpu.memref_slice %arg7[%add3A_22, %dma_wait3A_267] : memref<10016x16xf32, #tpu.memory_space<vmem_shared>> -> memref<16x16xf32, #tpu.memory_space<vmem_shared>>
    tpu.wait_dma2 semaphore(%arg8 : memref<!tpu.dma_semaphore, #tpu.memory_space<semaphore_mem>>) src(%arg6 : memref<16x16xf32, #tpu.memory_space<vmem>>) dst(%dma_wait3A_268 : memref<16x16xf32, #tpu.memory_space<vmem_shared>>)
    %dma_wait3A_269 = arith.constant 0 : i32
    %dma_wait3A_270 = tpu.memref_slice %arg7[%add3A_27, %dma_wait3A_269] : memref<10016x16xf32, #tpu.memory_space<vmem_shared>> -> memref<16x16xf32, #tpu.memory_space<vmem_shared>>
    %dma_wait3A_271 = arith.constant 0 : i32
    %dma_wait3A_272 = tpu.memref_slice %arg7[%add3A_27, %dma_wait3A_271] : memref<10016x16xf32, #tpu.memory_space<vmem_shared>> -> memref<16x16xf32, #tpu.memory_space<vmem_shared>>
    tpu.wait_dma2 semaphore(%arg8 : memref<!tpu.dma_semaphore, #tpu.memory_space<semaphore_mem>>) src(%arg6 : memref<16x16xf32, #tpu.memory_space<vmem>>) dst(%dma_wait3A_272 : memref<16x16xf32, #tpu.memory_space<vmem_shared>>)
    %dma_wait3A_273 = arith.constant 0 : i32
    %dma_wait3A_274 = tpu.memref_slice %arg7[%add3A_33, %dma_wait3A_273] : memref<10016x16xf32, #tpu.memory_space<vmem_shared>> -> memref<16x16xf32, #tpu.memory_space<vmem_shared>>
    %dma_wait3A_275 = arith.constant 0 : i32
    %dma_wait3A_276 = tpu.memref_slice %arg7[%add3A_33, %dma_wait3A_275] : memref<10016x16xf32, #tpu.memory_space<vmem_shared>> -> memref<16x16xf32, #tpu.memory_space<vmem_shared>>
    tpu.wait_dma2 semaphore(%arg8 : memref<!tpu.dma_semaphore, #tpu.memory_space<semaphore_mem>>) src(%arg6 : memref<16x16xf32, #tpu.memory_space<vmem>>) dst(%dma_wait3A_276 : memref<16x16xf32, #tpu.memory_space<vmem_shared>>)
    %dma_wait3A_277 = arith.constant 0 : i32
    %dma_wait3A_278 = tpu.memref_slice %arg7[%add3A_39, %dma_wait3A_277] : memref<10016x16xf32, #tpu.memory_space<vmem_shared>> -> memref<16x16xf32, #tpu.memory_space<vmem_shared>>
    %dma_wait3A_279 = arith.constant 0 : i32
    %dma_wait3A_280 = tpu.memref_slice %arg7[%add3A_39, %dma_wait3A_279] : memref<10016x16xf32, #tpu.memory_space<vmem_shared>> -> memref<16x16xf32, #tpu.memory_space<vmem_shared>>
    tpu.wait_dma2 semaphore(%arg8 : memref<!tpu.dma_semaphore, #tpu.memory_space<semaphore_mem>>) src(%arg6 : memref<16x16xf32, #tpu.memory_space<vmem>>) dst(%dma_wait3A_280 : memref<16x16xf32, #tpu.memory_space<vmem_shared>>)
    %dma_wait3A_281 = arith.constant 0 : i32
    %dma_wait3A_282 = tpu.memref_slice %arg7[%add3A_45, %dma_wait3A_281] : memref<10016x16xf32, #tpu.memory_space<vmem_shared>> -> memref<16x16xf32, #tpu.memory_space<vmem_shared>>
    %dma_wait3A_283 = arith.constant 0 : i32
    %dma_wait3A_284 = tpu.memref_slice %arg7[%add3A_45, %dma_wait3A_283] : memref<10016x16xf32, #tpu.memory_space<vmem_shared>> -> memref<16x16xf32, #tpu.memory_space<vmem_shared>>
    tpu.wait_dma2 semaphore(%arg8 : memref<!tpu.dma_semaphore, #tpu.memory_space<semaphore_mem>>) src(%arg6 : memref<16x16xf32, #tpu.memory_space<vmem>>) dst(%dma_wait3A_284 : memref<16x16xf32, #tpu.memory_space<vmem_shared>>)
    %dma_wait3A_285 = arith.constant 0 : i32
    %dma_wait3A_286 = tpu.memref_slice %arg7[%add3A_51, %dma_wait3A_285] : memref<10016x16xf32, #tpu.memory_space<vmem_shared>> -> memref<16x16xf32, #tpu.memory_space<vmem_shared>>
    %dma_wait3A_287 = arith.constant 0 : i32
    %dma_wait3A_288 = tpu.memref_slice %arg7[%add3A_51, %dma_wait3A_287] : memref<10016x16xf32, #tpu.memory_space<vmem_shared>> -> memref<16x16xf32, #tpu.memory_space<vmem_shared>>
    tpu.wait_dma2 semaphore(%arg8 : memref<!tpu.dma_semaphore, #tpu.memory_space<semaphore_mem>>) src(%arg6 : memref<16x16xf32, #tpu.memory_space<vmem>>) dst(%dma_wait3A_288 : memref<16x16xf32, #tpu.memory_space<vmem_shared>>)
    %dma_wait3A_289 = arith.constant 0 : i32
    %dma_wait3A_290 = tpu.memref_slice %arg7[%add3A_57, %dma_wait3A_289] : memref<10016x16xf32, #tpu.memory_space<vmem_shared>> -> memref<16x16xf32, #tpu.memory_space<vmem_shared>>
    %dma_wait3A_291 = arith.constant 0 : i32
    %dma_wait3A_292 = tpu.memref_slice %arg7[%add3A_57, %dma_wait3A_291] : memref<10016x16xf32, #tpu.memory_space<vmem_shared>> -> memref<16x16xf32, #tpu.memory_space<vmem_shared>>
    tpu.wait_dma2 semaphore(%arg8 : memref<!tpu.dma_semaphore, #tpu.memory_space<semaphore_mem>>) src(%arg6 : memref<16x16xf32, #tpu.memory_space<vmem>>) dst(%dma_wait3A_292 : memref<16x16xf32, #tpu.memory_space<vmem_shared>>)
    %dma_wait3A_293 = arith.constant 0 : i32
    %dma_wait3A_294 = tpu.memref_slice %arg7[%add3A_63, %dma_wait3A_293] : memref<10016x16xf32, #tpu.memory_space<vmem_shared>> -> memref<16x16xf32, #tpu.memory_space<vmem_shared>>
    %dma_wait3A_295 = arith.constant 0 : i32
    %dma_wait3A_296 = tpu.memref_slice %arg7[%add3A_63, %dma_wait3A_295] : memref<10016x16xf32, #tpu.memory_space<vmem_shared>> -> memref<16x16xf32, #tpu.memory_space<vmem_shared>>
    tpu.wait_dma2 semaphore(%arg8 : memref<!tpu.dma_semaphore, #tpu.memory_space<semaphore_mem>>) src(%arg6 : memref<16x16xf32, #tpu.memory_space<vmem>>) dst(%dma_wait3A_296 : memref<16x16xf32, #tpu.memory_space<vmem_shared>>)
    %dma_wait3A_297 = arith.constant 0 : i32
    %dma_wait3A_298 = tpu.memref_slice %arg7[%add3A_69, %dma_wait3A_297] : memref<10016x16xf32, #tpu.memory_space<vmem_shared>> -> memref<16x16xf32, #tpu.memory_space<vmem_shared>>
    %dma_wait3A_299 = arith.constant 0 : i32
    %dma_wait3A_300 = tpu.memref_slice %arg7[%add3A_69, %dma_wait3A_299] : memref<10016x16xf32, #tpu.memory_space<vmem_shared>> -> memref<16x16xf32, #tpu.memory_space<vmem_shared>>
    tpu.wait_dma2 semaphore(%arg8 : memref<!tpu.dma_semaphore, #tpu.memory_space<semaphore_mem>>) src(%arg6 : memref<16x16xf32, #tpu.memory_space<vmem>>) dst(%dma_wait3A_300 : memref<16x16xf32, #tpu.memory_space<vmem_shared>>)
    %dma_wait3A_301 = arith.constant 0 : i32
    %dma_wait3A_302 = tpu.memref_slice %arg7[%add3A_75, %dma_wait3A_301] : memref<10016x16xf32, #tpu.memory_space<vmem_shared>> -> memref<16x16xf32, #tpu.memory_space<vmem_shared>>
    %dma_wait3A_303 = arith.constant 0 : i32
    %dma_wait3A_304 = tpu.memref_slice %arg7[%add3A_75, %dma_wait3A_303] : memref<10016x16xf32, #tpu.memory_space<vmem_shared>> -> memref<16x16xf32, #tpu.memory_space<vmem_shared>>
    tpu.wait_dma2 semaphore(%arg8 : memref<!tpu.dma_semaphore, #tpu.memory_space<semaphore_mem>>) src(%arg6 : memref<16x16xf32, #tpu.memory_space<vmem>>) dst(%dma_wait3A_304 : memref<16x16xf32, #tpu.memory_space<vmem_shared>>)
    %dma_wait3A_305 = arith.constant 0 : i32
    %dma_wait3A_306 = tpu.memref_slice %arg7[%add3A_81, %dma_wait3A_305] : memref<10016x16xf32, #tpu.memory_space<vmem_shared>> -> memref<16x16xf32, #tpu.memory_space<vmem_shared>>
    %dma_wait3A_307 = arith.constant 0 : i32
    %dma_wait3A_308 = tpu.memref_slice %arg7[%add3A_81, %dma_wait3A_307] : memref<10016x16xf32, #tpu.memory_space<vmem_shared>> -> memref<16x16xf32, #tpu.memory_space<vmem_shared>>
    tpu.wait_dma2 semaphore(%arg8 : memref<!tpu.dma_semaphore, #tpu.memory_space<semaphore_mem>>) src(%arg6 : memref<16x16xf32, #tpu.memory_space<vmem>>) dst(%dma_wait3A_308 : memref<16x16xf32, #tpu.memory_space<vmem_shared>>)
    %dma_wait3A_309 = arith.constant 0 : i32
    %dma_wait3A_310 = tpu.memref_slice %arg7[%add3A_87, %dma_wait3A_309] : memref<10016x16xf32, #tpu.memory_space<vmem_shared>> -> memref<16x16xf32, #tpu.memory_space<vmem_shared>>
    %dma_wait3A_311 = arith.constant 0 : i32
    %dma_wait3A_312 = tpu.memref_slice %arg7[%add3A_87, %dma_wait3A_311] : memref<10016x16xf32, #tpu.memory_space<vmem_shared>> -> memref<16x16xf32, #tpu.memory_space<vmem_shared>>
    tpu.wait_dma2 semaphore(%arg8 : memref<!tpu.dma_semaphore, #tpu.memory_space<semaphore_mem>>) src(%arg6 : memref<16x16xf32, #tpu.memory_space<vmem>>) dst(%dma_wait3A_312 : memref<16x16xf32, #tpu.memory_space<vmem_shared>>)
    %dma_wait3A_313 = arith.constant 0 : i32
    %dma_wait3A_314 = tpu.memref_slice %arg7[%add3A_93, %dma_wait3A_313] : memref<10016x16xf32, #tpu.memory_space<vmem_shared>> -> memref<16x16xf32, #tpu.memory_space<vmem_shared>>
    %dma_wait3A_315 = arith.constant 0 : i32
    %dma_wait3A_316 = tpu.memref_slice %arg7[%add3A_93, %dma_wait3A_315] : memref<10016x16xf32, #tpu.memory_space<vmem_shared>> -> memref<16x16xf32, #tpu.memory_space<vmem_shared>>
    tpu.wait_dma2 semaphore(%arg8 : memref<!tpu.dma_semaphore, #tpu.memory_space<semaphore_mem>>) src(%arg6 : memref<16x16xf32, #tpu.memory_space<vmem>>) dst(%dma_wait3A_316 : memref<16x16xf32, #tpu.memory_space<vmem_shared>>)
    %dma_wait3A_317 = arith.constant 0 : i32
    %dma_wait3A_318 = tpu.memref_slice %arg7[%add3A_99, %dma_wait3A_317] : memref<10016x16xf32, #tpu.memory_space<vmem_shared>> -> memref<16x16xf32, #tpu.memory_space<vmem_shared>>
    %dma_wait3A_319 = arith.constant 0 : i32
    %dma_wait3A_320 = tpu.memref_slice %arg7[%add3A_99, %dma_wait3A_319] : memref<10016x16xf32, #tpu.memory_space<vmem_shared>> -> memref<16x16xf32, #tpu.memory_space<vmem_shared>>
    tpu.wait_dma2 semaphore(%arg8 : memref<!tpu.dma_semaphore, #tpu.memory_space<semaphore_mem>>) src(%arg6 : memref<16x16xf32, #tpu.memory_space<vmem>>) dst(%dma_wait3A_320 : memref<16x16xf32, #tpu.memory_space<vmem_shared>>)
    %dma_wait3A_321 = arith.constant 0 : i32
    %dma_wait3A_322 = tpu.memref_slice %arg7[%add3A_105, %dma_wait3A_321] : memref<10016x16xf32, #tpu.memory_space<vmem_shared>> -> memref<16x16xf32, #tpu.memory_space<vmem_shared>>
    %dma_wait3A_323 = arith.constant 0 : i32
    %dma_wait3A_324 = tpu.memref_slice %arg7[%add3A_105, %dma_wait3A_323] : memref<10016x16xf32, #tpu.memory_space<vmem_shared>> -> memref<16x16xf32, #tpu.memory_space<vmem_shared>>
    tpu.wait_dma2 semaphore(%arg8 : memref<!tpu.dma_semaphore, #tpu.memory_space<semaphore_mem>>) src(%arg6 : memref<16x16xf32, #tpu.memory_space<vmem>>) dst(%dma_wait3A_324 : memref<16x16xf32, #tpu.memory_space<vmem_shared>>)
    %dma_wait3A_325 = arith.constant 0 : i32
    %dma_wait3A_326 = tpu.memref_slice %arg7[%add3A_111, %dma_wait3A_325] : memref<10016x16xf32, #tpu.memory_space<vmem_shared>> -> memref<16x16xf32, #tpu.memory_space<vmem_shared>>
    %dma_wait3A_327 = arith.constant 0 : i32
    %dma_wait3A_328 = tpu.memref_slice %arg7[%add3A_111, %dma_wait3A_327] : memref<10016x16xf32, #tpu.memory_space<vmem_shared>> -> memref<16x16xf32, #tpu.memory_space<vmem_shared>>
    tpu.wait_dma2 semaphore(%arg8 : memref<!tpu.dma_semaphore, #tpu.memory_space<semaphore_mem>>) src(%arg6 : memref<16x16xf32, #tpu.memory_space<vmem>>) dst(%dma_wait3A_328 : memref<16x16xf32, #tpu.memory_space<vmem_shared>>)
    %dma_wait3A_329 = arith.constant 0 : i32
    %dma_wait3A_330 = tpu.memref_slice %arg7[%add3A_117, %dma_wait3A_329] : memref<10016x16xf32, #tpu.memory_space<vmem_shared>> -> memref<16x16xf32, #tpu.memory_space<vmem_shared>>
    %dma_wait3A_331 = arith.constant 0 : i32
    %dma_wait3A_332 = tpu.memref_slice %arg7[%add3A_117, %dma_wait3A_331] : memref<10016x16xf32, #tpu.memory_space<vmem_shared>> -> memref<16x16xf32, #tpu.memory_space<vmem_shared>>
    tpu.wait_dma2 semaphore(%arg8 : memref<!tpu.dma_semaphore, #tpu.memory_space<semaphore_mem>>) src(%arg6 : memref<16x16xf32, #tpu.memory_space<vmem>>) dst(%dma_wait3A_332 : memref<16x16xf32, #tpu.memory_space<vmem_shared>>)
    %dma_wait3A_333 = arith.constant 0 : i32
    %dma_wait3A_334 = tpu.memref_slice %arg7[%add3A_123, %dma_wait3A_333] : memref<10016x16xf32, #tpu.memory_space<vmem_shared>> -> memref<16x16xf32, #tpu.memory_space<vmem_shared>>
    %dma_wait3A_335 = arith.constant 0 : i32
    %dma_wait3A_336 = tpu.memref_slice %arg7[%add3A_123, %dma_wait3A_335] : memref<10016x16xf32, #tpu.memory_space<vmem_shared>> -> memref<16x16xf32, #tpu.memory_space<vmem_shared>>
    tpu.wait_dma2 semaphore(%arg8 : memref<!tpu.dma_semaphore, #tpu.memory_space<semaphore_mem>>) src(%arg6 : memref<16x16xf32, #tpu.memory_space<vmem>>) dst(%dma_wait3A_336 : memref<16x16xf32, #tpu.memory_space<vmem_shared>>)
    %dma_wait3A_337 = arith.constant 0 : i32
    %dma_wait3A_338 = tpu.memref_slice %arg7[%add3A_129, %dma_wait3A_337] : memref<10016x16xf32, #tpu.memory_space<vmem_shared>> -> memref<16x16xf32, #tpu.memory_space<vmem_shared>>
    %dma_wait3A_339 = arith.constant 0 : i32
    %dma_wait3A_340 = tpu.memref_slice %arg7[%add3A_129, %dma_wait3A_339] : memref<10016x16xf32, #tpu.memory_space<vmem_shared>> -> memref<16x16xf32, #tpu.memory_space<vmem_shared>>
    tpu.wait_dma2 semaphore(%arg8 : memref<!tpu.dma_semaphore, #tpu.memory_space<semaphore_mem>>) src(%arg6 : memref<16x16xf32, #tpu.memory_space<vmem>>) dst(%dma_wait3A_340 : memref<16x16xf32, #tpu.memory_space<vmem_shared>>)
    %dma_wait3A_341 = arith.constant 0 : i32
    %dma_wait3A_342 = tpu.memref_slice %arg7[%add3A_135, %dma_wait3A_341] : memref<10016x16xf32, #tpu.memory_space<vmem_shared>> -> memref<16x16xf32, #tpu.memory_space<vmem_shared>>
    %dma_wait3A_343 = arith.constant 0 : i32
    %dma_wait3A_344 = tpu.memref_slice %arg7[%add3A_135, %dma_wait3A_343] : memref<10016x16xf32, #tpu.memory_space<vmem_shared>> -> memref<16x16xf32, #tpu.memory_space<vmem_shared>>
    tpu.wait_dma2 semaphore(%arg8 : memref<!tpu.dma_semaphore, #tpu.memory_space<semaphore_mem>>) src(%arg6 : memref<16x16xf32, #tpu.memory_space<vmem>>) dst(%dma_wait3A_344 : memref<16x16xf32, #tpu.memory_space<vmem_shared>>)
    %dma_wait3A_345 = arith.constant 0 : i32
    %dma_wait3A_346 = tpu.memref_slice %arg7[%add3A_141, %dma_wait3A_345] : memref<10016x16xf32, #tpu.memory_space<vmem_shared>> -> memref<16x16xf32, #tpu.memory_space<vmem_shared>>
    %dma_wait3A_347 = arith.constant 0 : i32
    %dma_wait3A_348 = tpu.memref_slice %arg7[%add3A_141, %dma_wait3A_347] : memref<10016x16xf32, #tpu.memory_space<vmem_shared>> -> memref<16x16xf32, #tpu.memory_space<vmem_shared>>
    tpu.wait_dma2 semaphore(%arg8 : memref<!tpu.dma_semaphore, #tpu.memory_space<semaphore_mem>>) src(%arg6 : memref<16x16xf32, #tpu.memory_space<vmem>>) dst(%dma_wait3A_348 : memref<16x16xf32, #tpu.memory_space<vmem_shared>>)
    %dma_wait3A_349 = arith.constant 0 : i32
    %dma_wait3A_350 = tpu.memref_slice %arg7[%add3A_147, %dma_wait3A_349] : memref<10016x16xf32, #tpu.memory_space<vmem_shared>> -> memref<16x16xf32, #tpu.memory_space<vmem_shared>>
    %dma_wait3A_351 = arith.constant 0 : i32
    %dma_wait3A_352 = tpu.memref_slice %arg7[%add3A_147, %dma_wait3A_351] : memref<10016x16xf32, #tpu.memory_space<vmem_shared>> -> memref<16x16xf32, #tpu.memory_space<vmem_shared>>
    tpu.wait_dma2 semaphore(%arg8 : memref<!tpu.dma_semaphore, #tpu.memory_space<semaphore_mem>>) src(%arg6 : memref<16x16xf32, #tpu.memory_space<vmem>>) dst(%dma_wait3A_352 : memref<16x16xf32, #tpu.memory_space<vmem_shared>>)
    %dma_wait3A_353 = arith.constant 0 : i32
    %dma_wait3A_354 = tpu.memref_slice %arg7[%add3A_153, %dma_wait3A_353] : memref<10016x16xf32, #tpu.memory_space<vmem_shared>> -> memref<16x16xf32, #tpu.memory_space<vmem_shared>>
    %dma_wait3A_355 = arith.constant 0 : i32
    %dma_wait3A_356 = tpu.memref_slice %arg7[%add3A_153, %dma_wait3A_355] : memref<10016x16xf32, #tpu.memory_space<vmem_shared>> -> memref<16x16xf32, #tpu.memory_space<vmem_shared>>
    tpu.wait_dma2 semaphore(%arg8 : memref<!tpu.dma_semaphore, #tpu.memory_space<semaphore_mem>>) src(%arg6 : memref<16x16xf32, #tpu.memory_space<vmem>>) dst(%dma_wait3A_356 : memref<16x16xf32, #tpu.memory_space<vmem_shared>>)
    %dma_wait3A_357 = arith.constant 0 : i32
    %dma_wait3A_358 = tpu.memref_slice %arg7[%add3A_159, %dma_wait3A_357] : memref<10016x16xf32, #tpu.memory_space<vmem_shared>> -> memref<16x16xf32, #tpu.memory_space<vmem_shared>>
    %dma_wait3A_359 = arith.constant 0 : i32
    %dma_wait3A_360 = tpu.memref_slice %arg7[%add3A_159, %dma_wait3A_359] : memref<10016x16xf32, #tpu.memory_space<vmem_shared>> -> memref<16x16xf32, #tpu.memory_space<vmem_shared>>
    tpu.wait_dma2 semaphore(%arg8 : memref<!tpu.dma_semaphore, #tpu.memory_space<semaphore_mem>>) src(%arg6 : memref<16x16xf32, #tpu.memory_space<vmem>>) dst(%dma_wait3A_360 : memref<16x16xf32, #tpu.memory_space<vmem_shared>>)
    %dma_wait3A_361 = arith.constant 0 : i32
    %dma_wait3A_362 = tpu.memref_slice %arg7[%add3A_165, %dma_wait3A_361] : memref<10016x16xf32, #tpu.memory_space<vmem_shared>> -> memref<16x16xf32, #tpu.memory_space<vmem_shared>>
    %dma_wait3A_363 = arith.constant 0 : i32
    %dma_wait3A_364 = tpu.memref_slice %arg7[%add3A_165, %dma_wait3A_363] : memref<10016x16xf32, #tpu.memory_space<vmem_shared>> -> memref<16x16xf32, #tpu.memory_space<vmem_shared>>
    tpu.wait_dma2 semaphore(%arg8 : memref<!tpu.dma_semaphore, #tpu.memory_space<semaphore_mem>>) src(%arg6 : memref<16x16xf32, #tpu.memory_space<vmem>>) dst(%dma_wait3A_364 : memref<16x16xf32, #tpu.memory_space<vmem_shared>>)
    %dma_wait3A_365 = arith.constant 0 : i32
    %dma_wait3A_366 = tpu.memref_slice %arg7[%add3A_171, %dma_wait3A_365] : memref<10016x16xf32, #tpu.memory_space<vmem_shared>> -> memref<16x16xf32, #tpu.memory_space<vmem_shared>>
    %dma_wait3A_367 = arith.constant 0 : i32
    %dma_wait3A_368 = tpu.memref_slice %arg7[%add3A_171, %dma_wait3A_367] : memref<10016x16xf32, #tpu.memory_space<vmem_shared>> -> memref<16x16xf32, #tpu.memory_space<vmem_shared>>
    tpu.wait_dma2 semaphore(%arg8 : memref<!tpu.dma_semaphore, #tpu.memory_space<semaphore_mem>>) src(%arg6 : memref<16x16xf32, #tpu.memory_space<vmem>>) dst(%dma_wait3A_368 : memref<16x16xf32, #tpu.memory_space<vmem_shared>>)
    %dma_wait3A_369 = arith.constant 0 : i32
    %dma_wait3A_370 = tpu.memref_slice %arg7[%add3A_177, %dma_wait3A_369] : memref<10016x16xf32, #tpu.memory_space<vmem_shared>> -> memref<16x16xf32, #tpu.memory_space<vmem_shared>>
    %dma_wait3A_371 = arith.constant 0 : i32
    %dma_wait3A_372 = tpu.memref_slice %arg7[%add3A_177, %dma_wait3A_371] : memref<10016x16xf32, #tpu.memory_space<vmem_shared>> -> memref<16x16xf32, #tpu.memory_space<vmem_shared>>
    tpu.wait_dma2 semaphore(%arg8 : memref<!tpu.dma_semaphore, #tpu.memory_space<semaphore_mem>>) src(%arg6 : memref<16x16xf32, #tpu.memory_space<vmem>>) dst(%dma_wait3A_372 : memref<16x16xf32, #tpu.memory_space<vmem_shared>>)
    %dma_wait3A_373 = arith.constant 0 : i32
    %dma_wait3A_374 = tpu.memref_slice %arg7[%add3A_183, %dma_wait3A_373] : memref<10016x16xf32, #tpu.memory_space<vmem_shared>> -> memref<16x16xf32, #tpu.memory_space<vmem_shared>>
    %dma_wait3A_375 = arith.constant 0 : i32
    %dma_wait3A_376 = tpu.memref_slice %arg7[%add3A_183, %dma_wait3A_375] : memref<10016x16xf32, #tpu.memory_space<vmem_shared>> -> memref<16x16xf32, #tpu.memory_space<vmem_shared>>
    tpu.wait_dma2 semaphore(%arg8 : memref<!tpu.dma_semaphore, #tpu.memory_space<semaphore_mem>>) src(%arg6 : memref<16x16xf32, #tpu.memory_space<vmem>>) dst(%dma_wait3A_376 : memref<16x16xf32, #tpu.memory_space<vmem_shared>>)
    %dma_wait3A_377 = arith.constant 0 : i32
    %dma_wait3A_378 = tpu.memref_slice %arg7[%add3A_189, %dma_wait3A_377] : memref<10016x16xf32, #tpu.memory_space<vmem_shared>> -> memref<16x16xf32, #tpu.memory_space<vmem_shared>>
    %dma_wait3A_379 = arith.constant 0 : i32
    %dma_wait3A_380 = tpu.memref_slice %arg7[%add3A_189, %dma_wait3A_379] : memref<10016x16xf32, #tpu.memory_space<vmem_shared>> -> memref<16x16xf32, #tpu.memory_space<vmem_shared>>
    tpu.wait_dma2 semaphore(%arg8 : memref<!tpu.dma_semaphore, #tpu.memory_space<semaphore_mem>>) src(%arg6 : memref<16x16xf32, #tpu.memory_space<vmem>>) dst(%dma_wait3A_380 : memref<16x16xf32, #tpu.memory_space<vmem_shared>>)
    %dma_wait3A_381 = arith.constant 0 : i32
    %dma_wait3A_382 = tpu.memref_slice %arg7[%add3A_195, %dma_wait3A_381] : memref<10016x16xf32, #tpu.memory_space<vmem_shared>> -> memref<16x16xf32, #tpu.memory_space<vmem_shared>>
    %dma_wait3A_383 = arith.constant 0 : i32
    %dma_wait3A_384 = tpu.memref_slice %arg7[%add3A_195, %dma_wait3A_383] : memref<10016x16xf32, #tpu.memory_space<vmem_shared>> -> memref<16x16xf32, #tpu.memory_space<vmem_shared>>
    tpu.wait_dma2 semaphore(%arg8 : memref<!tpu.dma_semaphore, #tpu.memory_space<semaphore_mem>>) src(%arg6 : memref<16x16xf32, #tpu.memory_space<vmem>>) dst(%dma_wait3A_384 : memref<16x16xf32, #tpu.memory_space<vmem_shared>>)
    %dma_wait3A_385 = arith.constant 0 : i32
    %dma_wait3A_386 = tpu.memref_slice %arg7[%add3A_201, %dma_wait3A_385] : memref<10016x16xf32, #tpu.memory_space<vmem_shared>> -> memref<16x16xf32, #tpu.memory_space<vmem_shared>>
    %dma_wait3A_387 = arith.constant 0 : i32
    %dma_wait3A_388 = tpu.memref_slice %arg7[%add3A_201, %dma_wait3A_387] : memref<10016x16xf32, #tpu.memory_space<vmem_shared>> -> memref<16x16xf32, #tpu.memory_space<vmem_shared>>
    tpu.wait_dma2 semaphore(%arg8 : memref<!tpu.dma_semaphore, #tpu.memory_space<semaphore_mem>>) src(%arg6 : memref<16x16xf32, #tpu.memory_space<vmem>>) dst(%dma_wait3A_388 : memref<16x16xf32, #tpu.memory_space<vmem_shared>>)
    %dma_wait3A_389 = arith.constant 0 : i32
    %dma_wait3A_390 = tpu.memref_slice %arg7[%add3A_207, %dma_wait3A_389] : memref<10016x16xf32, #tpu.memory_space<vmem_shared>> -> memref<16x16xf32, #tpu.memory_space<vmem_shared>>
    %dma_wait3A_391 = arith.constant 0 : i32
    %dma_wait3A_392 = tpu.memref_slice %arg7[%add3A_207, %dma_wait3A_391] : memref<10016x16xf32, #tpu.memory_space<vmem_shared>> -> memref<16x16xf32, #tpu.memory_space<vmem_shared>>
    tpu.wait_dma2 semaphore(%arg8 : memref<!tpu.dma_semaphore, #tpu.memory_space<semaphore_mem>>) src(%arg6 : memref<16x16xf32, #tpu.memory_space<vmem>>) dst(%dma_wait3A_392 : memref<16x16xf32, #tpu.memory_space<vmem_shared>>)
    %dma_wait3A_393 = arith.constant 0 : i32
    %dma_wait3A_394 = tpu.memref_slice %arg7[%add3A_213, %dma_wait3A_393] : memref<10016x16xf32, #tpu.memory_space<vmem_shared>> -> memref<16x16xf32, #tpu.memory_space<vmem_shared>>
    %dma_wait3A_395 = arith.constant 0 : i32
    %dma_wait3A_396 = tpu.memref_slice %arg7[%add3A_213, %dma_wait3A_395] : memref<10016x16xf32, #tpu.memory_space<vmem_shared>> -> memref<16x16xf32, #tpu.memory_space<vmem_shared>>
    tpu.wait_dma2 semaphore(%arg8 : memref<!tpu.dma_semaphore, #tpu.memory_space<semaphore_mem>>) src(%arg6 : memref<16x16xf32, #tpu.memory_space<vmem>>) dst(%dma_wait3A_396 : memref<16x16xf32, #tpu.memory_space<vmem_shared>>)
    %dma_wait3A_397 = arith.constant 0 : i32
    %dma_wait3A_398 = tpu.memref_slice %arg7[%add3A_219, %dma_wait3A_397] : memref<10016x16xf32, #tpu.memory_space<vmem_shared>> -> memref<16x16xf32, #tpu.memory_space<vmem_shared>>
    %dma_wait3A_399 = arith.constant 0 : i32
    %dma_wait3A_400 = tpu.memref_slice %arg7[%add3A_219, %dma_wait3A_399] : memref<10016x16xf32, #tpu.memory_space<vmem_shared>> -> memref<16x16xf32, #tpu.memory_space<vmem_shared>>
    tpu.wait_dma2 semaphore(%arg8 : memref<!tpu.dma_semaphore, #tpu.memory_space<semaphore_mem>>) src(%arg6 : memref<16x16xf32, #tpu.memory_space<vmem>>) dst(%dma_wait3A_400 : memref<16x16xf32, #tpu.memory_space<vmem_shared>>)
    %dma_wait3A_401 = arith.constant 0 : i32
    %dma_wait3A_402 = tpu.memref_slice %arg7[%add3A_225, %dma_wait3A_401] : memref<10016x16xf32, #tpu.memory_space<vmem_shared>> -> memref<16x16xf32, #tpu.memory_space<vmem_shared>>
    %dma_wait3A_403 = arith.constant 0 : i32
    %dma_wait3A_404 = tpu.memref_slice %arg7[%add3A_225, %dma_wait3A_403] : memref<10016x16xf32, #tpu.memory_space<vmem_shared>> -> memref<16x16xf32, #tpu.memory_space<vmem_shared>>
    tpu.wait_dma2 semaphore(%arg8 : memref<!tpu.dma_semaphore, #tpu.memory_space<semaphore_mem>>) src(%arg6 : memref<16x16xf32, #tpu.memory_space<vmem>>) dst(%dma_wait3A_404 : memref<16x16xf32, #tpu.memory_space<vmem_shared>>)
    %dma_wait3A_405 = arith.constant 0 : i32
    %dma_wait3A_406 = tpu.memref_slice %arg7[%add3A_231, %dma_wait3A_405] : memref<10016x16xf32, #tpu.memory_space<vmem_shared>> -> memref<16x16xf32, #tpu.memory_space<vmem_shared>>
    %dma_wait3A_407 = arith.constant 0 : i32
    %dma_wait3A_408 = tpu.memref_slice %arg7[%add3A_231, %dma_wait3A_407] : memref<10016x16xf32, #tpu.memory_space<vmem_shared>> -> memref<16x16xf32, #tpu.memory_space<vmem_shared>>
    tpu.wait_dma2 semaphore(%arg8 : memref<!tpu.dma_semaphore, #tpu.memory_space<semaphore_mem>>) src(%arg6 : memref<16x16xf32, #tpu.memory_space<vmem>>) dst(%dma_wait3A_408 : memref<16x16xf32, #tpu.memory_space<vmem_shared>>)
    %dma_wait3A_409 = arith.constant 0 : i32
    %dma_wait3A_410 = tpu.memref_slice %arg7[%add3A_237, %dma_wait3A_409] : memref<10016x16xf32, #tpu.memory_space<vmem_shared>> -> memref<16x16xf32, #tpu.memory_space<vmem_shared>>
    %dma_wait3A_411 = arith.constant 0 : i32
    %dma_wait3A_412 = tpu.memref_slice %arg7[%add3A_237, %dma_wait3A_411] : memref<10016x16xf32, #tpu.memory_space<vmem_shared>> -> memref<16x16xf32, #tpu.memory_space<vmem_shared>>
    tpu.wait_dma2 semaphore(%arg8 : memref<!tpu.dma_semaphore, #tpu.memory_space<semaphore_mem>>) src(%arg6 : memref<16x16xf32, #tpu.memory_space<vmem>>) dst(%dma_wait3A_412 : memref<16x16xf32, #tpu.memory_space<vmem_shared>>)
    %dma_wait3A_413 = arith.constant 0 : i32
    %dma_wait3A_414 = tpu.memref_slice %arg7[%add3A_243, %dma_wait3A_413] : memref<10016x16xf32, #tpu.memory_space<vmem_shared>> -> memref<16x16xf32, #tpu.memory_space<vmem_shared>>
    %dma_wait3A_415 = arith.constant 0 : i32
    %dma_wait3A_416 = tpu.memref_slice %arg7[%add3A_243, %dma_wait3A_415] : memref<10016x16xf32, #tpu.memory_space<vmem_shared>> -> memref<16x16xf32, #tpu.memory_space<vmem_shared>>
    tpu.wait_dma2 semaphore(%arg8 : memref<!tpu.dma_semaphore, #tpu.memory_space<semaphore_mem>>) src(%arg6 : memref<16x16xf32, #tpu.memory_space<vmem>>) dst(%dma_wait3A_416 : memref<16x16xf32, #tpu.memory_space<vmem_shared>>)
    %dma_wait3A_417 = arith.constant 0 : i32
    %dma_wait3A_418 = tpu.memref_slice %arg7[%add3A_249, %dma_wait3A_417] : memref<10016x16xf32, #tpu.memory_space<vmem_shared>> -> memref<16x16xf32, #tpu.memory_space<vmem_shared>>
    %dma_wait3A_419 = arith.constant 0 : i32
    %dma_wait3A_420 = tpu.memref_slice %arg7[%add3A_249, %dma_wait3A_419] : memref<10016x16xf32, #tpu.memory_space<vmem_shared>> -> memref<16x16xf32, #tpu.memory_space<vmem_shared>>
    tpu.wait_dma2 semaphore(%arg8 : memref<!tpu.dma_semaphore, #tpu.memory_space<semaphore_mem>>) src(%arg6 : memref<16x16xf32, #tpu.memory_space<vmem>>) dst(%dma_wait3A_420 : memref<16x16xf32, #tpu.memory_space<vmem_shared>>)
    %dma_wait3A_421 = arith.constant 0 : i32
    %dma_wait3A_422 = arith.constant 0 : i32
    %dma_wait3A_423 = tpu.memref_slice %arg6[%dma_wait3A_421, %dma_wait3A_422] : memref<16x16xf32, #tpu.memory_space<vmem>> -> memref<2x16xf32, #tpu.memory_space<vmem>>
    %dma_wait3A_424 = arith.constant 0 : i32
    %dma_wait3A_425 = tpu.memref_slice %arg7[%add3A_255, %dma_wait3A_424] : memref<10016x16xf32, #tpu.memory_space<vmem_shared>> -> memref<2x16xf32, #tpu.memory_space<vmem_shared>>
    %dma_wait3A_426 = arith.constant 0 : i32
    %dma_wait3A_427 = tpu.memref_slice %arg7[%add3A_255, %dma_wait3A_426] : memref<10016x16xf32, #tpu.memory_space<vmem_shared>> -> memref<2x16xf32, #tpu.memory_space<vmem_shared>>
    %dma_wait3A_428 = arith.constant 0 : i32
    %dma_wait3A_429 = arith.constant 0 : i32
    %dma_wait3A_430 = tpu.memref_slice %arg6[%dma_wait3A_428, %dma_wait3A_429] : memref<16x16xf32, #tpu.memory_space<vmem>> -> memref<2x16xf32, #tpu.memory_space<vmem>>
    tpu.wait_dma2 semaphore(%arg8 : memref<!tpu.dma_semaphore, #tpu.memory_space<semaphore_mem>>) src(%dma_wait3A_430 : memref<2x16xf32, #tpu.memory_space<vmem>>) dst(%dma_wait3A_427 : memref<2x16xf32, #tpu.memory_space<vmem_shared>>)
    %barrier3A = arith.constant 0 : index
    tpu.barrier barrier_id(%barrier3A)
    %scan3A_431 = arith.constant 0 : i32
    %scan3A_432 = arith.constant 0 : i32
    %scan3A_433 = arith.constant 10 : i32
    %scan3A_434 = arith.addi %scan3A_432, %scan3A_433 : i32
    %scan3A_435 = arith.constant 1 : i32
    %scan3A_436 = scf.for %scan3A_441 = %scan3A_432 to %scan3A_434 step %scan3A_435 iter_args(%scan3A_442 = %scan3A_431) -> (i32)  : i32 {
      %mul3A_443 = arith.constant 8 : i32
      %mul3A_444 = arith.muli %mul3A_443, %scan3A_441 : i32
      %add3A_445 = arith.constant 0 : i32
      %add3A_446 = arith.addi %mul3A_444, %add3A_445 : i32
      %dma_start3A_447 = arith.constant 0 : i32
      %dma_start3A_448 = tpu.memref_slice %arg4[%add3A_446, %dma_start3A_447] : memref<80x128xi32, #tpu.memory_space<vmem>> -> memref<1x128xi32, #tpu.memory_space<vmem>>
      %dma_start3A_449 = tpu.memref_squeeze %dma_start3A_448 : memref<1x128xi32, #tpu.memory_space<vmem>> -> memref<128xi32, #tpu.memory_space<vmem>>
      %dma_start3A_450 = arith.constant 0 : i32
      %dma_start3A_451 = arith.constant 0 : i32
      %dma_start3A_452 = tpu.memref_slice %arg7[%dma_start3A_450, %dma_start3A_451] : memref<10016x16xf32, #tpu.memory_space<vmem_shared>> -> memref<10016x16xf32, #tpu.memory_space<vmem_shared>>
      tpu.enqueue_indirect_dma source(%arg5 : memref<128x16xf32, #tpu.memory_space<vmem>>) target(%dma_start3A_452 : memref<10016x16xf32, #tpu.memory_space<vmem_shared>>) offsets(%dma_start3A_449 : memref<128xi32, #tpu.memory_space<vmem>>) semaphore(%arg8 : memref<!tpu.dma_semaphore, #tpu.memory_space<semaphore_mem>>) {add = true}
      %add3A_453 = arith.constant 1 : i32
      %add3A_454 = arith.addi %mul3A_444, %add3A_453 : i32
      %dma_start3A_455 = arith.constant 0 : i32
      %dma_start3A_456 = tpu.memref_slice %arg4[%add3A_454, %dma_start3A_455] : memref<80x128xi32, #tpu.memory_space<vmem>> -> memref<1x128xi32, #tpu.memory_space<vmem>>
      %dma_start3A_457 = tpu.memref_squeeze %dma_start3A_456 : memref<1x128xi32, #tpu.memory_space<vmem>> -> memref<128xi32, #tpu.memory_space<vmem>>
      %dma_start3A_458 = arith.constant 0 : i32
      %dma_start3A_459 = arith.constant 0 : i32
      %dma_start3A_460 = tpu.memref_slice %arg7[%dma_start3A_458, %dma_start3A_459] : memref<10016x16xf32, #tpu.memory_space<vmem_shared>> -> memref<10016x16xf32, #tpu.memory_space<vmem_shared>>
      tpu.enqueue_indirect_dma source(%arg5 : memref<128x16xf32, #tpu.memory_space<vmem>>) target(%dma_start3A_460 : memref<10016x16xf32, #tpu.memory_space<vmem_shared>>) offsets(%dma_start3A_457 : memref<128xi32, #tpu.memory_space<vmem>>) semaphore(%arg8 : memref<!tpu.dma_semaphore, #tpu.memory_space<semaphore_mem>>) {add = true}
      %add3A_461 = arith.constant 2 : i32
      %add3A_462 = arith.addi %mul3A_444, %add3A_461 : i32
      %dma_start3A_463 = arith.constant 0 : i32
      %dma_start3A_464 = tpu.memref_slice %arg4[%add3A_462, %dma_start3A_463] : memref<80x128xi32, #tpu.memory_space<vmem>> -> memref<1x128xi32, #tpu.memory_space<vmem>>
      %dma_start3A_465 = tpu.memref_squeeze %dma_start3A_464 : memref<1x128xi32, #tpu.memory_space<vmem>> -> memref<128xi32, #tpu.memory_space<vmem>>
      %dma_start3A_466 = arith.constant 0 : i32
      %dma_start3A_467 = arith.constant 0 : i32
      %dma_start3A_468 = tpu.memref_slice %arg7[%dma_start3A_466, %dma_start3A_467] : memref<10016x16xf32, #tpu.memory_space<vmem_shared>> -> memref<10016x16xf32, #tpu.memory_space<vmem_shared>>
      tpu.enqueue_indirect_dma source(%arg5 : memref<128x16xf32, #tpu.memory_space<vmem>>) target(%dma_start3A_468 : memref<10016x16xf32, #tpu.memory_space<vmem_shared>>) offsets(%dma_start3A_465 : memref<128xi32, #tpu.memory_space<vmem>>) semaphore(%arg8 : memref<!tpu.dma_semaphore, #tpu.memory_space<semaphore_mem>>) {add = true}
      %add3A_469 = arith.constant 3 : i32
      %add3A_470 = arith.addi %mul3A_444, %add3A_469 : i32
      %dma_start3A_471 = arith.constant 0 : i32
      %dma_start3A_472 = tpu.memref_slice %arg4[%add3A_470, %dma_start3A_471] : memref<80x128xi32, #tpu.memory_space<vmem>> -> memref<1x128xi32, #tpu.memory_space<vmem>>
      %dma_start3A_473 = tpu.memref_squeeze %dma_start3A_472 : memref<1x128xi32, #tpu.memory_space<vmem>> -> memref<128xi32, #tpu.memory_space<vmem>>
      %dma_start3A_474 = arith.constant 0 : i32
      %dma_start3A_475 = arith.constant 0 : i32
      %dma_start3A_476 = tpu.memref_slice %arg7[%dma_start3A_474, %dma_start3A_475] : memref<10016x16xf32, #tpu.memory_space<vmem_shared>> -> memref<10016x16xf32, #tpu.memory_space<vmem_shared>>
      tpu.enqueue_indirect_dma source(%arg5 : memref<128x16xf32, #tpu.memory_space<vmem>>) target(%dma_start3A_476 : memref<10016x16xf32, #tpu.memory_space<vmem_shared>>) offsets(%dma_start3A_473 : memref<128xi32, #tpu.memory_space<vmem>>) semaphore(%arg8 : memref<!tpu.dma_semaphore, #tpu.memory_space<semaphore_mem>>) {add = true}
      %add3A_477 = arith.constant 4 : i32
      %add3A_478 = arith.addi %mul3A_444, %add3A_477 : i32
      %dma_start3A_479 = arith.constant 0 : i32
      %dma_start3A_480 = tpu.memref_slice %arg4[%add3A_478, %dma_start3A_479] : memref<80x128xi32, #tpu.memory_space<vmem>> -> memref<1x128xi32, #tpu.memory_space<vmem>>
      %dma_start3A_481 = tpu.memref_squeeze %dma_start3A_480 : memref<1x128xi32, #tpu.memory_space<vmem>> -> memref<128xi32, #tpu.memory_space<vmem>>
      %dma_start3A_482 = arith.constant 0 : i32
      %dma_start3A_483 = arith.constant 0 : i32
      %dma_start3A_484 = tpu.memref_slice %arg7[%dma_start3A_482, %dma_start3A_483] : memref<10016x16xf32, #tpu.memory_space<vmem_shared>> -> memref<10016x16xf32, #tpu.memory_space<vmem_shared>>
      tpu.enqueue_indirect_dma source(%arg5 : memref<128x16xf32, #tpu.memory_space<vmem>>) target(%dma_start3A_484 : memref<10016x16xf32, #tpu.memory_space<vmem_shared>>) offsets(%dma_start3A_481 : memref<128xi32, #tpu.memory_space<vmem>>) semaphore(%arg8 : memref<!tpu.dma_semaphore, #tpu.memory_space<semaphore_mem>>) {add = true}
      %add3A_485 = arith.constant 5 : i32
      %add3A_486 = arith.addi %mul3A_444, %add3A_485 : i32
      %dma_start3A_487 = arith.constant 0 : i32
      %dma_start3A_488 = tpu.memref_slice %arg4[%add3A_486, %dma_start3A_487] : memref<80x128xi32, #tpu.memory_space<vmem>> -> memref<1x128xi32, #tpu.memory_space<vmem>>
      %dma_start3A_489 = tpu.memref_squeeze %dma_start3A_488 : memref<1x128xi32, #tpu.memory_space<vmem>> -> memref<128xi32, #tpu.memory_space<vmem>>
      %dma_start3A_490 = arith.constant 0 : i32
      %dma_start3A_491 = arith.constant 0 : i32
      %dma_start3A_492 = tpu.memref_slice %arg7[%dma_start3A_490, %dma_start3A_491] : memref<10016x16xf32, #tpu.memory_space<vmem_shared>> -> memref<10016x16xf32, #tpu.memory_space<vmem_shared>>
      tpu.enqueue_indirect_dma source(%arg5 : memref<128x16xf32, #tpu.memory_space<vmem>>) target(%dma_start3A_492 : memref<10016x16xf32, #tpu.memory_space<vmem_shared>>) offsets(%dma_start3A_489 : memref<128xi32, #tpu.memory_space<vmem>>) semaphore(%arg8 : memref<!tpu.dma_semaphore, #tpu.memory_space<semaphore_mem>>) {add = true}
      %add3A_493 = arith.constant 6 : i32
      %add3A_494 = arith.addi %mul3A_444, %add3A_493 : i32
      %dma_start3A_495 = arith.constant 0 : i32
      %dma_start3A_496 = tpu.memref_slice %arg4[%add3A_494, %dma_start3A_495] : memref<80x128xi32, #tpu.memory_space<vmem>> -> memref<1x128xi32, #tpu.memory_space<vmem>>
      %dma_start3A_497 = tpu.memref_squeeze %dma_start3A_496 : memref<1x128xi32, #tpu.memory_space<vmem>> -> memref<128xi32, #tpu.memory_space<vmem>>
      %dma_start3A_498 = arith.constant 0 : i32
      %dma_start3A_499 = arith.constant 0 : i32
      %dma_start3A_500 = tpu.memref_slice %arg7[%dma_start3A_498, %dma_start3A_499] : memref<10016x16xf32, #tpu.memory_space<vmem_shared>> -> memref<10016x16xf32, #tpu.memory_space<vmem_shared>>
      tpu.enqueue_indirect_dma source(%arg5 : memref<128x16xf32, #tpu.memory_space<vmem>>) target(%dma_start3A_500 : memref<10016x16xf32, #tpu.memory_space<vmem_shared>>) offsets(%dma_start3A_497 : memref<128xi32, #tpu.memory_space<vmem>>) semaphore(%arg8 : memref<!tpu.dma_semaphore, #tpu.memory_space<semaphore_mem>>) {add = true}
      %add3A_501 = arith.constant 7 : i32
      %add3A_502 = arith.addi %mul3A_444, %add3A_501 : i32
      %dma_start3A_503 = arith.constant 0 : i32
      %dma_start3A_504 = tpu.memref_slice %arg4[%add3A_502, %dma_start3A_503] : memref<80x128xi32, #tpu.memory_space<vmem>> -> memref<1x128xi32, #tpu.memory_space<vmem>>
      %dma_start3A_505 = tpu.memref_squeeze %dma_start3A_504 : memref<1x128xi32, #tpu.memory_space<vmem>> -> memref<128xi32, #tpu.memory_space<vmem>>
      %dma_start3A_506 = arith.constant 0 : i32
      %dma_start3A_507 = arith.constant 0 : i32
      %dma_start3A_508 = tpu.memref_slice %arg7[%dma_start3A_506, %dma_start3A_507] : memref<10016x16xf32, #tpu.memory_space<vmem_shared>> -> memref<10016x16xf32, #tpu.memory_space<vmem_shared>>
      tpu.enqueue_indirect_dma source(%arg5 : memref<128x16xf32, #tpu.memory_space<vmem>>) target(%dma_start3A_508 : memref<10016x16xf32, #tpu.memory_space<vmem_shared>>) offsets(%dma_start3A_505 : memref<128xi32, #tpu.memory_space<vmem>>) semaphore(%arg8 : memref<!tpu.dma_semaphore, #tpu.memory_space<semaphore_mem>>) {add = true}
      %dma_wait3A_509 = arith.constant 0 : i32
      %dma_wait3A_510 = tpu.memref_slice %arg4[%add3A_446, %dma_wait3A_509] : memref<80x128xi32, #tpu.memory_space<vmem>> -> memref<1x128xi32, #tpu.memory_space<vmem>>
      %dma_wait3A_511 = tpu.memref_squeeze %dma_wait3A_510 : memref<1x128xi32, #tpu.memory_space<vmem>> -> memref<128xi32, #tpu.memory_space<vmem>>
      %dma_wait3A_512 = arith.constant 0 : i32
      %dma_wait3A_513 = arith.constant 0 : i32
      %dma_wait3A_514 = tpu.memref_slice %arg7[%dma_wait3A_512, %dma_wait3A_513] : memref<10016x16xf32, #tpu.memory_space<vmem_shared>> -> memref<10016x16xf32, #tpu.memory_space<vmem_shared>>
      tpu.wait_indirect_dma semaphore(%arg8 : memref<!tpu.dma_semaphore, #tpu.memory_space<semaphore_mem>>) src(%arg5 : memref<128x16xf32, #tpu.memory_space<vmem>>) dst(%dma_wait3A_514 : memref<10016x16xf32, #tpu.memory_space<vmem_shared>>)
      %dma_wait3A_515 = arith.constant 0 : i32
      %dma_wait3A_516 = tpu.memref_slice %arg4[%add3A_454, %dma_wait3A_515] : memref<80x128xi32, #tpu.memory_space<vmem>> -> memref<1x128xi32, #tpu.memory_space<vmem>>
      %dma_wait3A_517 = tpu.memref_squeeze %dma_wait3A_516 : memref<1x128xi32, #tpu.memory_space<vmem>> -> memref<128xi32, #tpu.memory_space<vmem>>
      %dma_wait3A_518 = arith.constant 0 : i32
      %dma_wait3A_519 = arith.constant 0 : i32
      %dma_wait3A_520 = tpu.memref_slice %arg7[%dma_wait3A_518, %dma_wait3A_519] : memref<10016x16xf32, #tpu.memory_space<vmem_shared>> -> memref<10016x16xf32, #tpu.memory_space<vmem_shared>>
      tpu.wait_indirect_dma semaphore(%arg8 : memref<!tpu.dma_semaphore, #tpu.memory_space<semaphore_mem>>) src(%arg5 : memref<128x16xf32, #tpu.memory_space<vmem>>) dst(%dma_wait3A_520 : memref<10016x16xf32, #tpu.memory_space<vmem_shared>>)
      %dma_wait3A_521 = arith.constant 0 : i32
      %dma_wait3A_522 = tpu.memref_slice %arg4[%add3A_462, %dma_wait3A_521] : memref<80x128xi32, #tpu.memory_space<vmem>> -> memref<1x128xi32, #tpu.memory_space<vmem>>
      %dma_wait3A_523 = tpu.memref_squeeze %dma_wait3A_522 : memref<1x128xi32, #tpu.memory_space<vmem>> -> memref<128xi32, #tpu.memory_space<vmem>>
      %dma_wait3A_524 = arith.constant 0 : i32
      %dma_wait3A_525 = arith.constant 0 : i32
      %dma_wait3A_526 = tpu.memref_slice %arg7[%dma_wait3A_524, %dma_wait3A_525] : memref<10016x16xf32, #tpu.memory_space<vmem_shared>> -> memref<10016x16xf32, #tpu.memory_space<vmem_shared>>
      tpu.wait_indirect_dma semaphore(%arg8 : memref<!tpu.dma_semaphore, #tpu.memory_space<semaphore_mem>>) src(%arg5 : memref<128x16xf32, #tpu.memory_space<vmem>>) dst(%dma_wait3A_526 : memref<10016x16xf32, #tpu.memory_space<vmem_shared>>)
      %dma_wait3A_527 = arith.constant 0 : i32
      %dma_wait3A_528 = tpu.memref_slice %arg4[%add3A_470, %dma_wait3A_527] : memref<80x128xi32, #tpu.memory_space<vmem>> -> memref<1x128xi32, #tpu.memory_space<vmem>>
      %dma_wait3A_529 = tpu.memref_squeeze %dma_wait3A_528 : memref<1x128xi32, #tpu.memory_space<vmem>> -> memref<128xi32, #tpu.memory_space<vmem>>
      %dma_wait3A_530 = arith.constant 0 : i32
      %dma_wait3A_531 = arith.constant 0 : i32
      %dma_wait3A_532 = tpu.memref_slice %arg7[%dma_wait3A_530, %dma_wait3A_531] : memref<10016x16xf32, #tpu.memory_space<vmem_shared>> -> memref<10016x16xf32, #tpu.memory_space<vmem_shared>>
      tpu.wait_indirect_dma semaphore(%arg8 : memref<!tpu.dma_semaphore, #tpu.memory_space<semaphore_mem>>) src(%arg5 : memref<128x16xf32, #tpu.memory_space<vmem>>) dst(%dma_wait3A_532 : memref<10016x16xf32, #tpu.memory_space<vmem_shared>>)
      %dma_wait3A_533 = arith.constant 0 : i32
      %dma_wait3A_534 = tpu.memref_slice %arg4[%add3A_478, %dma_wait3A_533] : memref<80x128xi32, #tpu.memory_space<vmem>> -> memref<1x128xi32, #tpu.memory_space<vmem>>
      %dma_wait3A_535 = tpu.memref_squeeze %dma_wait3A_534 : memref<1x128xi32, #tpu.memory_space<vmem>> -> memref<128xi32, #tpu.memory_space<vmem>>
      %dma_wait3A_536 = arith.constant 0 : i32
      %dma_wait3A_537 = arith.constant 0 : i32
      %dma_wait3A_538 = tpu.memref_slice %arg7[%dma_wait3A_536, %dma_wait3A_537] : memref<10016x16xf32, #tpu.memory_space<vmem_shared>> -> memref<10016x16xf32, #tpu.memory_space<vmem_shared>>
      tpu.wait_indirect_dma semaphore(%arg8 : memref<!tpu.dma_semaphore, #tpu.memory_space<semaphore_mem>>) src(%arg5 : memref<128x16xf32, #tpu.memory_space<vmem>>) dst(%dma_wait3A_538 : memref<10016x16xf32, #tpu.memory_space<vmem_shared>>)
      %dma_wait3A_539 = arith.constant 0 : i32
      %dma_wait3A_540 = tpu.memref_slice %arg4[%add3A_486, %dma_wait3A_539] : memref<80x128xi32, #tpu.memory_space<vmem>> -> memref<1x128xi32, #tpu.memory_space<vmem>>
      %dma_wait3A_541 = tpu.memref_squeeze %dma_wait3A_540 : memref<1x128xi32, #tpu.memory_space<vmem>> -> memref<128xi32, #tpu.memory_space<vmem>>
      %dma_wait3A_542 = arith.constant 0 : i32
      %dma_wait3A_543 = arith.constant 0 : i32
      %dma_wait3A_544 = tpu.memref_slice %arg7[%dma_wait3A_542, %dma_wait3A_543] : memref<10016x16xf32, #tpu.memory_space<vmem_shared>> -> memref<10016x16xf32, #tpu.memory_space<vmem_shared>>
      tpu.wait_indirect_dma semaphore(%arg8 : memref<!tpu.dma_semaphore, #tpu.memory_space<semaphore_mem>>) src(%arg5 : memref<128x16xf32, #tpu.memory_space<vmem>>) dst(%dma_wait3A_544 : memref<10016x16xf32, #tpu.memory_space<vmem_shared>>)
      %dma_wait3A_545 = arith.constant 0 : i32
      %dma_wait3A_546 = tpu.memref_slice %arg4[%add3A_494, %dma_wait3A_545] : memref<80x128xi32, #tpu.memory_space<vmem>> -> memref<1x128xi32, #tpu.memory_space<vmem>>
      %dma_wait3A_547 = tpu.memref_squeeze %dma_wait3A_546 : memref<1x128xi32, #tpu.memory_space<vmem>> -> memref<128xi32, #tpu.memory_space<vmem>>
      %dma_wait3A_548 = arith.constant 0 : i32
      %dma_wait3A_549 = arith.constant 0 : i32
      %dma_wait3A_550 = tpu.memref_slice %arg7[%dma_wait3A_548, %dma_wait3A_549] : memref<10016x16xf32, #tpu.memory_space<vmem_shared>> -> memref<10016x16xf32, #tpu.memory_space<vmem_shared>>
      tpu.wait_indirect_dma semaphore(%arg8 : memref<!tpu.dma_semaphore, #tpu.memory_space<semaphore_mem>>) src(%arg5 : memref<128x16xf32, #tpu.memory_space<vmem>>) dst(%dma_wait3A_550 : memref<10016x16xf32, #tpu.memory_space<vmem_shared>>)
      %dma_wait3A_551 = arith.constant 0 : i32
      %dma_wait3A_552 = tpu.memref_slice %arg4[%add3A_502, %dma_wait3A_551] : memref<80x128xi32, #tpu.memory_space<vmem>> -> memref<1x128xi32, #tpu.memory_space<vmem>>
      %dma_wait3A_553 = tpu.memref_squeeze %dma_wait3A_552 : memref<1x128xi32, #tpu.memory_space<vmem>> -> memref<128xi32, #tpu.memory_space<vmem>>
      %dma_wait3A_554 = arith.constant 0 : i32
      %dma_wait3A_555 = arith.constant 0 : i32
      %dma_wait3A_556 = tpu.memref_slice %arg7[%dma_wait3A_554, %dma_wait3A_555] : memref<10016x16xf32, #tpu.memory_space<vmem_shared>> -> memref<10016x16xf32, #tpu.memory_space<vmem_shared>>
      tpu.wait_indirect_dma semaphore(%arg8 : memref<!tpu.dma_semaphore, #tpu.memory_space<semaphore_mem>>) src(%arg5 : memref<128x16xf32, #tpu.memory_space<vmem>>) dst(%dma_wait3A_556 : memref<10016x16xf32, #tpu.memory_space<vmem_shared>>)
      %scan3A_557 = arith.constant 0 : i32
      scf.yield %scan3A_557 : i32
    }
    %scan3A_437 = arith.constant 10 : i32
    %barrier3A_438 = arith.constant 0 : index
    tpu.barrier barrier_id(%barrier3A_438)
    %mul3A_439 = arith.constant 626 : i32
    %mul3A_440 = arith.muli %arg1, %mul3A_439 : i32
    "tpu.region"() ({
      %run_scoped3A = tpu.sem_alloc : memref<!tpu.dma_semaphore, #tpu.memory_space<semaphore_mem>>
      %dma_start3A_441 = arith.constant 0 : i32
      %dma_start3A_442 = tpu.memref_slice %arg3[%arg0, %mul3A_440, %dma_start3A_441] : memref<2x10016x8xf32, #tpu.memory_space<hbm>> -> memref<1x626x8xf32, #tpu.memory_space<hbm>>
      %dma_start3A_443 = tpu.memref_squeeze %dma_start3A_442 : memref<1x626x8xf32, #tpu.memory_space<hbm>> -> memref<626x8xf32, #tpu.memory_space<hbm>>
      %dma_start3A_444 = arith.constant 0 : i32
      %dma_start3A_445 = tpu.memref_slice %arg7[%mul3A_440, %dma_start3A_444] : memref<10016x16xf32, #tpu.memory_space<vmem_shared>> -> memref<626x8xf32, #tpu.memory_space<vmem_shared>>
      tpu.enqueue_dma source(%dma_start3A_445 : memref<626x8xf32, #tpu.memory_space<vmem_shared>>) target(%dma_start3A_443 : memref<626x8xf32, #tpu.memory_space<hbm>>) target_semaphore(%run_scoped3A : memref<!tpu.dma_semaphore, #tpu.memory_space<semaphore_mem>>)
      %dma_wait3A_446 = arith.constant 0 : i32
      %dma_wait3A_447 = tpu.memref_slice %arg3[%arg0, %mul3A_440, %dma_wait3A_446] : memref<2x10016x8xf32, #tpu.memory_space<hbm>> -> memref<1x626x8xf32, #tpu.memory_space<hbm>>
      %dma_wait3A_448 = tpu.memref_squeeze %dma_wait3A_447 : memref<1x626x8xf32, #tpu.memory_space<hbm>> -> memref<626x8xf32, #tpu.memory_space<hbm>>
      %dma_wait3A_449 = arith.constant 0 : i32
      %dma_wait3A_450 = tpu.memref_slice %arg7[%mul3A_440, %dma_wait3A_449] : memref<10016x16xf32, #tpu.memory_space<vmem_shared>> -> memref<626x8xf32, #tpu.memory_space<vmem_shared>>
      tpu.wait_dma2 semaphore(%run_scoped3A : memref<!tpu.dma_semaphore, #tpu.memory_space<semaphore_mem>>) src(%dma_wait3A_450 : memref<626x8xf32, #tpu.memory_space<vmem_shared>>) dst(%dma_wait3A_448 : memref<626x8xf32, #tpu.memory_space<hbm>>)
      tpu.yield
    }) : () -> ()
    return
  }
}

#map = affine_map<(d0, d1) -> (0, 0)>
#map1 = affine_map<(d0, d1) -> (0, 0, 0)>
module attributes {stable_mosaic.version = 14 : i64} {
  func.func @body(%arg0: i32, %arg1: i32, %arg2: memref<10000x32xf32, #tpu.memory_space<hbm>>, %arg3: memref<2560x128xi32, #tpu.memory_space<hbm>>, %arg4: memref<2560x128xi32, #tpu.memory_space<hbm>>, %arg5: memref<2x10016x32xf32, #tpu.memory_space<hbm>>, %arg6: memref<80x128xi32, #tpu.memory_space<vmem>>, %arg7: memref<80x128xi32, #tpu.memory_space<vmem>>, %arg8: memref<3x128x32xf32, #tpu.memory_space<vmem>>, %arg9: memref<10016x32xf32, #tpu.memory_space<vmem_shared>>, %arg10: memref<10016x32xf32, #tpu.memory_space<vmem_shared>>, %arg11: memref<!tpu.dma_semaphore, #tpu.memory_space<semaphore_mem>>, %arg12: memref<!tpu.dma_semaphore, #tpu.memory_space<semaphore_mem>>) attributes {dimension_semantics = [#tpu.dimension_semantics<core_parallel>, #tpu.dimension_semantics<subcore_parallel>], iteration_bounds = array<i64: 2, 16>, scalar_prefetch = 0 : i64, scratch_operands = 7 : i64, tpu.core_type = #tpu.core_type<sc_vector_subcore>, window_params = [{transform_indices = #map}, {transform_indices = #map}, {transform_indices = #map}, {transform_indices = #map1}]} {
    %mul3A = arith.constant 2 : i32
    %mul3A_0 = arith.muli %arg1, %mul3A : i32
    %add3A = arith.addi %mul3A_0, %arg0 : i32
    %mul3A_1 = arith.constant 80 : i32
    %mul3A_2 = arith.muli %add3A, %mul3A_1 : i32
    "tpu.region"() ({
      %run_scoped3A = tpu.sem_alloc : memref<!tpu.dma_semaphore, #tpu.memory_space<semaphore_mem>>
      %dma_start3A_190 = arith.constant 0 : i32
      %dma_start3A_191 = tpu.memref_slice %arg3[%mul3A_2, %dma_start3A_190] : memref<2560x128xi32, #tpu.memory_space<hbm>> -> memref<80x128xi32, #tpu.memory_space<hbm>>
      %dma_start3A_192 = arith.constant 0 : i32
      %dma_start3A_193 = tpu.memref_slice %arg3[%mul3A_2, %dma_start3A_192] : memref<2560x128xi32, #tpu.memory_space<hbm>> -> memref<80x128xi32, #tpu.memory_space<hbm>>
      tpu.enqueue_dma source(%dma_start3A_193 : memref<80x128xi32, #tpu.memory_space<hbm>>) target(%arg6 : memref<80x128xi32, #tpu.memory_space<vmem>>) target_semaphore(%run_scoped3A : memref<!tpu.dma_semaphore, #tpu.memory_space<semaphore_mem>>)
      %dma_wait3A_194 = arith.constant 0 : i32
      %dma_wait3A_195 = tpu.memref_slice %arg3[%mul3A_2, %dma_wait3A_194] : memref<2560x128xi32, #tpu.memory_space<hbm>> -> memref<80x128xi32, #tpu.memory_space<hbm>>
      %dma_wait3A_196 = arith.constant 0 : i32
      %dma_wait3A_197 = tpu.memref_slice %arg3[%mul3A_2, %dma_wait3A_196] : memref<2560x128xi32, #tpu.memory_space<hbm>> -> memref<80x128xi32, #tpu.memory_space<hbm>>
      tpu.wait_dma2 semaphore(%run_scoped3A : memref<!tpu.dma_semaphore, #tpu.memory_space<semaphore_mem>>) src(%dma_wait3A_197 : memref<80x128xi32, #tpu.memory_space<hbm>>) dst(%arg6 : memref<80x128xi32, #tpu.memory_space<vmem>>)
      tpu.yield
    }) : () -> ()
    %mul3A_3 = arith.constant 80 : i32
    %mul3A_4 = arith.muli %add3A, %mul3A_3 : i32
    "tpu.region"() ({
      %run_scoped3A = tpu.sem_alloc : memref<!tpu.dma_semaphore, #tpu.memory_space<semaphore_mem>>
      %dma_start3A_190 = arith.constant 0 : i32
      %dma_start3A_191 = tpu.memref_slice %arg4[%mul3A_4, %dma_start3A_190] : memref<2560x128xi32, #tpu.memory_space<hbm>> -> memref<80x128xi32, #tpu.memory_space<hbm>>
      %dma_start3A_192 = arith.constant 0 : i32
      %dma_start3A_193 = tpu.memref_slice %arg4[%mul3A_4, %dma_start3A_192] : memref<2560x128xi32, #tpu.memory_space<hbm>> -> memref<80x128xi32, #tpu.memory_space<hbm>>
      tpu.enqueue_dma source(%dma_start3A_193 : memref<80x128xi32, #tpu.memory_space<hbm>>) target(%arg7 : memref<80x128xi32, #tpu.memory_space<vmem>>) target_semaphore(%run_scoped3A : memref<!tpu.dma_semaphore, #tpu.memory_space<semaphore_mem>>)
      %dma_wait3A_194 = arith.constant 0 : i32
      %dma_wait3A_195 = tpu.memref_slice %arg4[%mul3A_4, %dma_wait3A_194] : memref<2560x128xi32, #tpu.memory_space<hbm>> -> memref<80x128xi32, #tpu.memory_space<hbm>>
      %dma_wait3A_196 = arith.constant 0 : i32
      %dma_wait3A_197 = tpu.memref_slice %arg4[%mul3A_4, %dma_wait3A_196] : memref<2560x128xi32, #tpu.memory_space<hbm>> -> memref<80x128xi32, #tpu.memory_space<hbm>>
      tpu.wait_dma2 semaphore(%run_scoped3A : memref<!tpu.dma_semaphore, #tpu.memory_space<semaphore_mem>>) src(%dma_wait3A_197 : memref<80x128xi32, #tpu.memory_space<hbm>>) dst(%arg7 : memref<80x128xi32, #tpu.memory_space<vmem>>)
      tpu.yield
    }) : () -> ()
    %broadcast_in_dim3A = arith.constant 0.000000e+00 : f32
    %broadcast_in_dim3A_5 = vector.broadcast %broadcast_in_dim3A : f32 to vector<16xf32>
    %scan3A = arith.constant 0 : i32
    %scan3A_6 = arith.constant 0 : i32
    %scan3A_7 = arith.constant 256 : i32
    %scan3A_8 = arith.addi %scan3A_6, %scan3A_7 : i32
    %scan3A_9 = arith.constant 1 : i32
    %scan3A_10 = scf.for %scan3A_190 = %scan3A_6 to %scan3A_8 step %scan3A_9 iter_args(%scan3A_191 = %scan3A) -> (i32)  : i32 {
      %jit3A = arith.constant 2 : i32
      %div3A = arith.divsi %scan3A_190, %jit3A : i32
      %sign3A = arith.constant 0 : i32
      %sign3A_192 = arith.cmpi sgt, %scan3A_190, %sign3A : i32
      %sign3A_193 = arith.extui %sign3A_192 : i1 to i32
      %sign3A_194 = arith.constant 0 : i32
      %sign3A_195 = arith.cmpi slt, %scan3A_190, %sign3A_194 : i32
      %sign3A_196 = arith.extui %sign3A_195 : i1 to i32
      %sign3A_197 = arith.subi %sign3A_193, %sign3A_196 : i32
      %sign3A_198 = arith.constant 0 : i32
      %sign3A_199 = arith.cmpi sgt, %jit3A, %sign3A_198 : i32
      %sign3A_200 = arith.extui %sign3A_199 : i1 to i32
      %sign3A_201 = arith.constant 0 : i32
      %sign3A_202 = arith.cmpi slt, %jit3A, %sign3A_201 : i32
      %sign3A_203 = arith.extui %sign3A_202 : i1 to i32
      %sign3A_204 = arith.subi %sign3A_200, %sign3A_203 : i32
      %ne3A_205 = arith.cmpi ne, %sign3A_197, %sign3A_204 : i32
      %rem3A = arith.remsi %scan3A_190, %jit3A : i32
      %ne3A_206 = arith.constant 0 : i32
      %ne3A_207 = arith.cmpi ne, %rem3A, %ne3A_206 : i32
      %and3A = arith.andi %ne3A_205, %ne3A_207 : i1
      %sub3A = arith.constant 1 : i32
      %sub3A_208 = arith.subi %div3A, %sub3A : i32
      %select_n3A = arith.select %and3A, %sub3A_208, %div3A : i32
      %jit3A_209 = arith.constant 2 : i32
      %eq3A_210 = arith.constant 0 : i32
      %eq3A_211 = arith.cmpi eq, %jit3A_209, %eq3A_210 : i32
      %jit3A_212 = arith.constant 1 : i32
      %select_n3A_213 = arith.select %eq3A_211, %jit3A_212, %jit3A_209 : i32
      %rem3A_214 = arith.remsi %scan3A_190, %select_n3A_213 : i32
      %ne3A_215 = arith.constant 0 : i32
      %ne3A_216 = arith.cmpi ne, %rem3A_214, %ne3A_215 : i32
      %lt3A = arith.constant 0 : i32
      %lt3A_217 = arith.cmpi slt, %rem3A_214, %lt3A : i32
      %lt3A_218 = arith.constant 0 : i32
      %lt3A_219 = arith.cmpi slt, %select_n3A_213, %lt3A_218 : i32
      %ne3A_220 = arith.xori %lt3A_217, %lt3A_219 : i1
      %and3A_221 = arith.andi %ne3A_220, %ne3A_216 : i1
      %add3A_222 = arith.addi %rem3A_214, %select_n3A_213 : i32
      %select_n3A_223 = arith.select %and3A_221, %add3A_222, %rem3A_214 : i32
      %mul3A_224 = arith.constant 16 : i32
      %mul3A_225 = arith.muli %select_n3A_223, %mul3A_224 : i32
      %swap3A = arith.constant 0 : i32
      %swap3A_226 = arith.index_cast %swap3A : i32 to index
      %swap3A_227 = arith.index_cast %select_n3A : i32 to index
      %swap3A_228 = arith.index_cast %mul3A_225 : i32 to index
      %swap3A_229 = tpu.vector_load %arg8[%swap3A_226, %swap3A_227, %swap3A_228] {strides = array<i32>} : memref<3x128x32xf32, #tpu.memory_space<vmem>>, vector<1x1x16xf32>,
      %swap3A_230 = vector.shape_cast %swap3A_229 : vector<1x1x16xf32> to vector<16xf32>
      %swap3A_231 = vector.shape_cast %broadcast_in_dim3A_5 : vector<16xf32> to vector<1x1x16xf32>
      tpu.vector_store %arg8[%swap3A_226, %swap3A_227, %swap3A_228], %swap3A_231 {strides = array<i32>} : memref<3x128x32xf32, #tpu.memory_space<vmem>>, vector<1x1x16xf32>,
      %scan3A_232 = arith.constant 0 : i32
      scf.yield %scan3A_232 : i32
    }
    %scan3A_11 = arith.constant 256 : i32
    %mul3A_12 = arith.constant 626 : i32
    %mul3A_13 = arith.muli %arg1, %mul3A_12 : i32
    %add3A_14 = arith.constant 0 : i32
    %add3A_15 = arith.addi %mul3A_13, %add3A_14 : i32
    %dma_start3A = arith.constant 0 : i32
    %dma_start3A_16 = arith.constant 0 : i32
    %dma_start3A_17 = arith.constant 0 : i32
    %dma_start3A_18 = tpu.memref_slice %arg8[%dma_start3A, %dma_start3A_16, %dma_start3A_17] : memref<3x128x32xf32, #tpu.memory_space<vmem>> -> memref<1x128x32xf32, #tpu.memory_space<vmem>>
    %dma_start3A_19 = tpu.memref_squeeze %dma_start3A_18 : memref<1x128x32xf32, #tpu.memory_space<vmem>> -> memref<128x32xf32, #tpu.memory_space<vmem>>
    %dma_start3A_20 = arith.constant 0 : i32
    %dma_start3A_21 = tpu.memref_slice %arg9[%add3A_15, %dma_start3A_20] : memref<10016x32xf32, #tpu.memory_space<vmem_shared>> -> memref<128x32xf32, #tpu.memory_space<vmem_shared>>
    %dma_start3A_22 = arith.constant 0 : i32
    %dma_start3A_23 = tpu.memref_slice %arg9[%add3A_15, %dma_start3A_22] : memref<10016x32xf32, #tpu.memory_space<vmem_shared>> -> memref<128x32xf32, #tpu.memory_space<vmem_shared>>
    %dma_start3A_24 = arith.constant 0 : i32
    %dma_start3A_25 = arith.constant 0 : i32
    %dma_start3A_26 = tpu.memref_slice %arg8[%dma_start3A, %dma_start3A_24, %dma_start3A_25] : memref<3x128x32xf32, #tpu.memory_space<vmem>> -> memref<1x128x32xf32, #tpu.memory_space<vmem>>
    %dma_start3A_27 = tpu.memref_squeeze %dma_start3A_26 : memref<1x128x32xf32, #tpu.memory_space<vmem>> -> memref<128x32xf32, #tpu.memory_space<vmem>>
    tpu.enqueue_dma source(%dma_start3A_27 : memref<128x32xf32, #tpu.memory_space<vmem>>) target(%dma_start3A_23 : memref<128x32xf32, #tpu.memory_space<vmem_shared>>) target_semaphore(%arg12 : memref<!tpu.dma_semaphore, #tpu.memory_space<semaphore_mem>>)
    %add3A_28 = arith.constant 128 : i32
    %add3A_29 = arith.addi %mul3A_13, %add3A_28 : i32
    %dma_start3A_30 = arith.constant 0 : i32
    %dma_start3A_31 = arith.constant 0 : i32
    %dma_start3A_32 = arith.constant 0 : i32
    %dma_start3A_33 = tpu.memref_slice %arg8[%dma_start3A_30, %dma_start3A_31, %dma_start3A_32] : memref<3x128x32xf32, #tpu.memory_space<vmem>> -> memref<1x128x32xf32, #tpu.memory_space<vmem>>
    %dma_start3A_34 = tpu.memref_squeeze %dma_start3A_33 : memref<1x128x32xf32, #tpu.memory_space<vmem>> -> memref<128x32xf32, #tpu.memory_space<vmem>>
    %dma_start3A_35 = arith.constant 0 : i32
    %dma_start3A_36 = tpu.memref_slice %arg9[%add3A_29, %dma_start3A_35] : memref<10016x32xf32, #tpu.memory_space<vmem_shared>> -> memref<128x32xf32, #tpu.memory_space<vmem_shared>>
    %dma_start3A_37 = arith.constant 0 : i32
    %dma_start3A_38 = tpu.memref_slice %arg9[%add3A_29, %dma_start3A_37] : memref<10016x32xf32, #tpu.memory_space<vmem_shared>> -> memref<128x32xf32, #tpu.memory_space<vmem_shared>>
    %dma_start3A_39 = arith.constant 0 : i32
    %dma_start3A_40 = arith.constant 0 : i32
    %dma_start3A_41 = tpu.memref_slice %arg8[%dma_start3A_30, %dma_start3A_39, %dma_start3A_40] : memref<3x128x32xf32, #tpu.memory_space<vmem>> -> memref<1x128x32xf32, #tpu.memory_space<vmem>>
    %dma_start3A_42 = tpu.memref_squeeze %dma_start3A_41 : memref<1x128x32xf32, #tpu.memory_space<vmem>> -> memref<128x32xf32, #tpu.memory_space<vmem>>
    tpu.enqueue_dma source(%dma_start3A_42 : memref<128x32xf32, #tpu.memory_space<vmem>>) target(%dma_start3A_38 : memref<128x32xf32, #tpu.memory_space<vmem_shared>>) target_semaphore(%arg12 : memref<!tpu.dma_semaphore, #tpu.memory_space<semaphore_mem>>)
    %add3A_43 = arith.constant 256 : i32
    %add3A_44 = arith.addi %mul3A_13, %add3A_43 : i32
    %dma_start3A_45 = arith.constant 0 : i32
    %dma_start3A_46 = arith.constant 0 : i32
    %dma_start3A_47 = arith.constant 0 : i32
    %dma_start3A_48 = tpu.memref_slice %arg8[%dma_start3A_45, %dma_start3A_46, %dma_start3A_47] : memref<3x128x32xf32, #tpu.memory_space<vmem>> -> memref<1x128x32xf32, #tpu.memory_space<vmem>>
    %dma_start3A_49 = tpu.memref_squeeze %dma_start3A_48 : memref<1x128x32xf32, #tpu.memory_space<vmem>> -> memref<128x32xf32, #tpu.memory_space<vmem>>
    %dma_start3A_50 = arith.constant 0 : i32
    %dma_start3A_51 = tpu.memref_slice %arg9[%add3A_44, %dma_start3A_50] : memref<10016x32xf32, #tpu.memory_space<vmem_shared>> -> memref<128x32xf32, #tpu.memory_space<vmem_shared>>
    %dma_start3A_52 = arith.constant 0 : i32
    %dma_start3A_53 = tpu.memref_slice %arg9[%add3A_44, %dma_start3A_52] : memref<10016x32xf32, #tpu.memory_space<vmem_shared>> -> memref<128x32xf32, #tpu.memory_space<vmem_shared>>
    %dma_start3A_54 = arith.constant 0 : i32
    %dma_start3A_55 = arith.constant 0 : i32
    %dma_start3A_56 = tpu.memref_slice %arg8[%dma_start3A_45, %dma_start3A_54, %dma_start3A_55] : memref<3x128x32xf32, #tpu.memory_space<vmem>> -> memref<1x128x32xf32, #tpu.memory_space<vmem>>
    %dma_start3A_57 = tpu.memref_squeeze %dma_start3A_56 : memref<1x128x32xf32, #tpu.memory_space<vmem>> -> memref<128x32xf32, #tpu.memory_space<vmem>>
    tpu.enqueue_dma source(%dma_start3A_57 : memref<128x32xf32, #tpu.memory_space<vmem>>) target(%dma_start3A_53 : memref<128x32xf32, #tpu.memory_space<vmem_shared>>) target_semaphore(%arg12 : memref<!tpu.dma_semaphore, #tpu.memory_space<semaphore_mem>>)
    %add3A_58 = arith.constant 384 : i32
    %add3A_59 = arith.addi %mul3A_13, %add3A_58 : i32
    %dma_start3A_60 = arith.constant 0 : i32
    %dma_start3A_61 = arith.constant 0 : i32
    %dma_start3A_62 = arith.constant 0 : i32
    %dma_start3A_63 = tpu.memref_slice %arg8[%dma_start3A_60, %dma_start3A_61, %dma_start3A_62] : memref<3x128x32xf32, #tpu.memory_space<vmem>> -> memref<1x128x32xf32, #tpu.memory_space<vmem>>
    %dma_start3A_64 = tpu.memref_squeeze %dma_start3A_63 : memref<1x128x32xf32, #tpu.memory_space<vmem>> -> memref<128x32xf32, #tpu.memory_space<vmem>>
    %dma_start3A_65 = arith.constant 0 : i32
    %dma_start3A_66 = tpu.memref_slice %arg9[%add3A_59, %dma_start3A_65] : memref<10016x32xf32, #tpu.memory_space<vmem_shared>> -> memref<128x32xf32, #tpu.memory_space<vmem_shared>>
    %dma_start3A_67 = arith.constant 0 : i32
    %dma_start3A_68 = tpu.memref_slice %arg9[%add3A_59, %dma_start3A_67] : memref<10016x32xf32, #tpu.memory_space<vmem_shared>> -> memref<128x32xf32, #tpu.memory_space<vmem_shared>>
    %dma_start3A_69 = arith.constant 0 : i32
    %dma_start3A_70 = arith.constant 0 : i32
    %dma_start3A_71 = tpu.memref_slice %arg8[%dma_start3A_60, %dma_start3A_69, %dma_start3A_70] : memref<3x128x32xf32, #tpu.memory_space<vmem>> -> memref<1x128x32xf32, #tpu.memory_space<vmem>>
    %dma_start3A_72 = tpu.memref_squeeze %dma_start3A_71 : memref<1x128x32xf32, #tpu.memory_space<vmem>> -> memref<128x32xf32, #tpu.memory_space<vmem>>
    tpu.enqueue_dma source(%dma_start3A_72 : memref<128x32xf32, #tpu.memory_space<vmem>>) target(%dma_start3A_68 : memref<128x32xf32, #tpu.memory_space<vmem_shared>>) target_semaphore(%arg12 : memref<!tpu.dma_semaphore, #tpu.memory_space<semaphore_mem>>)
    %add3A_73 = arith.constant 512 : i32
    %add3A_74 = arith.addi %mul3A_13, %add3A_73 : i32
    %dma_start3A_75 = arith.constant 0 : i32
    %dma_start3A_76 = arith.constant 0 : i32
    %dma_start3A_77 = arith.constant 0 : i32
    %dma_start3A_78 = tpu.memref_slice %arg8[%dma_start3A_75, %dma_start3A_76, %dma_start3A_77] : memref<3x128x32xf32, #tpu.memory_space<vmem>> -> memref<1x114x32xf32, #tpu.memory_space<vmem>>
    %dma_start3A_79 = tpu.memref_squeeze %dma_start3A_78 : memref<1x114x32xf32, #tpu.memory_space<vmem>> -> memref<114x32xf32, #tpu.memory_space<vmem>>
    %dma_start3A_80 = arith.constant 0 : i32
    %dma_start3A_81 = tpu.memref_slice %arg9[%add3A_74, %dma_start3A_80] : memref<10016x32xf32, #tpu.memory_space<vmem_shared>> -> memref<114x32xf32, #tpu.memory_space<vmem_shared>>
    %dma_start3A_82 = arith.constant 0 : i32
    %dma_start3A_83 = tpu.memref_slice %arg9[%add3A_74, %dma_start3A_82] : memref<10016x32xf32, #tpu.memory_space<vmem_shared>> -> memref<114x32xf32, #tpu.memory_space<vmem_shared>>
    %dma_start3A_84 = arith.constant 0 : i32
    %dma_start3A_85 = arith.constant 0 : i32
    %dma_start3A_86 = tpu.memref_slice %arg8[%dma_start3A_75, %dma_start3A_84, %dma_start3A_85] : memref<3x128x32xf32, #tpu.memory_space<vmem>> -> memref<1x114x32xf32, #tpu.memory_space<vmem>>
    %dma_start3A_87 = tpu.memref_squeeze %dma_start3A_86 : memref<1x114x32xf32, #tpu.memory_space<vmem>> -> memref<114x32xf32, #tpu.memory_space<vmem>>
    tpu.enqueue_dma source(%dma_start3A_87 : memref<114x32xf32, #tpu.memory_space<vmem>>) target(%dma_start3A_83 : memref<114x32xf32, #tpu.memory_space<vmem_shared>>) target_semaphore(%arg12 : memref<!tpu.dma_semaphore, #tpu.memory_space<semaphore_mem>>)
    %eq3A = arith.constant 15 : i32
    %eq3A_88 = arith.cmpi eq, %arg1, %eq3A : i32
    %convert_element_type3A = arith.extui %eq3A_88 : i1 to i32
    %cond3A = arith.constant 0 : i32
    %cond3A_89 = arith.cmpi ne, %convert_element_type3A, %cond3A : i32
    scf.if %cond3A_89 {
      %dma_start3A_190 = arith.constant 9390 : i32
      %dma_start3A_191 = arith.constant 0 : i32
      %dma_start3A_192 = tpu.memref_slice %arg10[%dma_start3A_190, %dma_start3A_191] : memref<10016x32xf32, #tpu.memory_space<vmem_shared>> -> memref<610x32xf32, #tpu.memory_space<vmem_shared>>
      %dma_start3A_193 = arith.constant 9390 : i32
      %dma_start3A_194 = arith.constant 0 : i32
      %dma_start3A_195 = tpu.memref_slice %arg2[%dma_start3A_193, %dma_start3A_194] : memref<10000x32xf32, #tpu.memory_space<hbm>> -> memref<610x32xf32, #tpu.memory_space<hbm>>
      tpu.enqueue_dma source(%dma_start3A_195 : memref<610x32xf32, #tpu.memory_space<hbm>>) target(%dma_start3A_192 : memref<610x32xf32, #tpu.memory_space<vmem_shared>>) target_semaphore(%arg11 : memref<!tpu.dma_semaphore, #tpu.memory_space<semaphore_mem>>)
      %dma_wait3A_196 = arith.constant 9390 : i32
      %dma_wait3A_197 = arith.constant 0 : i32
      %dma_wait3A_198 = tpu.memref_slice %arg10[%dma_wait3A_196, %dma_wait3A_197] : memref<10016x32xf32, #tpu.memory_space<vmem_shared>> -> memref<610x32xf32, #tpu.memory_space<vmem_shared>>
      %dma_wait3A_199 = arith.constant 9390 : i32
      %dma_wait3A_200 = arith.constant 0 : i32
      %dma_wait3A_201 = tpu.memref_slice %arg2[%dma_wait3A_199, %dma_wait3A_200] : memref<10000x32xf32, #tpu.memory_space<hbm>> -> memref<610x32xf32, #tpu.memory_space<hbm>>
      tpu.wait_dma2 semaphore(%arg11 : memref<!tpu.dma_semaphore, #tpu.memory_space<semaphore_mem>>) src(%dma_wait3A_201 : memref<610x32xf32, #tpu.memory_space<hbm>>) dst(%dma_wait3A_198 : memref<610x32xf32, #tpu.memory_space<vmem_shared>>)
    } else {
    }
    %ne3A = arith.constant 15 : i32
    %ne3A_90 = arith.cmpi ne, %arg1, %ne3A : i32
    %convert_element_type3A_91 = arith.extui %ne3A_90 : i1 to i32
    %cond3A_92 = arith.constant 0 : i32
    %cond3A_93 = arith.cmpi ne, %convert_element_type3A_91, %cond3A_92 : i32
    scf.if %cond3A_93 {
      %dma_start3A_190 = arith.constant 0 : i32
      %dma_start3A_191 = tpu.memref_slice %arg10[%mul3A_13, %dma_start3A_190] : memref<10016x32xf32, #tpu.memory_space<vmem_shared>> -> memref<626x32xf32, #tpu.memory_space<vmem_shared>>
      %dma_start3A_192 = arith.constant 0 : i32
      %dma_start3A_193 = tpu.memref_slice %arg2[%mul3A_13, %dma_start3A_192] : memref<10000x32xf32, #tpu.memory_space<hbm>> -> memref<626x32xf32, #tpu.memory_space<hbm>>
      tpu.enqueue_dma source(%dma_start3A_193 : memref<626x32xf32, #tpu.memory_space<hbm>>) target(%dma_start3A_191 : memref<626x32xf32, #tpu.memory_space<vmem_shared>>) target_semaphore(%arg11 : memref<!tpu.dma_semaphore, #tpu.memory_space<semaphore_mem>>)
      %dma_wait3A_194 = arith.constant 0 : i32
      %dma_wait3A_195 = tpu.memref_slice %arg10[%mul3A_13, %dma_wait3A_194] : memref<10016x32xf32, #tpu.memory_space<vmem_shared>> -> memref<626x32xf32, #tpu.memory_space<vmem_shared>>
      %dma_wait3A_196 = arith.constant 0 : i32
      %dma_wait3A_197 = tpu.memref_slice %arg2[%mul3A_13, %dma_wait3A_196] : memref<10000x32xf32, #tpu.memory_space<hbm>> -> memref<626x32xf32, #tpu.memory_space<hbm>>
      tpu.wait_dma2 semaphore(%arg11 : memref<!tpu.dma_semaphore, #tpu.memory_space<semaphore_mem>>) src(%dma_wait3A_197 : memref<626x32xf32, #tpu.memory_space<hbm>>) dst(%dma_wait3A_195 : memref<626x32xf32, #tpu.memory_space<vmem_shared>>)
    } else {
    }
    %dma_wait3A = arith.constant 0 : i32
    %dma_wait3A_94 = arith.constant 0 : i32
    %dma_wait3A_95 = arith.constant 0 : i32
    %dma_wait3A_96 = tpu.memref_slice %arg8[%dma_wait3A, %dma_wait3A_94, %dma_wait3A_95] : memref<3x128x32xf32, #tpu.memory_space<vmem>> -> memref<1x128x32xf32, #tpu.memory_space<vmem>>
    %dma_wait3A_97 = tpu.memref_squeeze %dma_wait3A_96 : memref<1x128x32xf32, #tpu.memory_space<vmem>> -> memref<128x32xf32, #tpu.memory_space<vmem>>
    %dma_wait3A_98 = arith.constant 0 : i32
    %dma_wait3A_99 = tpu.memref_slice %arg9[%add3A_15, %dma_wait3A_98] : memref<10016x32xf32, #tpu.memory_space<vmem_shared>> -> memref<128x32xf32, #tpu.memory_space<vmem_shared>>
    %dma_wait3A_100 = arith.constant 0 : i32
    %dma_wait3A_101 = tpu.memref_slice %arg9[%add3A_15, %dma_wait3A_100] : memref<10016x32xf32, #tpu.memory_space<vmem_shared>> -> memref<128x32xf32, #tpu.memory_space<vmem_shared>>
    %dma_wait3A_102 = arith.constant 0 : i32
    %dma_wait3A_103 = arith.constant 0 : i32
    %dma_wait3A_104 = tpu.memref_slice %arg8[%dma_wait3A, %dma_wait3A_102, %dma_wait3A_103] : memref<3x128x32xf32, #tpu.memory_space<vmem>> -> memref<1x128x32xf32, #tpu.memory_space<vmem>>
    %dma_wait3A_105 = tpu.memref_squeeze %dma_wait3A_104 : memref<1x128x32xf32, #tpu.memory_space<vmem>> -> memref<128x32xf32, #tpu.memory_space<vmem>>
    tpu.wait_dma2 semaphore(%arg12 : memref<!tpu.dma_semaphore, #tpu.memory_space<semaphore_mem>>) src(%dma_wait3A_105 : memref<128x32xf32, #tpu.memory_space<vmem>>) dst(%dma_wait3A_101 : memref<128x32xf32, #tpu.memory_space<vmem_shared>>)
    %dma_wait3A_106 = arith.constant 0 : i32
    %dma_wait3A_107 = arith.constant 0 : i32
    %dma_wait3A_108 = arith.constant 0 : i32
    %dma_wait3A_109 = tpu.memref_slice %arg8[%dma_wait3A_106, %dma_wait3A_107, %dma_wait3A_108] : memref<3x128x32xf32, #tpu.memory_space<vmem>> -> memref<1x128x32xf32, #tpu.memory_space<vmem>>
    %dma_wait3A_110 = tpu.memref_squeeze %dma_wait3A_109 : memref<1x128x32xf32, #tpu.memory_space<vmem>> -> memref<128x32xf32, #tpu.memory_space<vmem>>
    %dma_wait3A_111 = arith.constant 0 : i32
    %dma_wait3A_112 = tpu.memref_slice %arg9[%add3A_29, %dma_wait3A_111] : memref<10016x32xf32, #tpu.memory_space<vmem_shared>> -> memref<128x32xf32, #tpu.memory_space<vmem_shared>>
    %dma_wait3A_113 = arith.constant 0 : i32
    %dma_wait3A_114 = tpu.memref_slice %arg9[%add3A_29, %dma_wait3A_113] : memref<10016x32xf32, #tpu.memory_space<vmem_shared>> -> memref<128x32xf32, #tpu.memory_space<vmem_shared>>
    %dma_wait3A_115 = arith.constant 0 : i32
    %dma_wait3A_116 = arith.constant 0 : i32
    %dma_wait3A_117 = tpu.memref_slice %arg8[%dma_wait3A_106, %dma_wait3A_115, %dma_wait3A_116] : memref<3x128x32xf32, #tpu.memory_space<vmem>> -> memref<1x128x32xf32, #tpu.memory_space<vmem>>
    %dma_wait3A_118 = tpu.memref_squeeze %dma_wait3A_117 : memref<1x128x32xf32, #tpu.memory_space<vmem>> -> memref<128x32xf32, #tpu.memory_space<vmem>>
    tpu.wait_dma2 semaphore(%arg12 : memref<!tpu.dma_semaphore, #tpu.memory_space<semaphore_mem>>) src(%dma_wait3A_118 : memref<128x32xf32, #tpu.memory_space<vmem>>) dst(%dma_wait3A_114 : memref<128x32xf32, #tpu.memory_space<vmem_shared>>)
    %dma_wait3A_119 = arith.constant 0 : i32
    %dma_wait3A_120 = arith.constant 0 : i32
    %dma_wait3A_121 = arith.constant 0 : i32
    %dma_wait3A_122 = tpu.memref_slice %arg8[%dma_wait3A_119, %dma_wait3A_120, %dma_wait3A_121] : memref<3x128x32xf32, #tpu.memory_space<vmem>> -> memref<1x128x32xf32, #tpu.memory_space<vmem>>
    %dma_wait3A_123 = tpu.memref_squeeze %dma_wait3A_122 : memref<1x128x32xf32, #tpu.memory_space<vmem>> -> memref<128x32xf32, #tpu.memory_space<vmem>>
    %dma_wait3A_124 = arith.constant 0 : i32
    %dma_wait3A_125 = tpu.memref_slice %arg9[%add3A_44, %dma_wait3A_124] : memref<10016x32xf32, #tpu.memory_space<vmem_shared>> -> memref<128x32xf32, #tpu.memory_space<vmem_shared>>
    %dma_wait3A_126 = arith.constant 0 : i32
    %dma_wait3A_127 = tpu.memref_slice %arg9[%add3A_44, %dma_wait3A_126] : memref<10016x32xf32, #tpu.memory_space<vmem_shared>> -> memref<128x32xf32, #tpu.memory_space<vmem_shared>>
    %dma_wait3A_128 = arith.constant 0 : i32
    %dma_wait3A_129 = arith.constant 0 : i32
    %dma_wait3A_130 = tpu.memref_slice %arg8[%dma_wait3A_119, %dma_wait3A_128, %dma_wait3A_129] : memref<3x128x32xf32, #tpu.memory_space<vmem>> -> memref<1x128x32xf32, #tpu.memory_space<vmem>>
    %dma_wait3A_131 = tpu.memref_squeeze %dma_wait3A_130 : memref<1x128x32xf32, #tpu.memory_space<vmem>> -> memref<128x32xf32, #tpu.memory_space<vmem>>
    tpu.wait_dma2 semaphore(%arg12 : memref<!tpu.dma_semaphore, #tpu.memory_space<semaphore_mem>>) src(%dma_wait3A_131 : memref<128x32xf32, #tpu.memory_space<vmem>>) dst(%dma_wait3A_127 : memref<128x32xf32, #tpu.memory_space<vmem_shared>>)
    %dma_wait3A_132 = arith.constant 0 : i32
    %dma_wait3A_133 = arith.constant 0 : i32
    %dma_wait3A_134 = arith.constant 0 : i32
    %dma_wait3A_135 = tpu.memref_slice %arg8[%dma_wait3A_132, %dma_wait3A_133, %dma_wait3A_134] : memref<3x128x32xf32, #tpu.memory_space<vmem>> -> memref<1x128x32xf32, #tpu.memory_space<vmem>>
    %dma_wait3A_136 = tpu.memref_squeeze %dma_wait3A_135 : memref<1x128x32xf32, #tpu.memory_space<vmem>> -> memref<128x32xf32, #tpu.memory_space<vmem>>
    %dma_wait3A_137 = arith.constant 0 : i32
    %dma_wait3A_138 = tpu.memref_slice %arg9[%add3A_59, %dma_wait3A_137] : memref<10016x32xf32, #tpu.memory_space<vmem_shared>> -> memref<128x32xf32, #tpu.memory_space<vmem_shared>>
    %dma_wait3A_139 = arith.constant 0 : i32
    %dma_wait3A_140 = tpu.memref_slice %arg9[%add3A_59, %dma_wait3A_139] : memref<10016x32xf32, #tpu.memory_space<vmem_shared>> -> memref<128x32xf32, #tpu.memory_space<vmem_shared>>
    %dma_wait3A_141 = arith.constant 0 : i32
    %dma_wait3A_142 = arith.constant 0 : i32
    %dma_wait3A_143 = tpu.memref_slice %arg8[%dma_wait3A_132, %dma_wait3A_141, %dma_wait3A_142] : memref<3x128x32xf32, #tpu.memory_space<vmem>> -> memref<1x128x32xf32, #tpu.memory_space<vmem>>
    %dma_wait3A_144 = tpu.memref_squeeze %dma_wait3A_143 : memref<1x128x32xf32, #tpu.memory_space<vmem>> -> memref<128x32xf32, #tpu.memory_space<vmem>>
    tpu.wait_dma2 semaphore(%arg12 : memref<!tpu.dma_semaphore, #tpu.memory_space<semaphore_mem>>) src(%dma_wait3A_144 : memref<128x32xf32, #tpu.memory_space<vmem>>) dst(%dma_wait3A_140 : memref<128x32xf32, #tpu.memory_space<vmem_shared>>)
    %dma_wait3A_145 = arith.constant 0 : i32
    %dma_wait3A_146 = arith.constant 0 : i32
    %dma_wait3A_147 = arith.constant 0 : i32
    %dma_wait3A_148 = tpu.memref_slice %arg8[%dma_wait3A_145, %dma_wait3A_146, %dma_wait3A_147] : memref<3x128x32xf32, #tpu.memory_space<vmem>> -> memref<1x114x32xf32, #tpu.memory_space<vmem>>
    %dma_wait3A_149 = tpu.memref_squeeze %dma_wait3A_148 : memref<1x114x32xf32, #tpu.memory_space<vmem>> -> memref<114x32xf32, #tpu.memory_space<vmem>>
    %dma_wait3A_150 = arith.constant 0 : i32
    %dma_wait3A_151 = tpu.memref_slice %arg9[%add3A_74, %dma_wait3A_150] : memref<10016x32xf32, #tpu.memory_space<vmem_shared>> -> memref<114x32xf32, #tpu.memory_space<vmem_shared>>
    %dma_wait3A_152 = arith.constant 0 : i32
    %dma_wait3A_153 = tpu.memref_slice %arg9[%add3A_74, %dma_wait3A_152] : memref<10016x32xf32, #tpu.memory_space<vmem_shared>> -> memref<114x32xf32, #tpu.memory_space<vmem_shared>>
    %dma_wait3A_154 = arith.constant 0 : i32
    %dma_wait3A_155 = arith.constant 0 : i32
    %dma_wait3A_156 = tpu.memref_slice %arg8[%dma_wait3A_145, %dma_wait3A_154, %dma_wait3A_155] : memref<3x128x32xf32, #tpu.memory_space<vmem>> -> memref<1x114x32xf32, #tpu.memory_space<vmem>>
    %dma_wait3A_157 = tpu.memref_squeeze %dma_wait3A_156 : memref<1x114x32xf32, #tpu.memory_space<vmem>> -> memref<114x32xf32, #tpu.memory_space<vmem>>
    tpu.wait_dma2 semaphore(%arg12 : memref<!tpu.dma_semaphore, #tpu.memory_space<semaphore_mem>>) src(%dma_wait3A_157 : memref<114x32xf32, #tpu.memory_space<vmem>>) dst(%dma_wait3A_153 : memref<114x32xf32, #tpu.memory_space<vmem_shared>>)
    %barrier3A = arith.constant 0 : index
    tpu.barrier barrier_id(%barrier3A)
    %dma_start3A_158 = arith.constant 0 : i32
    %dma_start3A_159 = arith.constant 0 : i32
    %dma_start3A_160 = arith.constant 0 : i32
    %dma_start3A_161 = arith.constant 0 : i32
    %dma_start3A_162 = tpu.memref_slice %arg8[%dma_start3A_159, %dma_start3A_160, %dma_start3A_161] : memref<3x128x32xf32, #tpu.memory_space<vmem>> -> memref<1x128x32xf32, #tpu.memory_space<vmem>>
    %dma_start3A_163 = tpu.memref_squeeze %dma_start3A_162 : memref<1x128x32xf32, #tpu.memory_space<vmem>> -> memref<128x32xf32, #tpu.memory_space<vmem>>
    %dma_start3A_164 = arith.constant 0 : i32
    %dma_start3A_165 = tpu.memref_slice %arg6[%dma_start3A_158, %dma_start3A_164] : memref<80x128xi32, #tpu.memory_space<vmem>> -> memref<1x128xi32, #tpu.memory_space<vmem>>
    %dma_start3A_166 = tpu.memref_squeeze %dma_start3A_165 : memref<1x128xi32, #tpu.memory_space<vmem>> -> memref<128xi32, #tpu.memory_space<vmem>>
    %dma_start3A_167 = arith.constant 0 : i32
    %dma_start3A_168 = arith.constant 0 : i32
    %dma_start3A_169 = tpu.memref_slice %arg10[%dma_start3A_167, %dma_start3A_168] : memref<10016x32xf32, #tpu.memory_space<vmem_shared>> -> memref<10016x32xf32, #tpu.memory_space<vmem_shared>>
    tpu.enqueue_indirect_dma source(%dma_start3A_169 : memref<10016x32xf32, #tpu.memory_space<vmem_shared>>) target(%dma_start3A_163 : memref<128x32xf32, #tpu.memory_space<vmem>>) offsets(%dma_start3A_166 : memref<128xi32, #tpu.memory_space<vmem>>) semaphore(%arg11 : memref<!tpu.dma_semaphore, #tpu.memory_space<semaphore_mem>>)
    %dma_start3A_170 = arith.constant 1 : i32
    %dma_start3A_171 = arith.constant 1 : i32
    %dma_start3A_172 = arith.constant 0 : i32
    %dma_start3A_173 = arith.constant 0 : i32
    %dma_start3A_174 = tpu.memref_slice %arg8[%dma_start3A_171, %dma_start3A_172, %dma_start3A_173] : memref<3x128x32xf32, #tpu.memory_space<vmem>> -> memref<1x128x32xf32, #tpu.memory_space<vmem>>
    %dma_start3A_175 = tpu.memref_squeeze %dma_start3A_174 : memref<1x128x32xf32, #tpu.memory_space<vmem>> -> memref<128x32xf32, #tpu.memory_space<vmem>>
    %dma_start3A_176 = arith.constant 0 : i32
    %dma_start3A_177 = tpu.memref_slice %arg6[%dma_start3A_170, %dma_start3A_176] : memref<80x128xi32, #tpu.memory_space<vmem>> -> memref<1x128xi32, #tpu.memory_space<vmem>>
    %dma_start3A_178 = tpu.memref_squeeze %dma_start3A_177 : memref<1x128xi32, #tpu.memory_space<vmem>> -> memref<128xi32, #tpu.memory_space<vmem>>
    %dma_start3A_179 = arith.constant 0 : i32
    %dma_start3A_180 = arith.constant 0 : i32
    %dma_start3A_181 = tpu.memref_slice %arg10[%dma_start3A_179, %dma_start3A_180] : memref<10016x32xf32, #tpu.memory_space<vmem_shared>> -> memref<10016x32xf32, #tpu.memory_space<vmem_shared>>
    tpu.enqueue_indirect_dma source(%dma_start3A_181 : memref<10016x32xf32, #tpu.memory_space<vmem_shared>>) target(%dma_start3A_175 : memref<128x32xf32, #tpu.memory_space<vmem>>) offsets(%dma_start3A_178 : memref<128xi32, #tpu.memory_space<vmem>>) semaphore(%arg11 : memref<!tpu.dma_semaphore, #tpu.memory_space<semaphore_mem>>)
    %scan3A_182 = arith.constant 0 : i32
    %scan3A_183 = arith.constant 0 : i32
    %scan3A_184 = arith.constant 80 : i32
    %scan3A_185 = arith.addi %scan3A_183, %scan3A_184 : i32
    %scan3A_186 = arith.constant 1 : i32
    %scan3A_187 = scf.for %scan3A_190 = %scan3A_183 to %scan3A_185 step %scan3A_186 iter_args(%scan3A_191 = %scan3A_182) -> (i32)  : i32 {
      %jit3A = arith.constant 3 : i32
      %eq3A_192 = arith.constant 0 : i32
      %eq3A_193 = arith.cmpi eq, %jit3A, %eq3A_192 : i32
      %jit3A_194 = arith.constant 1 : i32
      %select_n3A = arith.select %eq3A_193, %jit3A_194, %jit3A : i32
      %rem3A = arith.remsi %scan3A_190, %select_n3A : i32
      %ne3A_195 = arith.constant 0 : i32
      %ne3A_196 = arith.cmpi ne, %rem3A, %ne3A_195 : i32
      %lt3A = arith.constant 0 : i32
      %lt3A_197 = arith.cmpi slt, %rem3A, %lt3A : i32
      %lt3A_198 = arith.constant 0 : i32
      %lt3A_199 = arith.cmpi slt, %select_n3A, %lt3A_198 : i32
      %ne3A_200 = arith.xori %lt3A_197, %lt3A_199 : i1
      %and3A = arith.andi %ne3A_200, %ne3A_196 : i1
      %add3A_201 = arith.addi %rem3A, %select_n3A : i32
      %select_n3A_202 = arith.select %and3A, %add3A_201, %rem3A : i32
      %dma_wait3A_203 = arith.constant 0 : i32
      %dma_wait3A_204 = arith.constant 0 : i32
      %dma_wait3A_205 = tpu.memref_slice %arg8[%select_n3A_202, %dma_wait3A_203, %dma_wait3A_204] : memref<3x128x32xf32, #tpu.memory_space<vmem>> -> memref<1x128x32xf32, #tpu.memory_space<vmem>>
      %dma_wait3A_206 = tpu.memref_squeeze %dma_wait3A_205 : memref<1x128x32xf32, #tpu.memory_space<vmem>> -> memref<128x32xf32, #tpu.memory_space<vmem>>
      %dma_wait3A_207 = arith.constant 0 : i32
      %dma_wait3A_208 = tpu.memref_slice %arg6[%scan3A_190, %dma_wait3A_207] : memref<80x128xi32, #tpu.memory_space<vmem>> -> memref<1x128xi32, #tpu.memory_space<vmem>>
      %dma_wait3A_209 = tpu.memref_squeeze %dma_wait3A_208 : memref<1x128xi32, #tpu.memory_space<vmem>> -> memref<128xi32, #tpu.memory_space<vmem>>
      %dma_wait3A_210 = arith.constant 0 : i32
      %dma_wait3A_211 = arith.constant 0 : i32
      %dma_wait3A_212 = tpu.memref_slice %arg10[%dma_wait3A_210, %dma_wait3A_211] : memref<10016x32xf32, #tpu.memory_space<vmem_shared>> -> memref<10016x32xf32, #tpu.memory_space<vmem_shared>>
      tpu.wait_indirect_dma semaphore(%arg11 : memref<!tpu.dma_semaphore, #tpu.memory_space<semaphore_mem>>) src(%dma_wait3A_212 : memref<10016x32xf32, #tpu.memory_space<vmem_shared>>) dst(%dma_wait3A_206 : memref<128x32xf32, #tpu.memory_space<vmem>>)
      %add3A_213 = arith.constant 2 : i32
      %add3A_214 = arith.addi %scan3A_190, %add3A_213 : i32
      %lt3A_215 = arith.constant 80 : i32
      %lt3A_216 = arith.cmpi slt, %add3A_214, %lt3A_215 : i32
      %convert_element_type3A_217 = arith.extui %lt3A_216 : i1 to i32
      %cond3A_218 = arith.constant 0 : i32
      %cond3A_219 = arith.cmpi ne, %convert_element_type3A_217, %cond3A_218 : i32
      scf.if %cond3A_219 {
        %add3A_221 = arith.constant 2 : i32
        %add3A_222 = arith.addi %scan3A_190, %add3A_221 : i32
        %add3A_223 = arith.constant 2 : i32
        %add3A_224 = arith.addi %scan3A_190, %add3A_223 : i32
        %jit3A_225 = arith.constant 3 : i32
        %eq3A_226 = arith.constant 0 : i32
        %eq3A_227 = arith.cmpi eq, %jit3A_225, %eq3A_226 : i32
        %jit3A_228 = arith.constant 1 : i32
        %select_n3A_229 = arith.select %eq3A_227, %jit3A_228, %jit3A_225 : i32
        %rem3A_230 = arith.remsi %add3A_224, %select_n3A_229 : i32
        %ne3A_231 = arith.constant 0 : i32
        %ne3A_232 = arith.cmpi ne, %rem3A_230, %ne3A_231 : i32
        %lt3A_233 = arith.constant 0 : i32
        %lt3A_234 = arith.cmpi slt, %rem3A_230, %lt3A_233 : i32
        %lt3A_235 = arith.constant 0 : i32
        %lt3A_236 = arith.cmpi slt, %select_n3A_229, %lt3A_235 : i32
        %ne3A_237 = arith.xori %lt3A_234, %lt3A_236 : i1
        %and3A_238 = arith.andi %ne3A_237, %ne3A_232 : i1
        %add3A_239 = arith.addi %rem3A_230, %select_n3A_229 : i32
        %select_n3A_240 = arith.select %and3A_238, %add3A_239, %rem3A_230 : i32
        %dma_start3A_241 = arith.constant 0 : i32
        %dma_start3A_242 = arith.constant 0 : i32
        %dma_start3A_243 = tpu.memref_slice %arg8[%select_n3A_240, %dma_start3A_241, %dma_start3A_242] : memref<3x128x32xf32, #tpu.memory_space<vmem>> -> memref<1x128x32xf32, #tpu.memory_space<vmem>>
        %dma_start3A_244 = tpu.memref_squeeze %dma_start3A_243 : memref<1x128x32xf32, #tpu.memory_space<vmem>> -> memref<128x32xf32, #tpu.memory_space<vmem>>
        %dma_start3A_245 = arith.constant 0 : i32
        %dma_start3A_246 = tpu.memref_slice %arg6[%add3A_222, %dma_start3A_245] : memref<80x128xi32, #tpu.memory_space<vmem>> -> memref<1x128xi32, #tpu.memory_space<vmem>>
        %dma_start3A_247 = tpu.memref_squeeze %dma_start3A_246 : memref<1x128xi32, #tpu.memory_space<vmem>> -> memref<128xi32, #tpu.memory_space<vmem>>
        %dma_start3A_248 = arith.constant 0 : i32
        %dma_start3A_249 = arith.constant 0 : i32
        %dma_start3A_250 = tpu.memref_slice %arg10[%dma_start3A_248, %dma_start3A_249] : memref<10016x32xf32, #tpu.memory_space<vmem_shared>> -> memref<10016x32xf32, #tpu.memory_space<vmem_shared>>
        tpu.enqueue_indirect_dma source(%dma_start3A_250 : memref<10016x32xf32, #tpu.memory_space<vmem_shared>>) target(%dma_start3A_244 : memref<128x32xf32, #tpu.memory_space<vmem>>) offsets(%dma_start3A_247 : memref<128xi32, #tpu.memory_space<vmem>>) semaphore(%arg11 : memref<!tpu.dma_semaphore, #tpu.memory_space<semaphore_mem>>)
      } else {
      }
      "tpu.region"() ({
        %run_scoped3A = tpu.sem_alloc : memref<!tpu.dma_semaphore, #tpu.memory_space<semaphore_mem>>
        %dma_start3A_221 = arith.constant 0 : i32
        %dma_start3A_222 = arith.constant 0 : i32
        %dma_start3A_223 = tpu.memref_slice %arg8[%select_n3A_202, %dma_start3A_221, %dma_start3A_222] : memref<3x128x32xf32, #tpu.memory_space<vmem>> -> memref<1x128x32xf32, #tpu.memory_space<vmem>>
        %dma_start3A_224 = tpu.memref_squeeze %dma_start3A_223 : memref<1x128x32xf32, #tpu.memory_space<vmem>> -> memref<128x32xf32, #tpu.memory_space<vmem>>
        %dma_start3A_225 = arith.constant 0 : i32
        %dma_start3A_226 = tpu.memref_slice %arg7[%scan3A_190, %dma_start3A_225] : memref<80x128xi32, #tpu.memory_space<vmem>> -> memref<1x128xi32, #tpu.memory_space<vmem>>
        %dma_start3A_227 = tpu.memref_squeeze %dma_start3A_226 : memref<1x128xi32, #tpu.memory_space<vmem>> -> memref<128xi32, #tpu.memory_space<vmem>>
        %dma_start3A_228 = arith.constant 0 : i32
        %dma_start3A_229 = arith.constant 0 : i32
        %dma_start3A_230 = tpu.memref_slice %arg9[%dma_start3A_228, %dma_start3A_229] : memref<10016x32xf32, #tpu.memory_space<vmem_shared>> -> memref<10016x32xf32, #tpu.memory_space<vmem_shared>>
        tpu.enqueue_indirect_dma source(%dma_start3A_224 : memref<128x32xf32, #tpu.memory_space<vmem>>) target(%dma_start3A_230 : memref<10016x32xf32, #tpu.memory_space<vmem_shared>>) offsets(%dma_start3A_227 : memref<128xi32, #tpu.memory_space<vmem>>) semaphore(%run_scoped3A : memref<!tpu.dma_semaphore, #tpu.memory_space<semaphore_mem>>) {add = true}
        %dma_wait3A_231 = arith.constant 0 : i32
        %dma_wait3A_232 = arith.constant 0 : i32
        %dma_wait3A_233 = tpu.memref_slice %arg8[%select_n3A_202, %dma_wait3A_231, %dma_wait3A_232] : memref<3x128x32xf32, #tpu.memory_space<vmem>> -> memref<1x128x32xf32, #tpu.memory_space<vmem>>
        %dma_wait3A_234 = tpu.memref_squeeze %dma_wait3A_233 : memref<1x128x32xf32, #tpu.memory_space<vmem>> -> memref<128x32xf32, #tpu.memory_space<vmem>>
        %dma_wait3A_235 = arith.constant 0 : i32
        %dma_wait3A_236 = tpu.memref_slice %arg7[%scan3A_190, %dma_wait3A_235] : memref<80x128xi32, #tpu.memory_space<vmem>> -> memref<1x128xi32, #tpu.memory_space<vmem>>
        %dma_wait3A_237 = tpu.memref_squeeze %dma_wait3A_236 : memref<1x128xi32, #tpu.memory_space<vmem>> -> memref<128xi32, #tpu.memory_space<vmem>>
        %dma_wait3A_238 = arith.constant 0 : i32
        %dma_wait3A_239 = arith.constant 0 : i32
        %dma_wait3A_240 = tpu.memref_slice %arg9[%dma_wait3A_238, %dma_wait3A_239] : memref<10016x32xf32, #tpu.memory_space<vmem_shared>> -> memref<10016x32xf32, #tpu.memory_space<vmem_shared>>
        tpu.wait_indirect_dma semaphore(%run_scoped3A : memref<!tpu.dma_semaphore, #tpu.memory_space<semaphore_mem>>) src(%dma_wait3A_234 : memref<128x32xf32, #tpu.memory_space<vmem>>) dst(%dma_wait3A_240 : memref<10016x32xf32, #tpu.memory_space<vmem_shared>>)
        tpu.yield
      }) : () -> ()
      %scan3A_220 = arith.constant 0 : i32
      scf.yield %scan3A_220 : i32
    }
    %scan3A_188 = arith.constant 80 : i32
    %barrier3A_189 = arith.constant 0 : index
    tpu.barrier barrier_id(%barrier3A_189)
    "tpu.region"() ({
      %run_scoped3A = tpu.sem_alloc : memref<!tpu.dma_semaphore, #tpu.memory_space<semaphore_mem>>
      %dma_start3A_190 = arith.constant 0 : i32
      %dma_start3A_191 = tpu.memref_slice %arg5[%arg0, %mul3A_13, %dma_start3A_190] : memref<2x10016x32xf32, #tpu.memory_space<hbm>> -> memref<1x626x32xf32, #tpu.memory_space<hbm>>
      %dma_start3A_192 = tpu.memref_squeeze %dma_start3A_191 : memref<1x626x32xf32, #tpu.memory_space<hbm>> -> memref<626x32xf32, #tpu.memory_space<hbm>>
      %dma_start3A_193 = arith.constant 0 : i32
      %dma_start3A_194 = tpu.memref_slice %arg9[%mul3A_13, %dma_start3A_193] : memref<10016x32xf32, #tpu.memory_space<vmem_shared>> -> memref<626x32xf32, #tpu.memory_space<vmem_shared>>
      tpu.enqueue_dma source(%dma_start3A_194 : memref<626x32xf32, #tpu.memory_space<vmem_shared>>) target(%dma_start3A_192 : memref<626x32xf32, #tpu.memory_space<hbm>>) target_semaphore(%run_scoped3A : memref<!tpu.dma_semaphore, #tpu.memory_space<semaphore_mem>>)
      %dma_wait3A_195 = arith.constant 0 : i32
      %dma_wait3A_196 = tpu.memref_slice %arg5[%arg0, %mul3A_13, %dma_wait3A_195] : memref<2x10016x32xf32, #tpu.memory_space<hbm>> -> memref<1x626x32xf32, #tpu.memory_space<hbm>>
      %dma_wait3A_197 = tpu.memref_squeeze %dma_wait3A_196 : memref<1x626x32xf32, #tpu.memory_space<hbm>> -> memref<626x32xf32, #tpu.memory_space<hbm>>
      %dma_wait3A_198 = arith.constant 0 : i32
      %dma_wait3A_199 = tpu.memref_slice %arg9[%mul3A_13, %dma_wait3A_198] : memref<10016x32xf32, #tpu.memory_space<vmem_shared>> -> memref<626x32xf32, #tpu.memory_space<vmem_shared>>
      tpu.wait_dma2 semaphore(%run_scoped3A : memref<!tpu.dma_semaphore, #tpu.memory_space<semaphore_mem>>) src(%dma_wait3A_199 : memref<626x32xf32, #tpu.memory_space<vmem_shared>>) dst(%dma_wait3A_197 : memref<626x32xf32, #tpu.memory_space<hbm>>)
      tpu.yield
    }) : () -> ()
    return
  }
}

module attributes {stable_mosaic.version = 14 : i64} {
  func.func @_tc1_body(%arg0: i32, %arg1: memref<2x2000x8xf32, #tpu.memory_space<vmem>>, %arg2: memref<2000x189xf32, #tpu.memory_space<vmem>>, %arg3: memref<189x64xf32, #tpu.memory_space<vmem>>, %arg4: memref<2000x64xf32, #tpu.memory_space<vmem>>) attributes {dimension_semantics = [#tpu.dimension_semantics<arbitrary>], iteration_bounds = array<i64: 5>, scalar_prefetch = 0 : i64, scratch_operands = 0 : i64, tpu.core_type = #tpu.core_type<tc>, window_params = [{transform_indices = @transform_0, window_bounds = array<i64: 2, 2000, 8>}, {transform_indices = @transform_1, window_bounds = array<i64: 2000, 189>}, {pipeline_mode = #tpu.pipeline_mode<synchronous>, transform_indices = @transform_2, window_bounds = array<i64: 189, 64>}, {transform_indices = @transform_3, window_bounds = array<i64: 2000, 64>}]} {
    %get3A = arith.constant 0 : index
    %get3A_0 = arith.constant 0 : index
    %get3A_1 = arith.constant 0 : index
    %get3A_2 = vector.load %arg1[%get3A, %get3A_0, %get3A_1] : memref<2x2000x8xf32, #tpu.memory_space<vmem>>, vector<1x2000x1xf32>
    %get3A_3 = vector.shape_cast %get3A_2 : vector<1x2000x1xf32> to vector<2000x1xf32>
    %get3A_4 = arith.constant 1 : index
    %get3A_5 = arith.constant 0 : index
    %get3A_6 = arith.constant 0 : index
    %get3A_7 = vector.load %arg1[%get3A_4, %get3A_5, %get3A_6] : memref<2x2000x8xf32, #tpu.memory_space<vmem>>, vector<1x2000x1xf32>
    %get3A_8 = vector.shape_cast %get3A_7 : vector<1x2000x1xf32> to vector<2000x1xf32>
    %add3A = arith.addf %get3A_3, %get3A_8 : vector<2000x1xf32>
    %add3A_9 = arith.constant 1.000000e+00 : f32
    %add3A_10 = vector.broadcast %add3A_9 : f32 to vector<2000x1xf32>
    %add3A_11 = arith.addf %add3A, %add3A_10 : vector<2000x1xf32>
    %rsqrt3A = math.rsqrt %add3A_11 : vector<2000x1xf32>
    %get3A_12 = arith.constant 0 : index
    %get3A_13 = arith.constant 0 : index
    %get3A_14 = vector.load %arg2[%get3A_12, %get3A_13] : memref<2000x189xf32, #tpu.memory_space<vmem>>, vector<2000x189xf32>
    %get3A_15 = arith.constant 0 : index
    %get3A_16 = arith.constant 0 : index
    %get3A_17 = vector.load %arg3[%get3A_15, %get3A_16] : memref<189x64xf32, #tpu.memory_space<vmem>>, vector<189x64xf32>
    %dot_general3A = arith.constant dense<0.000000e+00> : vector<2000x64xf32>
    %dot_general3A_18 = tpu.matmul %get3A_14, %get3A_17, %dot_general3A {dimension_numbers = #tpu.dot_dimension_numbers<[1], [0], [0], [1], [0, 0, 1, 1], [], []>, transpose_lhs_hint = false} : vector<2000x189xf32>, vector<189x64xf32>, vector<2000x64xf32> -> vector<2000x64xf32>
    %mul3A = vector.broadcast %rsqrt3A : vector<2000x1xf32> to vector<2000x64xf32>
    %mul3A_19 = arith.mulf %mul3A, %dot_general3A_18 : vector<2000x64xf32>
    %swap3A = arith.constant 0 : index
    %swap3A_20 = arith.constant 0 : index
    %swap3A_21 = vector.load %arg4[%swap3A, %swap3A_20] : memref<2000x64xf32, #tpu.memory_space<vmem>>, vector<2000x64xf32>
    tpu.vector_store %arg4[%swap3A, %swap3A_20], %mul3A_19 {strides = array<i32>} : memref<2000x64xf32, #tpu.memory_space<vmem>>, vector<2000x64xf32>,
    return
  }
  func.func @transform_0(%arg0: i32) -> (i32, i32, i32) {
    %c0_i32 = arith.constant 0 : i32
    %c0_i32_0 = arith.constant 0 : i32
    %c0_i32_1 = arith.constant 0 : i32
    return %c0_i32, %arg0, %c0_i32_0 : i32, i32, i32
  }
  func.func @transform_1(%arg0: i32) -> (i32, i32) {
    %c0_i32 = arith.constant 0 : i32
    %c0_i32_0 = arith.constant 0 : i32
    return %arg0, %c0_i32 : i32, i32
  }
  func.func @transform_2(%arg0: i32) -> (i32, i32) {
    %c0_i32 = arith.constant 0 : i32
    %c0_i32_0 = arith.constant 0 : i32
    %c0_i32_1 = arith.constant 0 : i32
    return %c0_i32, %c0_i32_0 : i32, i32
  }
  func.func @transform_3(%arg0: i32) -> (i32, i32) {
    %c0_i32 = arith.constant 0 : i32
    %c0_i32_0 = arith.constant 0 : i32
    return %arg0, %c0_i32 : i32, i32
  }
}

module attributes {stable_mosaic.version = 14 : i64} {
  func.func @_tc2_body(%arg0: i32, %arg1: memref<2x2000x8xf32, #tpu.memory_space<vmem>>, %arg2: memref<2x2000x64xf32, #tpu.memory_space<vmem>>, %arg3: memref<2000x64xf32, #tpu.memory_space<vmem>>, %arg4: memref<64x32xf32, #tpu.memory_space<vmem>>, %arg5: memref<1x64xf32, #tpu.memory_space<vmem>>, %arg6: memref<2000x32xf32, #tpu.memory_space<vmem>>) attributes {dimension_semantics = [#tpu.dimension_semantics<arbitrary>], iteration_bounds = array<i64: 5>, scalar_prefetch = 0 : i64, scratch_operands = 0 : i64, tpu.core_type = #tpu.core_type<tc>, window_params = [{transform_indices = @transform_0, window_bounds = array<i64: 2, 2000, 8>}, {transform_indices = @transform_1, window_bounds = array<i64: 2, 2000, 64>}, {transform_indices = @transform_2, window_bounds = array<i64: 2000, 64>}, {pipeline_mode = #tpu.pipeline_mode<synchronous>, transform_indices = @transform_3, window_bounds = array<i64: 64, 32>}, {pipeline_mode = #tpu.pipeline_mode<synchronous>, transform_indices = @transform_4, window_bounds = array<i64: 1, 64>}, {transform_indices = @transform_5, window_bounds = array<i64: 2000, 32>}]} {
    %get3A = arith.constant 0 : index
    %get3A_0 = arith.constant 0 : index
    %get3A_1 = arith.constant 0 : index
    %get3A_2 = vector.load %arg1[%get3A, %get3A_0, %get3A_1] : memref<2x2000x8xf32, #tpu.memory_space<vmem>>, vector<1x2000x1xf32>
    %get3A_3 = vector.shape_cast %get3A_2 : vector<1x2000x1xf32> to vector<2000x1xf32>
    %get3A_4 = arith.constant 1 : index
    %get3A_5 = arith.constant 0 : index
    %get3A_6 = arith.constant 0 : index
    %get3A_7 = vector.load %arg1[%get3A_4, %get3A_5, %get3A_6] : memref<2x2000x8xf32, #tpu.memory_space<vmem>>, vector<1x2000x1xf32>
    %get3A_8 = vector.shape_cast %get3A_7 : vector<1x2000x1xf32> to vector<2000x1xf32>
    %add3A = arith.addf %get3A_3, %get3A_8 : vector<2000x1xf32>
    %add3A_9 = arith.constant 1.000000e+00 : f32
    %add3A_10 = vector.broadcast %add3A_9 : f32 to vector<2000x1xf32>
    %add3A_11 = arith.addf %add3A, %add3A_10 : vector<2000x1xf32>
    %rsqrt3A = math.rsqrt %add3A_11 : vector<2000x1xf32>
    %get3A_12 = arith.constant 0 : index
    %get3A_13 = arith.constant 0 : index
    %get3A_14 = arith.constant 0 : index
    %get3A_15 = vector.load %arg2[%get3A_12, %get3A_13, %get3A_14] : memref<2x2000x64xf32, #tpu.memory_space<vmem>>, vector<1x2000x64xf32>
    %get3A_16 = vector.shape_cast %get3A_15 : vector<1x2000x64xf32> to vector<2000x64xf32>
    %get3A_17 = arith.constant 1 : index
    %get3A_18 = arith.constant 0 : index
    %get3A_19 = arith.constant 0 : index
    %get3A_20 = vector.load %arg2[%get3A_17, %get3A_18, %get3A_19] : memref<2x2000x64xf32, #tpu.memory_space<vmem>>, vector<1x2000x64xf32>
    %get3A_21 = vector.shape_cast %get3A_20 : vector<1x2000x64xf32> to vector<2000x64xf32>
    %add3A_22 = arith.addf %get3A_16, %get3A_21 : vector<2000x64xf32>
    %get3A_23 = arith.constant 0 : index
    %get3A_24 = arith.constant 0 : index
    %get3A_25 = vector.load %arg3[%get3A_23, %get3A_24] : memref<2000x64xf32, #tpu.memory_space<vmem>>, vector<2000x64xf32>
    %add3A_26 = arith.addf %add3A_22, %get3A_25 : vector<2000x64xf32>
    %mul3A = vector.broadcast %rsqrt3A : vector<2000x1xf32> to vector<2000x64xf32>
    %mul3A_27 = arith.mulf %mul3A, %add3A_26 : vector<2000x64xf32>
    %get3A_28 = arith.constant 0 : index
    %get3A_29 = arith.constant 0 : index
    %get3A_30 = vector.load %arg5[%get3A_28, %get3A_29] : memref<1x64xf32, #tpu.memory_space<vmem>>, vector<1x64xf32>
    %add3A_31 = vector.broadcast %get3A_30 : vector<1x64xf32> to vector<2000x64xf32>
    %add3A_32 = arith.addf %mul3A_27, %add3A_31 : vector<2000x64xf32>
    %max3A = arith.constant 0.000000e+00 : f32
    %max3A_33 = vector.broadcast %max3A : f32 to vector<2000x64xf32>
    %max3A_34 = arith.maximumf %add3A_32, %max3A_33 : vector<2000x64xf32>
    %get3A_35 = arith.constant 0 : index
    %get3A_36 = arith.constant 0 : index
    %get3A_37 = vector.load %arg4[%get3A_35, %get3A_36] : memref<64x32xf32, #tpu.memory_space<vmem>>, vector<64x32xf32>
    %dot_general3A = arith.constant dense<0.000000e+00> : vector<2000x32xf32>
    %dot_general3A_38 = tpu.matmul %max3A_34, %get3A_37, %dot_general3A {dimension_numbers = #tpu.dot_dimension_numbers<[1], [0], [0], [1], [0, 0, 1, 1], [], []>, transpose_lhs_hint = false} : vector<2000x64xf32>, vector<64x32xf32>, vector<2000x32xf32> -> vector<2000x32xf32>
    %mul3A_39 = vector.broadcast %rsqrt3A : vector<2000x1xf32> to vector<2000x32xf32>
    %mul3A_40 = arith.mulf %mul3A_39, %dot_general3A_38 : vector<2000x32xf32>
    %swap3A = arith.constant 0 : index
    %swap3A_41 = arith.constant 0 : index
    %swap3A_42 = vector.load %arg6[%swap3A, %swap3A_41] : memref<2000x32xf32, #tpu.memory_space<vmem>>, vector<2000x32xf32>
    tpu.vector_store %arg6[%swap3A, %swap3A_41], %mul3A_40 {strides = array<i32>} : memref<2000x32xf32, #tpu.memory_space<vmem>>, vector<2000x32xf32>,
    return
  }
  func.func @transform_0(%arg0: i32) -> (i32, i32, i32) {
    %c0_i32 = arith.constant 0 : i32
    %c0_i32_0 = arith.constant 0 : i32
    %c0_i32_1 = arith.constant 0 : i32
    return %c0_i32, %arg0, %c0_i32_0 : i32, i32, i32
  }
  func.func @transform_1(%arg0: i32) -> (i32, i32, i32) {
    %c0_i32 = arith.constant 0 : i32
    %c0_i32_0 = arith.constant 0 : i32
    %c0_i32_1 = arith.constant 0 : i32
    return %c0_i32, %arg0, %c0_i32_0 : i32, i32, i32
  }
  func.func @transform_2(%arg0: i32) -> (i32, i32) {
    %c0_i32 = arith.constant 0 : i32
    %c0_i32_0 = arith.constant 0 : i32
    return %arg0, %c0_i32 : i32, i32
  }
  func.func @transform_3(%arg0: i32) -> (i32, i32) {
    %c0_i32 = arith.constant 0 : i32
    %c0_i32_0 = arith.constant 0 : i32
    %c0_i32_1 = arith.constant 0 : i32
    return %c0_i32, %c0_i32_0 : i32, i32
  }
  func.func @transform_4(%arg0: i32) -> (i32, i32) {
    %c0_i32 = arith.constant 0 : i32
    %c0_i32_0 = arith.constant 0 : i32
    %c0_i32_1 = arith.constant 0 : i32
    return %c0_i32, %c0_i32_0 : i32, i32
  }
  func.func @transform_5(%arg0: i32) -> (i32, i32) {
    %c0_i32 = arith.constant 0 : i32
    %c0_i32_0 = arith.constant 0 : i32
    return %arg0, %c0_i32 : i32, i32
  }
}

module attributes {stable_mosaic.version = 14 : i64} {
  func.func @_tc3_body(%arg0: i32, %arg1: memref<2x2000x8xf32, #tpu.memory_space<vmem>>, %arg2: memref<2x2000x32xf32, #tpu.memory_space<vmem>>, %arg3: memref<2000x32xf32, #tpu.memory_space<vmem>>, %arg4: memref<1x32xf32, #tpu.memory_space<vmem>>, %arg5: memref<32x2xf32, #tpu.memory_space<vmem>>, %arg6: memref<1x2xf32, #tpu.memory_space<vmem>>, %arg7: memref<2000x2xf32, #tpu.memory_space<vmem>>) attributes {dimension_semantics = [#tpu.dimension_semantics<arbitrary>], iteration_bounds = array<i64: 5>, scalar_prefetch = 0 : i64, scratch_operands = 0 : i64, tpu.core_type = #tpu.core_type<tc>, window_params = [{transform_indices = @transform_0, window_bounds = array<i64: 2, 2000, 8>}, {transform_indices = @transform_1, window_bounds = array<i64: 2, 2000, 32>}, {transform_indices = @transform_2, window_bounds = array<i64: 2000, 32>}, {pipeline_mode = #tpu.pipeline_mode<synchronous>, transform_indices = @transform_3, window_bounds = array<i64: 1, 32>}, {pipeline_mode = #tpu.pipeline_mode<synchronous>, transform_indices = @transform_4, window_bounds = array<i64: 32, 2>}, {pipeline_mode = #tpu.pipeline_mode<synchronous>, transform_indices = @transform_5, window_bounds = array<i64: 1, 2>}, {transform_indices = @transform_6, window_bounds = array<i64: 2000, 2>}]} {
    %get3A = arith.constant 0 : index
    %get3A_0 = arith.constant 0 : index
    %get3A_1 = arith.constant 0 : index
    %get3A_2 = vector.load %arg1[%get3A, %get3A_0, %get3A_1] : memref<2x2000x8xf32, #tpu.memory_space<vmem>>, vector<1x2000x1xf32>
    %get3A_3 = vector.shape_cast %get3A_2 : vector<1x2000x1xf32> to vector<2000x1xf32>
    %get3A_4 = arith.constant 1 : index
    %get3A_5 = arith.constant 0 : index
    %get3A_6 = arith.constant 0 : index
    %get3A_7 = vector.load %arg1[%get3A_4, %get3A_5, %get3A_6] : memref<2x2000x8xf32, #tpu.memory_space<vmem>>, vector<1x2000x1xf32>
    %get3A_8 = vector.shape_cast %get3A_7 : vector<1x2000x1xf32> to vector<2000x1xf32>
    %add3A = arith.addf %get3A_3, %get3A_8 : vector<2000x1xf32>
    %add3A_9 = arith.constant 1.000000e+00 : f32
    %add3A_10 = vector.broadcast %add3A_9 : f32 to vector<2000x1xf32>
    %add3A_11 = arith.addf %add3A, %add3A_10 : vector<2000x1xf32>
    %rsqrt3A = math.rsqrt %add3A_11 : vector<2000x1xf32>
    %get3A_12 = arith.constant 0 : index
    %get3A_13 = arith.constant 0 : index
    %get3A_14 = arith.constant 0 : index
    %get3A_15 = vector.load %arg2[%get3A_12, %get3A_13, %get3A_14] : memref<2x2000x32xf32, #tpu.memory_space<vmem>>, vector<1x2000x32xf32>
    %get3A_16 = vector.shape_cast %get3A_15 : vector<1x2000x32xf32> to vector<2000x32xf32>
    %get3A_17 = arith.constant 1 : index
    %get3A_18 = arith.constant 0 : index
    %get3A_19 = arith.constant 0 : index
    %get3A_20 = vector.load %arg2[%get3A_17, %get3A_18, %get3A_19] : memref<2x2000x32xf32, #tpu.memory_space<vmem>>, vector<1x2000x32xf32>
    %get3A_21 = vector.shape_cast %get3A_20 : vector<1x2000x32xf32> to vector<2000x32xf32>
    %add3A_22 = arith.addf %get3A_16, %get3A_21 : vector<2000x32xf32>
    %get3A_23 = arith.constant 0 : index
    %get3A_24 = arith.constant 0 : index
    %get3A_25 = vector.load %arg3[%get3A_23, %get3A_24] : memref<2000x32xf32, #tpu.memory_space<vmem>>, vector<2000x32xf32>
    %add3A_26 = arith.addf %add3A_22, %get3A_25 : vector<2000x32xf32>
    %mul3A = vector.broadcast %rsqrt3A : vector<2000x1xf32> to vector<2000x32xf32>
    %mul3A_27 = arith.mulf %mul3A, %add3A_26 : vector<2000x32xf32>
    %get3A_28 = arith.constant 0 : index
    %get3A_29 = arith.constant 0 : index
    %get3A_30 = vector.load %arg4[%get3A_28, %get3A_29] : memref<1x32xf32, #tpu.memory_space<vmem>>, vector<1x32xf32>
    %add3A_31 = vector.broadcast %get3A_30 : vector<1x32xf32> to vector<2000x32xf32>
    %add3A_32 = arith.addf %mul3A_27, %add3A_31 : vector<2000x32xf32>
    %max3A = arith.constant 0.000000e+00 : f32
    %max3A_33 = vector.broadcast %max3A : f32 to vector<2000x32xf32>
    %max3A_34 = arith.maximumf %add3A_32, %max3A_33 : vector<2000x32xf32>
    %get3A_35 = arith.constant 0 : index
    %get3A_36 = arith.constant 0 : index
    %get3A_37 = vector.load %arg5[%get3A_35, %get3A_36] : memref<32x2xf32, #tpu.memory_space<vmem>>, vector<32x2xf32>
    %dot_general3A = arith.constant dense<0.000000e+00> : vector<2000x2xf32>
    %dot_general3A_38 = tpu.matmul %max3A_34, %get3A_37, %dot_general3A {dimension_numbers = #tpu.dot_dimension_numbers<[1], [0], [0], [1], [0, 0, 1, 1], [], []>, transpose_lhs_hint = false} : vector<2000x32xf32>, vector<32x2xf32>, vector<2000x2xf32> -> vector<2000x2xf32>
    %get3A_39 = arith.constant 0 : index
    %get3A_40 = arith.constant 0 : index
    %get3A_41 = vector.load %arg6[%get3A_39, %get3A_40] : memref<1x2xf32, #tpu.memory_space<vmem>>, vector<1x2xf32>
    %add3A_42 = vector.broadcast %get3A_41 : vector<1x2xf32> to vector<2000x2xf32>
    %add3A_43 = arith.addf %dot_general3A_38, %add3A_42 : vector<2000x2xf32>
    %reduce_max3A = arith.constant dense<0xFF800000> : vector<2000xf32>
    %reduce_max3A_44 = vector.multi_reduction <maximumf>, %add3A_43, %reduce_max3A [1] : vector<2000x2xf32> to vector<2000xf32>
    %broadcast_in_dim3A = vector.shape_cast %reduce_max3A_44 : vector<2000xf32> to vector<2000x1xf32>
    %sub3A = vector.broadcast %broadcast_in_dim3A : vector<2000x1xf32> to vector<2000x2xf32>
    %sub3A_45 = arith.subf %add3A_43, %sub3A : vector<2000x2xf32>
    %exp3A = math.exp %sub3A_45 : vector<2000x2xf32>
    %reduce_sum3A = arith.constant dense<0.000000e+00> : vector<2000xf32>
    %reduce_sum3A_46 = vector.multi_reduction <add>, %exp3A, %reduce_sum3A [1] : vector<2000x2xf32> to vector<2000xf32>
    %broadcast_in_dim3A_47 = vector.shape_cast %reduce_sum3A_46 : vector<2000xf32> to vector<2000x1xf32>
    %sub3A_48 = vector.broadcast %broadcast_in_dim3A : vector<2000x1xf32> to vector<2000x2xf32>
    %sub3A_49 = arith.subf %add3A_43, %sub3A_48 : vector<2000x2xf32>
    %log3A = math.log %broadcast_in_dim3A_47 : vector<2000x1xf32>
    %sub3A_50 = vector.broadcast %log3A : vector<2000x1xf32> to vector<2000x2xf32>
    %sub3A_51 = arith.subf %sub3A_49, %sub3A_50 : vector<2000x2xf32>
    %swap3A = arith.constant 0 : index
    %swap3A_52 = arith.constant 0 : index
    %swap3A_53 = vector.load %arg7[%swap3A, %swap3A_52] : memref<2000x2xf32, #tpu.memory_space<vmem>>, vector<2000x2xf32>
    tpu.vector_store %arg7[%swap3A, %swap3A_52], %sub3A_51 {strides = array<i32>} : memref<2000x2xf32, #tpu.memory_space<vmem>>, vector<2000x2xf32>,
    return
  }
  func.func @transform_0(%arg0: i32) -> (i32, i32, i32) {
    %c0_i32 = arith.constant 0 : i32
    %c0_i32_0 = arith.constant 0 : i32
    %c0_i32_1 = arith.constant 0 : i32
    return %c0_i32, %arg0, %c0_i32_0 : i32, i32, i32
  }
  func.func @transform_1(%arg0: i32) -> (i32, i32, i32) {
    %c0_i32 = arith.constant 0 : i32
    %c0_i32_0 = arith.constant 0 : i32
    %c0_i32_1 = arith.constant 0 : i32
    return %c0_i32, %arg0, %c0_i32_0 : i32, i32, i32
  }
  func.func @transform_2(%arg0: i32) -> (i32, i32) {
    %c0_i32 = arith.constant 0 : i32
    %c0_i32_0 = arith.constant 0 : i32
    return %arg0, %c0_i32 : i32, i32
  }
  func.func @transform_3(%arg0: i32) -> (i32, i32) {
    %c0_i32 = arith.constant 0 : i32
    %c0_i32_0 = arith.constant 0 : i32
    %c0_i32_1 = arith.constant 0 : i32
    return %c0_i32, %c0_i32_0 : i32, i32
  }
  func.func @transform_4(%arg0: i32) -> (i32, i32) {
    %c0_i32 = arith.constant 0 : i32
    %c0_i32_0 = arith.constant 0 : i32
    %c0_i32_1 = arith.constant 0 : i32
    return %c0_i32, %c0_i32_0 : i32, i32
  }
  func.func @transform_5(%arg0: i32) -> (i32, i32) {
    %c0_i32 = arith.constant 0 : i32
    %c0_i32_0 = arith.constant 0 : i32
    %c0_i32_1 = arith.constant 0 : i32
    return %c0_i32, %c0_i32_0 : i32, i32
  }
  func.func @transform_6(%arg0: i32) -> (i32, i32) {
    %c0_i32 = arith.constant 0 : i32
    %c0_i32_0 = arith.constant 0 : i32
    return %arg0, %c0_i32 : i32, i32
  }
}

</mosaic_0001>

<sc_bundles>
// kernel: kernel.11.cloned.1.call-start
scs
__scs_entry_jumppad:
0x0: {  	(pc) =	sbr.rel $0x88, $3  }
0x1: {  	(tag) =	ssettag $0x0;
	lr =	simm.s32 $0x1  }
0x2: {  	[smem:$0x3F99] =	sst lr;
	_ =	strace $0xD0000000  }
0x3: {  	_ = 	snop  }
0x4: {  	_ = 	snop  }
0x5: {  	_ = 	snop  }
0x6: {  	_ = 	snop  }
0x7: {  	_ = 	snop  }
__scs_overlays_trampoline_lowered:
0x8: {  	[smem:$0x3FA8] =	sst s0  }
0x9: {  	[smem:$0x3FA9] =	sst s1  }
0xa: {  	[smem:$0x3FAA] =	sst s2  }
0xb: {  	[smem:$0x3FAB] =	sst s3  }
0xc: {  	[smem:$0x3FAC] =	sst s4  }
0xd: {  	[smem:$0x3FAD] =	sst s5  }
0xe: {  	[smem:$0x3FAE] =	sst s6  }
0xf: {  	[smem:$0x3FAF] =	sst s7  }
0x10: {  	[smem:$0x3FB0] =	sst s8  }
0x11: {  	[smem:$0x3FB1] =	sst s9;
	s0 =	simm.s32 @!p0 $0x0  }
0x12: {  	s1 =	sld [smem:$0x3F97];
	s0 =	simm.s32 @p0 $0x1  }
0x13: {  	[smem:$0x3FB2] =	sst s0;
	s0 =	simm.s32 @!p1 $0x0  }
0x14: {  	s2 =	sld [smem:$0x3F96];
	s0 =	simm.s32 @p1 $0x1  }
0x15: {  	[smem:$0x3FB3] =	sst s0;
	s0 =	simm.s32 @!p2 $0x0  }
0x16: {  	s3 =	sld [smem:$0x3FDB];
	s0 =	simm.s32 @p2 $0x1  }
0x17: {  	s4 =	simm.s32 $0x1BF5;
	[smem:$0x3FB5] =	sst s0  }
0x18: {  	s0 =	sld [smem:$0x3F98];
	_ =	swait.ge [sflag:s4], $0x0  }
0x19: {  	s7 =	sld [smem:$0x3F99]  }
0x1a: {  	s8 =	sadd.s32 $0xFFFFE003, lr  }
0x1b: {  	s9 =	sadd.s32 $0xFFFFFEF7, lr;
	s5 =	simm.s32 $0xFFFFFFFF;
	p2 =	slt.u32 s8, $0xFFFFF086  }
0x1c: {  	p1 =	slt.u32 s9, $0xF7A;
	s5 =	simm.s32 @!p2 $0x0  }
0x1d: {  	s5 =	simm.s32 @p1 $0x1;
	p0 =	seq.s32 s7, s2  }
0x1e: {  	s7 =	smul.u32 @!p0 $0xF7A, s2;
	p2 =	seq.s32 @!p0 s5, $0x0  }
0x1f: {  	s9 =	smul.u32 $0xF7A, s1;
	s8 =	simm.s32 @!p0 $0x1BF5;
	p2 =	por !p2, p0  }
0x20: {  	[sflag:s8] =	ssyncset.s32 @!p0 $0xFFFFF086;
	s6 =	sadd.s32 @!p0 s3, s7;
	s7 =	simm.s32 @!p0 $0x108  }
0x21: {  	s3 =	sadd.s32 s3, s9;
	s6 =	sadd.s32 @!p0 $0x88, s6;
	s7 =	simm.s32 @p2 $0x1082  }
0x22: {  	[simem:s7], [sflag:s8] =	dma.local @!p0 [hbm:s6], $0xF7A  }
0x23: {  	s9 =	sor.u32 $0xD0000000, s2;
	s6 =	simm.s32 $0x108;
	_ =	swait.ge @!p0 [sflag:s8], $0x0  }
0x24: {  	s3 =	sadd.s32 $0x88, s3;
	s6 =	simm.s32 @!p1 $0x1082;
	[sflag:s4] =	ssyncset.s32 $0xFFFFF086  }
0x25: {  	[simem:s6], [sflag:s4] =	dma.local [hbm:s3], $0xF7A  }
0x26: {  	[smem:$0x3F99] =	sst s1;
	(tag) =	ssettag s2;
	_ =	strace s9  }
0x27: {  	s1 =	sld [smem:$0x3FA9]  }
0x28: {  	s2 =	sld [smem:$0x3FAA]  }
0x29: {  	s4 =	sld [smem:$0x3FAC]  }
0x2a: {  	p0 =	seq.s32 s5, $0x0;
	s5 =	sld [smem:$0x3FAD]  }
0x2b: {  	s6 =	sld [smem:$0x3FAE]  }
0x2c: {  	s7 =	sld [smem:$0x3FAF]  }
0x2d: {  	s3 =	simm.s32 $0x108;
	s8 =	sld [smem:$0x3FB0]  }
0x2e: {  	s3 =	simm.s32 @!p0 $0x1082;
	s9 =	sld [smem:$0x3FB1]  }
0x2f: {  	lr =	sadd.s32 s0, s3;
	s0 =	sld [smem:$0x3FA8]  }
0x30: {  	s3 =	sld [smem:$0x3FAB]  }
0x31: {  	[smem:$0x3FB4] =	sst s10  }
0x32: {  	s10 =	sld [smem:$0x3FB2];
	_ =	sdelay $0x3  }
0x33: {  	p0 =	seq.s32 s10, $0x1;
	s10 =	sld [smem:$0x3FB4];
	_ =	sdelay $0x3  }
0x34: {  	[smem:$0x3FB4] =	sst s10  }
0x35: {  	s10 =	sld [smem:$0x3FB3];
	_ =	sdelay $0x3  }
0x36: {  	p1 =	seq.s32 s10, $0x1;
	s10 =	sld [smem:$0x3FB4];
	_ =	sdelay $0x3  }
0x37: {  	[smem:$0x3FB4] =	sst s10  }
0x38: {  	s10 =	sld [smem:$0x3FB5]  }
0x39: {  	_ = 	snop;
	(pc) =	sbr.ind lr, $3  }
0x3a: {  	_ = 	snop  }
0x3b: {  	_ = 	snop  }
0x3c: {  	p2 =	seq.s32 s10, $0x1;
	s10 =	sld [smem:$0x3FB4]  }
0x3d: {  	_ =	shalt  }
0x3e: {  	_ =	shalt  }
0x3f: {  	_ =	shalt  }
0x40: {  	_ =	shalt  }
0x41: {  	_ =	shalt  }
0x42: {  	_ =	shalt  }
0x43: {  	_ =	shalt  }
0x44: {  	_ =	shalt  }
0x45: {  	_ =	shalt  }
0x46: {  	_ =	shalt  }
0x47: {  	_ =	shalt  }
0x48: {  	_ =	shalt  }
0x49: {  	_ =	shalt  }
0x4a: {  	_ =	shalt  }
0x4b: {  	_ =	shalt  }
0x4c: {  	_ =	shalt  }
0x4d: {  	_ =	shalt  }
0x4e: {  	_ =	shalt  }
0x4f: {  	_ =	shalt  }
0x50: {  	_ =	shalt  }
0x51: {  	_ =	shalt  }
0x52: {  	_ =	shalt  }
0x53: {  	_ =	shalt  }
0x54: {  	_ =	shalt  }
0x55: {  	_ =	shalt  }
0x56: {  	_ =	shalt  }
0x57: {  	_ =	shalt  }
0x58: {  	_ =	shalt  }
0x59: {  	_ =	shalt  }
0x5a: {  	_ =	shalt  }
0x5b: {  	_ =	shalt  }
0x5c: {  	_ =	shalt  }
0x5d: {  	_ =	shalt  }
0x5e: {  	_ =	shalt  }
0x5f: {  	_ =	shalt  }
0x60: {  	_ =	shalt  }
0x61: {  	_ =	shalt  }
0x62: {  	_ =	shalt  }
0x63: {  	_ =	shalt  }
0x64: {  	_ =	shalt  }
0x65: {  	_ =	shalt  }
0x66: {  	_ =	shalt  }
0x67: {  	_ =	shalt  }
0x68: {  	_ =	shalt  }
0x69: {  	_ =	shalt  }
0x6a: {  	_ =	shalt  }
0x6b: {  	_ =	shalt  }
0x6c: {  	_ =	shalt  }
0x6d: {  	_ =	shalt  }
0x6e: {  	_ =	shalt  }
0x6f: {  	_ =	shalt  }
0x70: {  	_ =	shalt  }
0x71: {  	_ =	shalt  }
0x72: {  	_ =	shalt  }
0x73: {  	_ =	shalt  }
0x74: {  	_ =	shalt  }
0x75: {  	_ =	shalt  }
0x76: {  	_ =	shalt  }
0x77: {  	_ =	shalt  }
0x78: {  	_ =	shalt  }
0x79: {  	_ =	shalt  }
0x7a: {  	_ =	shalt  }
0x7b: {  	_ =	shalt  }
0x7c: {  	_ =	shalt  }
0x7d: {  	_ =	shalt  }
0x7e: {  	_ =	shalt  }
0x7f: {  	_ =	shalt  }
0x80: {  	_ =	shalt  }
0x81: {  	_ =	shalt  }
0x82: {  	_ =	shalt  }
0x83: {  	_ =	shalt  }
0x84: {  	_ =	shalt  }
0x85: {  	_ =	shalt  }
0x86: {  	_ =	shalt  }
0x87: {  	_ =	shalt  }
.Lfunc_end0:
.L_simem_size_0:
called_computation.1_lowered:
.L_overlay_start_0:
0x88: {  	s2 =	sld [smem:$0x3FD9]  }
0x89: {  	s3 =	sld [smem:$0x3FFE];
	_ =	sdelay $0x1  }
0x8a: {  	s1 =	srdreg.scid  }
0x8b: {  	s0 =	sand.u32 $0x1, s1  }
0x8c: {  	s16 =	sshll.u32 s0, $0xA;
	s2 =	sadd.s32 s3, s2  }
0x8d: {  	s2 =	sadd.s32 s2, s16  }
0x8e: {  	[smem:$0x3FC0] =	sst s2  }
0x8f: {  	_ = 	snop  }
0x90: {  	(tm) =	ssettm $0x1  }
0x91: {  	s17 =	sld [smem:$0x3FFB];
	_ =	sdelay $0x3  }
0x92: {  	_ =	strace s17  }
0x93: {  	s2 =	sld [smem:$0x3FFC];
	_ =	sdelay $0x3  }
0x94: {  	_ =	strace s2  }
0x95: {  	s2 =	sld [smem:$0x3FFD];
	_ =	sdelay $0x3  }
0x96: {  	_ =	strace s2  }
0x97: {  	_ =	strace $0x8FFFFFFF  }
0x98: {  	s18 =	sld [smem:$0x3FDB];
	_ =	sdelay $0x1  }
0x99: {  	s19 =	simm.s32 $_scs_section_size  }
0x9a: {  	s4 =	simm.s32 $_size__tile_overlayer_lowered;
	s5 =	simm.s32 $_tile_overlayer_lowered  }
0x9b: {  	s22 =	simm.s32 $0x1BFF;
	s21 =	sshll.u32 s5, $0x1;
	s2 =	sadd.s32 s19, s18  }
0x9c: {  	s6 =	simm.s32 $0x0;
	s20 =	sshll.u32 s4, $0x1;
	s4 =	sadd.s32 s21, s2  }
0x9d: {  	[timem:s6], [sflag:s22] =	dma.local [hbm:s4], s20  }
0x9e: {  	_ =	swait.ge [sflag:s22], s20  }
0x9f: {  	s3 =	ssub.s32 $0x0, s20;
	[sflag:s22] =	ssyncset.done $0x0  }
0xa0: {  	[sflag:s22] =	ssyncadd.s32 s3;
	_ =	sdelay $0x1  }
0xa1: {  	s23 =	simm.s32 $0x1B8B  }
0xa2: {  	_ =	swait.ge [sflag:s23], $0x1  }
0xa3: {  	[sflag:s23] =	ssyncset.done $0x0  }
0xa4: {  	s25 =	simm.s32 $0x1B8E;
	s24 =	sld [smem:$0x3FFE];
	[sflag:s23] =	ssyncadd.s32 $0xFFFFFFFF  }
0xa5: {  	s26 =	simm.s32 $execute0_lowered;
	[smem:$0x3FD2] =	sst s25  }
0xa6: {  	s4 =	sshll.u32 s26, $0x1;
	_ =	strace $0x80000049;
	[dreg:$0x1] =	wrdreg $0xFFFFFFFF  }
0xa7: {  	s28 =	simm.s32 $_size_execute0_lowered;
	s2 =	sadd.s32 s2, s4;
	[dreg:$0x0] =	wrdreg $0x0  }
0xa8: {  	s4 =	sshll.u32 s28, $0x1;
	[dreg:$0x2] =	wrdreg s2  }
0xa9: {  	[dreg:$0x3] =	wrdreg s4  }
0xaa: {  	[dreg:$0x4] =	wrdreg $0xC0  }
0xab: {  	_ =	task [dreg:s6], $0x5FFFF  }
0xac: {  	[dreg:$0x1] =	wrdreg $0xFFFFFFFF  }
0xad: {  	[dreg:$0x0] =	wrdreg $0x60  }
0xae: {  	[dreg:$0x2] =	wrdreg s24  }
0xaf: {  	[dreg:$0x3] =	wrdreg $0xB0000  }
0xb0: {  	[dreg:$0x4] =	wrdreg $0x14C800  }
0xb1: {  	[dreg:$0x5] =	wrdreg $0x9  }
0xb2: {  	_ =	task.clear_ibuf [dreg:s6], $0x6FFFF;
	_ =	strace $0x90000049  }
0xb3: {  	s29 =	simm.s32 $0x9;
	_ =	strace $0x8000004B  }
0xb4: {  	_ =	swait.ge [sflag:s29], $0x1  }
0xb5: {  	[sflag:s29] =	ssyncadd.s32 $0xFFFFFFFF  }
0xb6: {  	_ =	strace $0x9000004B  }
0xb7: {  	_ =	sfence  }
0xb8: {  	s30 =	sld [smem:$0x0];
	_ =	sdelay $0x2  }
0xb9: {  	s31 =	sshll.u32 s1, $0xD;
	s1 =	sshrl.u32 s1, $0x2  }
0xba: {  	s3 =	sand.u32 $0x4000, s31;
	s1 =	sadd.s32 s1, s30  }
0xbb: {  	s0 =	sor.u32 s3, s0;
	s1 =	sshll.u32 s1, $0x11  }
0xbc: {  	s0 =	sor.u32 s1, s0  }
0xbd: {  	s0 =	sadd.s32 $0x8F2B, s0  }
0xbe: {  	[sflag:s0] =	ssyncadd.remote.s32 $0x1  }
0xbf: {  	_ =	sfence.sel $0xFFFF  }
0xc0: {  	[dreg:$0x0] =	wrdreg $0xFFFFFFFF;
	(pc) =	sbr.abs _section_cstart, $3  }
0xc1: {  	[dreg:$0x1] =	wrdreg $0xFFFFFFFF  }
0xc2: {  	_ =	task.clear_ibuf [dreg:s6], $0x2FFFF;
	_ =	strace $0x9FFFFFFF  }
0xc3: {  	(tm) =	ssettm $0x7FFFFFFF  }
tec
execute0_lowered:
.L_overlay_start_1:
0x0: {  	(tag) =	ssettag $0x1  }
0x1: {  	s0 =	rddreg [dreg:$0x0]  }
0x2: {  	s2 =	rddreg [dreg:$0x1]  }
0x3: {  	s3 =	rddreg [dreg:$0x2];
	s4 =	simm.s32 $0x0;
	s17 =	stileid.u32  }
0x4: {  	s1 =	srdreg.scid;
	s16 =	simm.s32 $0x3;
	s18 =	simm.s32 $0x5000  }
0x5: {  	s22 =	simm.s32 $0x80;
	s24 =	simm.s32 $0x1;
	s25 =	simm.s32 $0x0  }
0x6: {  	s12 =	smul.u32 $0x9C80, s17;
	s1 =	sand.u32 $0x1, s1;
	s5 =	sshll.u32 s17, $0x1  }
0x7: {  	[smem:$0x7FF] =	sst s4;
	s26 =	smul.u32 $0x27200, s17;
	s21 =	sadd.s32 $0x92B80, s3  }
0x8: {  	p0 =	sne.s32 s17, $0xF;
	s5 =	sor.u32 s1, s5;
	s6 =	smul.u32 $0x9C800, s1  }
0x9: {  	_ =	strace $0x8000004A;
	s1 =	ssub.s32 $0x2, s1;
	s21 =	sshrl.u32 @!p0 s21, $0x3  }
0xa: {  	s7 =	sshrl.u32 s12, $0x3;
	s5 =	smul.u32 $0x500, s5;
	s29 =	sshrl.u32 s1, $0x1  }
0xb: {  	s30 =	sshrl.u32 s26, $0x2;
	s20 =	sadd.s32 s12, s3;
	s13 =	sadd.s32 s7, s0  }
0xc: {  	s6 =	sadd.s32 s12, s6;
	s1 =	ssub.s32 s1, s29;
	s11 =	sadd.s32 s30, s2  }
0xd: {  	s7 =	sadd.s32 s12, s2;
	s20 =	sshrl.u32 @p0 s20, $0x3;
	s8 =	sadd.s32 s5, s0  }
0xe: {  	s28 =	sshrl.u32 s6, $0x3;
	s9 =	sadd.s32 $0x4000, s11;
	s10 =	sadd.s32 $0x6000, s11  }
0xf: {  	s12 =	sadd.s32 $0x90E00, s13;
	s13 =	sadd.s32 $0xA3370, s0;
	s15 =	smax.u32 s1, $0x1  }
0x10: {  	s14 =	sadd.s32 s28, s0;
	s31 =	sadd.s32 $0x11800, s8;
	s6 =	sadd.s32 $0x2800, s8  }
0x11: {  	s8 =	sadd.s32 $0x2000, s11;
	s11 =	sadd.s32 $0x8000, s11;
	s0 =	sshll.u32 @p0 s17, $0x6  }
0x12: {  	v0 =	vimm.f32 $0.0e+00;
	[dreg:$0x4] =	wrdreg s31;
	s14 =	sadd.s32 $0xA4800, s14;
	s19 =	sor.u32 @p0 $0x1C01, s0  }
.LBB2_1:
0x13: {  	s0 =	rddreg [dreg:$0x4]  }
0x14: {  	[tilespmem:s4], [sflag:$0x3] =	stream.linear.gather [hbm4b:s0+s4], $0x2800, $0x38;
	[tilespmem:$0x1E900] =	vst v63  }
0x15: {  	_ =	swait.ge [sflag:s16], $0x2800  }
0x16: {  	[sflag:s16] =	ssyncset.done $0x0  }
0x17: {  	s30 =	simm.s32 $0x2800;
	[sflag:s16] =	ssyncadd.s32 $0xFFFFD800  }
0x18: {  	[tilespmem:s30], [sflag:$0x3] =	stream.linear.gather [hbm4b:s6+s4], $0x2800, $0x38;
	[tilespmem:$0x1E900] =	vst v63  }
0x19: {  	s31 =	sand.u32 $0x7F00, s4;
	s1 =	sand.u32 $0x30, s4;
	_ =	swait.ge [sflag:s16], $0x2800  }
0x1a: {  	s26 =	simm.s32 $0x40;
	s0 =	sshrl.u32 s31, $0x2;
	[sflag:s16] =	ssyncset.done $0x0  }
0x1b: {  	s1 =	sor.u32 s1, s0;
	s0 =	simm.s32 $0x0;
	[sflag:s16] =	ssyncadd.s32 $0xFFFFD800  }
.LBB2_2:
0x1c: {  	p1 =	sne.s32 s26, $0x7FC0  }
0x1d: {  	[tilespmem:s1+$0x5000] =	vst v0;
	s0 =	sadd.s32 $0x10, s0;
	s1 =	smov.u32 s26;
	s26 =	sadd.s32 $0x40, s26  }
.Ltmp0:
0x1e: {  	(pc) =	sbr.rel @p1 .LBB2_2-.Ltmp0, $4  }
0x1f: {  	_ = 	snop  }
0x20: {  	s1 =	sand.u32 $0x7F00, s1  }
0x21: {  	s28 =	sand.u32 $0x30, s0;
	s1 =	sshrl.u32 s1, $0x2  }
0x22: {  	s1 =	sor.u32 s28, s1  }
0x23: {  	[tilespmem:s1+$0x5000] =	vst v0  }
0x24: {  	[spmem:s7] =	stream.linear.scatter [tilespmem:s18], [sflag:$0x2], $0x2000, $0x38;
	[tilespmem:$0x1E900] =	vst v63  }
0x25: {  	_ = 	snop  }
0x26: {  	[spmem:s8] =	stream.linear.scatter [tilespmem:s18], [sflag:$0x2], $0x2000, $0x38;
	[tilespmem:$0x1E900] =	vst v63  }
0x27: {  	_ = 	snop  }
0x28: {  	[spmem:s9] =	stream.linear.scatter [tilespmem:s18], [sflag:$0x2], $0x2000, $0x38;
	[tilespmem:$0x1E900] =	vst v63  }
0x29: {  	_ = 	snop  }
0x2a: {  	[spmem:s10] =	stream.linear.scatter [tilespmem:s18], [sflag:$0x2], $0x2000, $0x38;
	[tilespmem:$0x1E900] =	vst v63  }
0x2b: {  	s0 =	simm.s32 @p0 $0x1  }
0x2c: {  	[spmem:s11] =	stream.linear.scatter [tilespmem:s18], [sflag:$0x2], $0x1C80, $0x38;
	[tilespmem:$0x1E900] =	vst v63  }
0x2d: {  	[spmem:s20], [sflag:s19] =	dma.local @p0 [hbm:s12], $0x1390  }
0x2e: {  	_ =	swait.ge @p0 [sflag:s0], $0x1390  }
0x2f: {  	[sflag:s0] =	ssyncset.done @p0 $0x0  }
0x30: {  	[sflag:s0] =	ssyncadd.s32 @p0 $0xFFFFEC70;
	s0 =	simm.s32 @!p0 $0x1FC1  }
0x31: {  	[spmem:s21], [sflag:s0] =	dma.local @!p0 [hbm:s13], $0x1310  }
0x32: {  	s0 =	simm.s32 @!p0 $0x1  }
0x33: {  	_ =	swait.ge @!p0 [sflag:s0], $0x1310  }
0x34: {  	[sflag:s0] =	ssyncset.done @!p0 $0x0  }
0x35: {  	[sflag:s0] =	ssyncadd.s32 @!p0 $0xFFFFECF0;
	s0 =	simm.s32 $0x2  }
0x36: {  	_ =	swait.ge [sflag:s0], $0x2000  }
0x37: {  	[sflag:s0] =	ssyncset.done $0x0  }
0x38: {  	[sflag:s0] =	ssyncadd.s32 $0xFFFFE000  }
0x39: {  	_ =	swait.ge [sflag:s0], $0x2000  }
0x3a: {  	[sflag:s0] =	ssyncset.done $0x0  }
0x3b: {  	[sflag:s0] =	ssyncadd.s32 $0xFFFFE000  }
0x3c: {  	_ =	swait.ge [sflag:s0], $0x2000  }
0x3d: {  	[sflag:s0] =	ssyncset.done $0x0  }
0x3e: {  	[sflag:s0] =	ssyncadd.s32 $0xFFFFE000  }
0x3f: {  	_ =	swait.ge [sflag:s0], $0x2000  }
0x40: {  	[sflag:s0] =	ssyncset.done $0x0  }
0x41: {  	[sflag:s0] =	ssyncadd.s32 $0xFFFFE000  }
0x42: {  	s23 =	simm.s32 $0x0;
	_ =	swait.ge [sflag:s0], $0x1C80  }
0x43: {  	s1 =	smul.u32 $0xAB, s23;
	[sflag:s0] =	ssyncset.done $0x0  }
0x44: {  	p1 =	por $0x0, $0x0;
	[sflag:s0] =	ssyncadd.s32 $0xFFFFE380  }
0x45: {  	s1 =	sshrl.u32 s1, $0x9;
	s0 =	smul.u32 @!p1 $0xAB, s0;
	[bflag:$0x0] =	sbarrier.arrive $0xFFFF  }
0x46: {  	[tilespmem:s18], [sflag:$0x1] =	stream.indirect.gather [spmem:s3], $0x40, s4, s22, $0xb8;
	[tilespmem:$0x1E900] =	vst v63  }
0x47: {  	s1 =	sand.u32 $0x7F, s1;
	s0 =	sshrl.u32 @!p1 s0, $0x9  }
0x48: {  	s1 =	smul.u32 $0x3, s1;
	s0 =	sand.u32 @!p1 $0x7F, s0  }
0x49: {  	s17 =	simm.s32 $0x7000;
	s26 =	simm.s32 $0x100;
	s0 =	smul.u32 @!p1 $0x3, s0  }
0x4a: {  	[tilespmem:s17], [sflag:$0x1] =	stream.indirect.gather [spmem:s3], $0x40, s22, s22, $0xb8;
	[tilespmem:$0x1E900] =	vst v63  }
0x4b: {  	s30 =	simm.s32 $0x1;
	s29 =	simm.s32 @!p1 $0x80;
	s0 =	ssub.s32 @!p1 $0x2, s0  }
0x4c: {  	s1 =	ssub.s32 $0x0, s1;
	_ =	swait.ge [sflag:s24], $0x2000;
	s0 =	sand.u32 @!p1 $0xFF, s0  }
0x4d: {  	s1 =	sand.u32 $0xFF, s1;
	[sflag:s24] =	ssyncset.done $0x0;
	s0 =	sshll.u32 @!p1 s0, $0xD  }
0x4e: {  	s1 =	sshll.u32 s1, $0xD;
	[sflag:s24] =	ssyncadd.s32 $0xFFFFE000;
	s0 =	sadd.s32 @!p1 $0x5000, s0  }
0x4f: {  	[tilespmem:s0], [sflag:$0x1] =	stream.indirect.gather @!p1 [spmem:s3], $0x40, s26, s29, $0xb8;
	[tilespmem:$0x1E900] =	vst v63  }
0x50: {  	s29 =	simm.s32 $0x3;
	s0 =	smul.u32 $0xAB, s30;
	p1 =	por $0x0, $0x0  }
0x51: {  	s28 =	simm.s32 $0x2800;
	s26 =	sadd.s32 $0x5000, s1;
	s1 =	smul.u32 @!p1 $0xAB, s29  }
0x52: {  	[spmem:s2] =	stream.indirect.scatter.add.f32 [tilespmem:s26], [sflag:$0x3], $0x40, s28, s22, $0xb8;
	[tilespmem:$0x1E900] =	vst v63  }
0x53: {  	s31 =	simm.s32 $0x4;
	s28 =	simm.s32 $0x180;
	s26 =	simm.s32 $0x2880  }
.LBB2_4:
0x54: {  	s0 =	sshrl.u32 s0, $0x9;
	s1 =	sshrl.u32 @!p1 s1, $0x9  }
0x55: {  	_ =	swait.ge [sflag:s16], $0x2000;
	s17 =	smov.u32 s31;
	s23 =	smov.u32 s26  }
0x56: {  	s0 =	sand.u32 $0x7F, s0;
	s1 =	sand.u32 @!p1 $0x7F, s1;
	[sflag:s16] =	ssyncset.done $0x0  }
0x57: {  	s31 =	sadd.s32 $0x1, s31;
	s1 =	smul.u32 @!p1 $0x3, s1;
	[sflag:s16] =	ssyncadd.s32 $0xFFFFE000  }
0x58: {  	p2 =	sne.s32 s31, $0x52;
	s0 =	smul.u32 $0x3, s0  }
0x59: {  	s5 =	simm.s32 @!p1 $0x80;
	s1 =	ssub.s32 @!p1 s29, s1;
	s29 =	smov.u32 s17  }
0x5a: {  	s0 =	ssub.s32 s30, s0;
	_ =	swait.ge [sflag:s24], $0x2000;
	s1 =	sand.u32 @!p1 $0xFF, s1  }
0x5b: {  	s0 =	sand.u32 $0xFF, s0;
	[sflag:s24] =	ssyncset.done $0x0;
	s1 =	sshll.u32 @!p1 s1, $0xD  }
0x5c: {  	s17 =	sshll.u32 s0, $0xD;
	[sflag:s24] =	ssyncadd.s32 $0xFFFFE000;
	s0 =	sadd.s32 @!p1 $0x5000, s1  }
0x5d: {  	[tilespmem:s0], [sflag:$0x1] =	stream.indirect.gather @!p1 [spmem:s3], $0x40, s28, s5, $0xb8;
	[tilespmem:$0x1E900] =	vst v63  }
.Ltmp1:
0x5e: {  	_ = 	snop;
	(pc) =	sbr.rel @p2 .LBB2_4-.Ltmp1, $4  }
0x5f: {  	s30 =	sadd.s32 $0xFFFFFFFE, s29  }
0x60: {  	s0 =	smul.u32 $0xAB, s30;
	p1 =	sgt.u32 s30, $0x4D;
	s5 =	sadd.s32 $0x5000, s17  }
0x61: {  	s26 =	sadd.s32 $0x80, s26;
	s28 =	sadd.s32 $0x80, s28;
	s1 =	smul.u32 @!p1 $0xAB, s29  }
0x62: {  	[spmem:s2] =	stream.indirect.scatter.add.f32 [tilespmem:s5], [sflag:$0x3], $0x40, s23, s22, $0xb8;
	[tilespmem:$0x1E900] =	vst v63  }
0x63: {  	s1 =	sshrl.u32 @!p1 s1, $0x9  }
0x64: {  	s0 =	sshrl.u32 s0, $0x9;
	s1 =	sand.u32 @!p1 $0x7F, s1  }
0x65: {  	_ =	swait.ge [sflag:s16], $0x2000;
	s0 =	sand.u32 $0x7F, s0;
	s1 =	smul.u32 @!p1 $0x3, s1  }
0x66: {  	[sflag:s16] =	ssyncset.done $0x0;
	s0 =	smul.u32 $0x3, s0  }
0x67: {  	s5 =	simm.s32 @!p1 $0x80;
	[sflag:s16] =	ssyncadd.s32 $0xFFFFE000;
	s1 =	ssub.s32 @!p1 s29, s1  }
0x68: {  	_ =	swait.ge [sflag:s24], $0x2000;
	s0 =	ssub.s32 s30, s0;
	s1 =	sand.u32 @!p1 $0xFF, s1  }
0x69: {  	[sflag:s24] =	ssyncset.done $0x0;
	s0 =	sand.u32 $0xFF, s0;
	s1 =	sshll.u32 @!p1 s1, $0xD  }
0x6a: {  	[sflag:s24] =	ssyncadd.s32 $0xFFFFE000;
	s0 =	sshll.u32 s0, $0xD;
	s1 =	sadd.s32 @!p1 $0x5000, s1  }
0x6b: {  	[tilespmem:s1], [sflag:$0x1] =	stream.indirect.gather @!p1 [spmem:s3], $0x40, s28, s5, $0xb8;
	[tilespmem:$0x1E900] =	vst v63  }
0x6c: {  	s0 =	sadd.s32 $0x5000, s0  }
0x6d: {  	[spmem:s2] =	stream.indirect.scatter.add.f32 [tilespmem:s0], [sflag:$0x3], $0x40, s26, s22, $0xb8;
	[tilespmem:$0x1E900] =	vst v63  }
0x6e: {  	s31 =	sshrl.u32 s7, $0x3;
	_ =	swait.ge [sflag:s16], $0x2000  }
0x6f: {  	s25 =	sadd.s32 $0x1, s25;
	s30 =	stileid.u32;
	[sflag:s16] =	ssyncset.done $0x0  }
0x70: {  	p1 =	sne.s32 s25, s15;
	s0 =	sshll.u32 s30, $0x6;
	[sflag:s16] =	ssyncadd.s32 $0xFFFFE000  }
.Ltmp2:
0x71: {  	s0 =	sor.u32 $0x1C03, s0;
	[bflag:$0x0] =	sbarrier.arrive $0xFFFF;
	(pc) =	sbr.rel @p1 .LBB2_1-.Ltmp2, $4  }
0x72: {  	[hbm:s14], [sflag:s0] =	dma.local [spmem:s31], $0x1390  }
0x73: {  	_ =	swait.ge [sflag:s16], $0x1390  }
0x74: {  	[sflag:s16] =	ssyncset.done $0x0  }
0x75: {  	[sflag:s16] =	ssyncadd.s32 $0xFFFFEC70  }
0x76: {  	_ =	sfence.sel $0x180000  }
0x77: {  	[bflag:$0x0] =	sbarrier.arrive $0xFFFF  }
0x78: {  	_ =	strace $0x9000004A  }
0x79: {  	s0 =	stileid.u32;
	[bflag:$0x2] =	sbarrier.arrive $0xFFFF  }
0x7a: {  	p0 =	sne.s32 s0, $0x0;
	s0 =	rddreg [dreg:$0x3]  }
0x7b: {  	s0 =	sadd.s32 @!p0 $0x100000, s0  }
0x7c: {  	[sflag:s0] =	ssyncadd.tile.s32 @!p0 $0x1;
	_ =	shalt  }
.Lfunc_end2:
_tile_overlayer_lowered:
.L_overlay_start_2:
0x7d: {  	(tag) =	ssettag $0x2  }
0x7e: {  	s0 =	rddreg [dreg:$0x0];
	s2 =	stileid.u32  }
0x7f: {  	s1 =	rddreg [dreg:$0x1];
	p0 =	sne.s32 s2, $0x0  }
0x80: {  	s3 =	rddreg [dreg:$0x2];
	[bflag:$0x3] =	sbarrier.arrive $0xFFFF;
	s2 =	simm.s32 @!p0 $0x1C03  }
0x81: {  	[timem:s3], [sflag:s2] =	dma.local @!p0 [hbm:s0], s1  }
0x82: {  	s0 =	simm.s32 @!p0 $0x3  }
0x83: {  	_ =	swait.ge @!p0 [sflag:s0], s1  }
0x84: {  	s1 =	ssub.s32 @!p0 $0x0, s1;
	[sflag:s0] =	ssyncset.done @!p0 $0x0  }
0x85: {  	[sflag:s0] =	ssyncadd.s32 @!p0 s1  }
0x86: {  	[bflag:$0x3] =	sbarrier.arrive $0xFFFF  }
0x87: {  	_ =	shalt  }

// kernel: kernel.14.cloned.1.call-start
scs
__scs_entry_jumppad:
0x0: {  	(pc) =	sbr.rel $0x88, $3  }
0x1: {  	(tag) =	ssettag $0x0;
	lr =	simm.s32 $0x1  }
0x2: {  	[smem:$0x3F99] =	sst lr;
	_ =	strace $0xD0000000  }
0x3: {  	_ = 	snop  }
0x4: {  	_ = 	snop  }
0x5: {  	_ = 	snop  }
0x6: {  	_ = 	snop  }
0x7: {  	_ = 	snop  }
__scs_overlays_trampoline_lowered:
0x8: {  	[smem:$0x3FA8] =	sst s0  }
0x9: {  	[smem:$0x3FA9] =	sst s1  }
0xa: {  	[smem:$0x3FAA] =	sst s2  }
0xb: {  	[smem:$0x3FAB] =	sst s3  }
0xc: {  	[smem:$0x3FAC] =	sst s4  }
0xd: {  	[smem:$0x3FAD] =	sst s5  }
0xe: {  	[smem:$0x3FAE] =	sst s6  }
0xf: {  	[smem:$0x3FAF] =	sst s7  }
0x10: {  	[smem:$0x3FB0] =	sst s8  }
0x11: {  	[smem:$0x3FB1] =	sst s9;
	s0 =	simm.s32 @!p0 $0x0  }
0x12: {  	s1 =	sld [smem:$0x3F97];
	s0 =	simm.s32 @p0 $0x1  }
0x13: {  	[smem:$0x3FB2] =	sst s0;
	s0 =	simm.s32 @!p1 $0x0  }
0x14: {  	s2 =	sld [smem:$0x3F96];
	s0 =	simm.s32 @p1 $0x1  }
0x15: {  	[smem:$0x3FB3] =	sst s0;
	s0 =	simm.s32 @!p2 $0x0  }
0x16: {  	s3 =	sld [smem:$0x3FDB];
	s0 =	simm.s32 @p2 $0x1  }
0x17: {  	s4 =	simm.s32 $0x1BF5;
	[smem:$0x3FB5] =	sst s0  }
0x18: {  	s0 =	sld [smem:$0x3F98];
	_ =	swait.ge [sflag:s4], $0x0  }
0x19: {  	s7 =	sld [smem:$0x3F99]  }
0x1a: {  	s8 =	sadd.s32 $0xFFFFE003, lr  }
0x1b: {  	s9 =	sadd.s32 $0xFFFFFEF7, lr;
	s5 =	simm.s32 $0xFFFFFFFF;
	p2 =	slt.u32 s8, $0xFFFFF086  }
0x1c: {  	p1 =	slt.u32 s9, $0xF7A;
	s5 =	simm.s32 @!p2 $0x0  }
0x1d: {  	s5 =	simm.s32 @p1 $0x1;
	p0 =	seq.s32 s7, s2  }
0x1e: {  	s7 =	smul.u32 @!p0 $0xF7A, s2;
	p2 =	seq.s32 @!p0 s5, $0x0  }
0x1f: {  	s9 =	smul.u32 $0xF7A, s1;
	s8 =	simm.s32 @!p0 $0x1BF5;
	p2 =	por !p2, p0  }
0x20: {  	[sflag:s8] =	ssyncset.s32 @!p0 $0xFFFFF086;
	s6 =	sadd.s32 @!p0 s3, s7;
	s7 =	simm.s32 @!p0 $0x108  }
0x21: {  	s3 =	sadd.s32 s3, s9;
	s6 =	sadd.s32 @!p0 $0x88, s6;
	s7 =	simm.s32 @p2 $0x1082  }
0x22: {  	[simem:s7], [sflag:s8] =	dma.local @!p0 [hbm:s6], $0xF7A  }
0x23: {  	s9 =	sor.u32 $0xD0000000, s2;
	s6 =	simm.s32 $0x108;
	_ =	swait.ge @!p0 [sflag:s8], $0x0  }
0x24: {  	s3 =	sadd.s32 $0x88, s3;
	s6 =	simm.s32 @!p1 $0x1082;
	[sflag:s4] =	ssyncset.s32 $0xFFFFF086  }
0x25: {  	[simem:s6], [sflag:s4] =	dma.local [hbm:s3], $0xF7A  }
0x26: {  	[smem:$0x3F99] =	sst s1;
	(tag) =	ssettag s2;
	_ =	strace s9  }
0x27: {  	s1 =	sld [smem:$0x3FA9]  }
0x28: {  	s2 =	sld [smem:$0x3FAA]  }
0x29: {  	s4 =	sld [smem:$0x3FAC]  }
0x2a: {  	p0 =	seq.s32 s5, $0x0;
	s5 =	sld [smem:$0x3FAD]  }
0x2b: {  	s6 =	sld [smem:$0x3FAE]  }
0x2c: {  	s7 =	sld [smem:$0x3FAF]  }
0x2d: {  	s3 =	simm.s32 $0x108;
	s8 =	sld [smem:$0x3FB0]  }
0x2e: {  	s3 =	simm.s32 @!p0 $0x1082;
	s9 =	sld [smem:$0x3FB1]  }
0x2f: {  	lr =	sadd.s32 s0, s3;
	s0 =	sld [smem:$0x3FA8]  }
0x30: {  	s3 =	sld [smem:$0x3FAB]  }
0x31: {  	[smem:$0x3FB4] =	sst s10  }
0x32: {  	s10 =	sld [smem:$0x3FB2];
	_ =	sdelay $0x3  }
0x33: {  	p0 =	seq.s32 s10, $0x1;
	s10 =	sld [smem:$0x3FB4];
	_ =	sdelay $0x3  }
0x34: {  	[smem:$0x3FB4] =	sst s10  }
0x35: {  	s10 =	sld [smem:$0x3FB3];
	_ =	sdelay $0x3  }
0x36: {  	p1 =	seq.s32 s10, $0x1;
	s10 =	sld [smem:$0x3FB4];
	_ =	sdelay $0x3  }
0x37: {  	[smem:$0x3FB4] =	sst s10  }
0x38: {  	s10 =	sld [smem:$0x3FB5]  }
0x39: {  	_ = 	snop;
	(pc) =	sbr.ind lr, $3  }
0x3a: {  	_ = 	snop  }
0x3b: {  	_ = 	snop  }
0x3c: {  	p2 =	seq.s32 s10, $0x1;
	s10 =	sld [smem:$0x3FB4]  }
0x3d: {  	_ =	shalt  }
0x3e: {  	_ =	shalt  }
0x3f: {  	_ =	shalt  }
0x40: {  	_ =	shalt  }
0x41: {  	_ =	shalt  }
0x42: {  	_ =	shalt  }
0x43: {  	_ =	shalt  }
0x44: {  	_ =	shalt  }
0x45: {  	_ =	shalt  }
0x46: {  	_ =	shalt  }
0x47: {  	_ =	shalt  }
0x48: {  	_ =	shalt  }
0x49: {  	_ =	shalt  }
0x4a: {  	_ =	shalt  }
0x4b: {  	_ =	shalt  }
0x4c: {  	_ =	shalt  }
0x4d: {  	_ =	shalt  }
0x4e: {  	_ =	shalt  }
0x4f: {  	_ =	shalt  }
0x50: {  	_ =	shalt  }
0x51: {  	_ =	shalt  }
0x52: {  	_ =	shalt  }
0x53: {  	_ =	shalt  }
0x54: {  	_ =	shalt  }
0x55: {  	_ =	shalt  }
0x56: {  	_ =	shalt  }
0x57: {  	_ =	shalt  }
0x58: {  	_ =	shalt  }
0x59: {  	_ =	shalt  }
0x5a: {  	_ =	shalt  }
0x5b: {  	_ =	shalt  }
0x5c: {  	_ =	shalt  }
0x5d: {  	_ =	shalt  }
0x5e: {  	_ =	shalt  }
0x5f: {  	_ =	shalt  }
0x60: {  	_ =	shalt  }
0x61: {  	_ =	shalt  }
0x62: {  	_ =	shalt  }
0x63: {  	_ =	shalt  }
0x64: {  	_ =	shalt  }
0x65: {  	_ =	shalt  }
0x66: {  	_ =	shalt  }
0x67: {  	_ =	shalt  }
0x68: {  	_ =	shalt  }
0x69: {  	_ =	shalt  }
0x6a: {  	_ =	shalt  }
0x6b: {  	_ =	shalt  }
0x6c: {  	_ =	shalt  }
0x6d: {  	_ =	shalt  }
0x6e: {  	_ =	shalt  }
0x6f: {  	_ =	shalt  }
0x70: {  	_ =	shalt  }
0x71: {  	_ =	shalt  }
0x72: {  	_ =	shalt  }
0x73: {  	_ =	shalt  }
0x74: {  	_ =	shalt  }
0x75: {  	_ =	shalt  }
0x76: {  	_ =	shalt  }
0x77: {  	_ =	shalt  }
0x78: {  	_ =	shalt  }
0x79: {  	_ =	shalt  }
0x7a: {  	_ =	shalt  }
0x7b: {  	_ =	shalt  }
0x7c: {  	_ =	shalt  }
0x7d: {  	_ =	shalt  }
0x7e: {  	_ =	shalt  }
0x7f: {  	_ =	shalt  }
0x80: {  	_ =	shalt  }
0x81: {  	_ =	shalt  }
0x82: {  	_ =	shalt  }
0x83: {  	_ =	shalt  }
0x84: {  	_ =	shalt  }
0x85: {  	_ =	shalt  }
0x86: {  	_ =	shalt  }
0x87: {  	_ =	shalt  }
.Lfunc_end0:
.L_simem_size_0:
called_computation.2_lowered:
.L_overlay_start_0:
0x88: {  	s2 =	sld [smem:$0x3FD9]  }
0x89: {  	s3 =	sld [smem:$0x3FFE];
	_ =	sdelay $0x1  }
0x8a: {  	s1 =	srdreg.scid  }
0x8b: {  	s0 =	sand.u32 $0x1, s1  }
0x8c: {  	s16 =	sshll.u32 s0, $0xA;
	s2 =	sadd.s32 s3, s2  }
0x8d: {  	s2 =	sadd.s32 s2, s16  }
0x8e: {  	[smem:$0x3FC0] =	sst s2  }
0x8f: {  	_ = 	snop  }
0x90: {  	(tm) =	ssettm $0x1  }
0x91: {  	s17 =	sld [smem:$0x3FFB];
	_ =	sdelay $0x3  }
0x92: {  	_ =	strace s17  }
0x93: {  	s2 =	sld [smem:$0x3FFC];
	_ =	sdelay $0x3  }
0x94: {  	_ =	strace s2  }
0x95: {  	s2 =	sld [smem:$0x3FFD];
	_ =	sdelay $0x3  }
0x96: {  	_ =	strace s2  }
0x97: {  	_ =	strace $0x8FFFFFFF  }
0x98: {  	s18 =	sld [smem:$0x3FDB];
	_ =	sdelay $0x1  }
0x99: {  	s19 =	simm.s32 $_scs_section_size  }
0x9a: {  	s4 =	simm.s32 $_size__tile_overlayer_lowered;
	s5 =	simm.s32 $_tile_overlayer_lowered  }
0x9b: {  	s22 =	simm.s32 $0x1BFF;
	s21 =	sshll.u32 s5, $0x1;
	s2 =	sadd.s32 s19, s18  }
0x9c: {  	s6 =	simm.s32 $0x0;
	s20 =	sshll.u32 s4, $0x1;
	s4 =	sadd.s32 s21, s2  }
0x9d: {  	[timem:s6], [sflag:s22] =	dma.local [hbm:s4], s20  }
0x9e: {  	_ =	swait.ge [sflag:s22], s20  }
0x9f: {  	s3 =	ssub.s32 $0x0, s20;
	[sflag:s22] =	ssyncset.done $0x0  }
0xa0: {  	[sflag:s22] =	ssyncadd.s32 s3;
	_ =	sdelay $0x1  }
0xa1: {  	s23 =	simm.s32 $0x1B8B  }
0xa2: {  	_ =	swait.ge [sflag:s23], $0x1  }
0xa3: {  	[sflag:s23] =	ssyncset.done $0x0  }
0xa4: {  	s25 =	simm.s32 $0x1B8E;
	s24 =	sld [smem:$0x3FFE];
	[sflag:s23] =	ssyncadd.s32 $0xFFFFFFFF  }
0xa5: {  	s26 =	simm.s32 $execute0_lowered;
	[smem:$0x3FD2] =	sst s25  }
0xa6: {  	s4 =	sshll.u32 s26, $0x1;
	_ =	strace $0x8000004C;
	[dreg:$0x1] =	wrdreg $0xFFFFFFFF  }
0xa7: {  	s28 =	simm.s32 $_size_execute0_lowered;
	s2 =	sadd.s32 s2, s4;
	[dreg:$0x0] =	wrdreg $0x0  }
0xa8: {  	s4 =	sshll.u32 s28, $0x1;
	[dreg:$0x2] =	wrdreg s2  }
0xa9: {  	[dreg:$0x3] =	wrdreg s4  }
0xaa: {  	[dreg:$0x4] =	wrdreg $0xC0  }
0xab: {  	_ =	task [dreg:s6], $0x5FFFF  }
0xac: {  	[dreg:$0x1] =	wrdreg $0xFFFFFFFF  }
0xad: {  	[dreg:$0x0] =	wrdreg $0x60  }
0xae: {  	[dreg:$0x2] =	wrdreg s24  }
0xaf: {  	[dreg:$0x3] =	wrdreg $0x80000  }
0xb0: {  	[dreg:$0x4] =	wrdreg $0xCE400  }
0xb1: {  	[dreg:$0x5] =	wrdreg $0x9  }
0xb2: {  	_ =	task.clear_ibuf [dreg:s6], $0x6FFFF;
	_ =	strace $0x9000004C  }
0xb3: {  	s29 =	simm.s32 $0x9;
	_ =	strace $0x8000004E  }
0xb4: {  	_ =	swait.ge [sflag:s29], $0x1  }
0xb5: {  	[sflag:s29] =	ssyncadd.s32 $0xFFFFFFFF  }
0xb6: {  	_ =	strace $0x9000004E  }
0xb7: {  	_ =	sfence  }
0xb8: {  	s30 =	sld [smem:$0x0];
	_ =	sdelay $0x2  }
0xb9: {  	s31 =	sshll.u32 s1, $0xD;
	s1 =	sshrl.u32 s1, $0x2  }
0xba: {  	s3 =	sand.u32 $0x4000, s31;
	s1 =	sadd.s32 s1, s30  }
0xbb: {  	s0 =	sor.u32 s3, s0;
	s1 =	sshll.u32 s1, $0x11  }
0xbc: {  	s0 =	sor.u32 s1, s0  }
0xbd: {  	s0 =	sadd.s32 $0x8F2B, s0  }
0xbe: {  	[sflag:s0] =	ssyncadd.remote.s32 $0x1  }
0xbf: {  	_ =	sfence.sel $0xFFFF  }
0xc0: {  	[dreg:$0x0] =	wrdreg $0xFFFFFFFF;
	(pc) =	sbr.abs _section_cstart, $3  }
0xc1: {  	[dreg:$0x1] =	wrdreg $0xFFFFFFFF  }
0xc2: {  	_ =	task.clear_ibuf [dreg:s6], $0x2FFFF;
	_ =	strace $0x9FFFFFFF  }
0xc3: {  	(tm) =	ssettm $0x7FFFFFFF  }
tec
execute0_lowered:
.L_overlay_start_1:
0x0: {  	(tag) =	ssettag $0x1  }
0x1: {  	s0 =	rddreg [dreg:$0x0]  }
0x2: {  	s2 =	rddreg [dreg:$0x1]  }
0x3: {  	s3 =	rddreg [dreg:$0x2];
	s4 =	simm.s32 $0x0;
	s17 =	stileid.u32  }
0x4: {  	s1 =	srdreg.scid;
	s16 =	simm.s32 $0x3;
	s18 =	simm.s32 $0x5000  }
0x5: {  	s22 =	simm.s32 $0x80;
	s24 =	simm.s32 $0x1;
	s25 =	simm.s32 $0x0  }
0x6: {  	s12 =	smul.u32 $0x4E40, s17;
	s1 =	sand.u32 $0x1, s1;
	s5 =	sshll.u32 s17, $0x1  }
0x7: {  	[smem:$0x7FF] =	sst s4;
	s26 =	smul.u32 $0x13900, s17;
	s21 =	sadd.s32 $0x495C0, s3  }
0x8: {  	p0 =	sne.s32 s17, $0xF;
	s5 =	sor.u32 s1, s5;
	s6 =	smul.u32 $0x4E400, s1  }
0x9: {  	_ =	strace $0x8000004D;
	s1 =	ssub.s32 $0x2, s1;
	s21 =	sshrl.u32 @!p0 s21, $0x3  }
0xa: {  	s7 =	sshrl.u32 s12, $0x3;
	s5 =	smul.u32 $0x500, s5;
	s29 =	sshrl.u32 s1, $0x1  }
0xb: {  	s30 =	sshrl.u32 s26, $0x2;
	s20 =	sadd.s32 s12, s3;
	s13 =	sadd.s32 s7, s0  }
0xc: {  	s6 =	sadd.s32 s12, s6;
	s1 =	ssub.s32 s1, s29;
	s11 =	sadd.s32 s30, s2  }
0xd: {  	s7 =	sadd.s32 s12, s2;
	s20 =	sshrl.u32 @p0 s20, $0x3;
	s8 =	sadd.s32 s5, s0  }
0xe: {  	s28 =	sshrl.u32 s6, $0x3;
	s9 =	sadd.s32 $0x2000, s11;
	s10 =	sadd.s32 $0x3000, s11  }
0xf: {  	s12 =	sadd.s32 $0x1B800, s13;
	s13 =	sadd.s32 $0x24AB8, s0;
	s15 =	smax.u32 s1, $0x1  }
0x10: {  	s14 =	sadd.s32 s28, s0;
	s31 =	sadd.s32 $0x11800, s8;
	s6 =	sadd.s32 $0x2800, s8  }
0x11: {  	s8 =	sadd.s32 $0x1000, s11;
	s11 =	sadd.s32 $0x4000, s11;
	s0 =	sshll.u32 @p0 s17, $0x6  }
0x12: {  	v0 =	vimm.f32 $0.0e+00;
	[dreg:$0x4] =	wrdreg s31;
	s14 =	sadd.s32 $0x25600, s14;
	s19 =	sor.u32 @p0 $0x1C01, s0  }
.LBB2_1:
0x13: {  	s0 =	rddreg [dreg:$0x4]  }
0x14: {  	[tilespmem:s4], [sflag:$0x3] =	stream.linear.gather [hbm4b:s0+s4], $0x2800, $0x38;
	[tilespmem:$0x11C80] =	vst v63  }
0x15: {  	_ =	swait.ge [sflag:s16], $0x2800  }
0x16: {  	[sflag:s16] =	ssyncset.done $0x0  }
0x17: {  	s30 =	simm.s32 $0x2800;
	[sflag:s16] =	ssyncadd.s32 $0xFFFFD800  }
0x18: {  	[tilespmem:s30], [sflag:$0x3] =	stream.linear.gather [hbm4b:s6+s4], $0x2800, $0x38;
	[tilespmem:$0x11C80] =	vst v63  }
0x19: {  	s31 =	sand.u32 $0x3F80, s4;
	s1 =	sand.u32 $0x10, s4;
	_ =	swait.ge [sflag:s16], $0x2800  }
0x1a: {  	s26 =	simm.s32 $0x40;
	s0 =	sshrl.u32 s31, $0x2;
	[sflag:s16] =	ssyncset.done $0x0  }
0x1b: {  	s1 =	sor.u32 s1, s0;
	s0 =	simm.s32 $0x0;
	[sflag:s16] =	ssyncadd.s32 $0xFFFFD800  }
.LBB2_2:
0x1c: {  	p1 =	sne.s32 s26, $0x3FC0  }
0x1d: {  	[tilespmem:s1+$0x5000] =	vst v0;
	s0 =	sadd.s32 $0x10, s0;
	s1 =	smov.u32 s26;
	s26 =	sadd.s32 $0x40, s26  }
.Ltmp0:
0x1e: {  	(pc) =	sbr.rel @p1 .LBB2_2-.Ltmp0, $4  }
0x1f: {  	_ = 	snop  }
0x20: {  	s1 =	sand.u32 $0x3F80, s1  }
0x21: {  	s28 =	sand.u32 $0x10, s0;
	s1 =	sshrl.u32 s1, $0x2  }
0x22: {  	s1 =	sor.u32 s28, s1  }
0x23: {  	[tilespmem:s1+$0x5000] =	vst v0  }
0x24: {  	[spmem:s7] =	stream.linear.scatter [tilespmem:s18], [sflag:$0x2], $0x1000, $0x38;
	[tilespmem:$0x11C80] =	vst v63  }
0x25: {  	_ = 	snop  }
0x26: {  	[spmem:s8] =	stream.linear.scatter [tilespmem:s18], [sflag:$0x2], $0x1000, $0x38;
	[tilespmem:$0x11C80] =	vst v63  }
0x27: {  	_ = 	snop  }
0x28: {  	[spmem:s9] =	stream.linear.scatter [tilespmem:s18], [sflag:$0x2], $0x1000, $0x38;
	[tilespmem:$0x11C80] =	vst v63  }
0x29: {  	_ = 	snop  }
0x2a: {  	[spmem:s10] =	stream.linear.scatter [tilespmem:s18], [sflag:$0x2], $0x1000, $0x38;
	[tilespmem:$0x11C80] =	vst v63  }
0x2b: {  	s0 =	simm.s32 @p0 $0x1  }
0x2c: {  	[spmem:s11] =	stream.linear.scatter [tilespmem:s18], [sflag:$0x2], $0xE40, $0x38;
	[tilespmem:$0x11C80] =	vst v63  }
0x2d: {  	[spmem:s20], [sflag:s19] =	dma.local @p0 [hbm:s12], $0x9C8  }
0x2e: {  	_ =	swait.ge @p0 [sflag:s0], $0x9C8  }
0x2f: {  	[sflag:s0] =	ssyncset.done @p0 $0x0  }
0x30: {  	[sflag:s0] =	ssyncadd.s32 @p0 $0xFFFFF638;
	s0 =	simm.s32 @!p0 $0x1FC1  }
0x31: {  	[spmem:s21], [sflag:s0] =	dma.local @!p0 [hbm:s13], $0x988  }
0x32: {  	s0 =	simm.s32 @!p0 $0x1  }
0x33: {  	_ =	swait.ge @!p0 [sflag:s0], $0x988  }
0x34: {  	[sflag:s0] =	ssyncset.done @!p0 $0x0  }
0x35: {  	[sflag:s0] =	ssyncadd.s32 @!p0 $0xFFFFF678;
	s0 =	simm.s32 $0x2  }
0x36: {  	_ =	swait.ge [sflag:s0], $0x1000  }
0x37: {  	[sflag:s0] =	ssyncset.done $0x0  }
0x38: {  	[sflag:s0] =	ssyncadd.s32 $0xFFFFF000  }
0x39: {  	_ =	swait.ge [sflag:s0], $0x1000  }
0x3a: {  	[sflag:s0] =	ssyncset.done $0x0  }
0x3b: {  	[sflag:s0] =	ssyncadd.s32 $0xFFFFF000  }
0x3c: {  	_ =	swait.ge [sflag:s0], $0x1000  }
0x3d: {  	[sflag:s0] =	ssyncset.done $0x0  }
0x3e: {  	[sflag:s0] =	ssyncadd.s32 $0xFFFFF000  }
0x3f: {  	_ =	swait.ge [sflag:s0], $0x1000  }
0x40: {  	[sflag:s0] =	ssyncset.done $0x0  }
0x41: {  	[sflag:s0] =	ssyncadd.s32 $0xFFFFF000  }
0x42: {  	s23 =	simm.s32 $0x0;
	_ =	swait.ge [sflag:s0], $0xE40  }
0x43: {  	s1 =	smul.u32 $0xAB, s23;
	[sflag:s0] =	ssyncset.done $0x0  }
0x44: {  	p1 =	por $0x0, $0x0;
	[sflag:s0] =	ssyncadd.s32 $0xFFFFF1C0  }
0x45: {  	s1 =	sshrl.u32 s1, $0x9;
	s0 =	smul.u32 @!p1 $0xAB, s0;
	[bflag:$0x0] =	sbarrier.arrive $0xFFFF  }
0x46: {  	[tilespmem:s18], [sflag:$0x1] =	stream.indirect.gather [spmem:s3], $0x20, s4, s22, $0xb8;
	[tilespmem:$0x11C80] =	vst v63  }
0x47: {  	s1 =	sand.u32 $0x7F, s1;
	s0 =	sshrl.u32 @!p1 s0, $0x9  }
0x48: {  	s1 =	smul.u32 $0x3, s1;
	s0 =	sand.u32 @!p1 $0x7F, s0  }
0x49: {  	s17 =	simm.s32 $0x6000;
	s26 =	simm.s32 $0x100;
	s0 =	smul.u32 @!p1 $0x3, s0  }
0x4a: {  	[tilespmem:s17], [sflag:$0x1] =	stream.indirect.gather [spmem:s3], $0x20, s22, s22, $0xb8;
	[tilespmem:$0x11C80] =	vst v63  }
0x4b: {  	s30 =	simm.s32 $0x1;
	s29 =	simm.s32 @!p1 $0x80;
	s0 =	ssub.s32 @!p1 $0x2, s0  }
0x4c: {  	s1 =	ssub.s32 $0x0, s1;
	_ =	swait.ge [sflag:s24], $0x1000;
	s0 =	sand.u32 @!p1 $0xFF, s0  }
0x4d: {  	s1 =	sand.u32 $0xFF, s1;
	[sflag:s24] =	ssyncset.done $0x0;
	s0 =	sshll.u32 @!p1 s0, $0xC  }
0x4e: {  	s1 =	sshll.u32 s1, $0xC;
	[sflag:s24] =	ssyncadd.s32 $0xFFFFF000;
	s0 =	sadd.s32 @!p1 $0x5000, s0  }
0x4f: {  	[tilespmem:s0], [sflag:$0x1] =	stream.indirect.gather @!p1 [spmem:s3], $0x20, s26, s29, $0xb8;
	[tilespmem:$0x11C80] =	vst v63  }
0x50: {  	s29 =	simm.s32 $0x3;
	s0 =	smul.u32 $0xAB, s30;
	p1 =	por $0x0, $0x0  }
0x51: {  	s28 =	simm.s32 $0x2800;
	s26 =	sadd.s32 $0x5000, s1;
	s1 =	smul.u32 @!p1 $0xAB, s29  }
0x52: {  	[spmem:s2] =	stream.indirect.scatter.add.f32 [tilespmem:s26], [sflag:$0x3], $0x20, s28, s22, $0xb8;
	[tilespmem:$0x11C80] =	vst v63  }
0x53: {  	s31 =	simm.s32 $0x4;
	s28 =	simm.s32 $0x180;
	s26 =	simm.s32 $0x2880  }
.LBB2_4:
0x54: {  	s0 =	sshrl.u32 s0, $0x9;
	s1 =	sshrl.u32 @!p1 s1, $0x9  }
0x55: {  	_ =	swait.ge [sflag:s16], $0x1000;
	s17 =	smov.u32 s31;
	s23 =	smov.u32 s26  }
0x56: {  	s0 =	sand.u32 $0x7F, s0;
	s1 =	sand.u32 @!p1 $0x7F, s1;
	[sflag:s16] =	ssyncset.done $0x0  }
0x57: {  	s31 =	sadd.s32 $0x1, s31;
	s1 =	smul.u32 @!p1 $0x3, s1;
	[sflag:s16] =	ssyncadd.s32 $0xFFFFF000  }
0x58: {  	p2 =	sne.s32 s31, $0x52;
	s0 =	smul.u32 $0x3, s0  }
0x59: {  	s5 =	simm.s32 @!p1 $0x80;
	s1 =	ssub.s32 @!p1 s29, s1;
	s29 =	smov.u32 s17  }
0x5a: {  	s0 =	ssub.s32 s30, s0;
	_ =	swait.ge [sflag:s24], $0x1000;
	s1 =	sand.u32 @!p1 $0xFF, s1  }
0x5b: {  	s0 =	sand.u32 $0xFF, s0;
	[sflag:s24] =	ssyncset.done $0x0;
	s1 =	sshll.u32 @!p1 s1, $0xC  }
0x5c: {  	s17 =	sshll.u32 s0, $0xC;
	[sflag:s24] =	ssyncadd.s32 $0xFFFFF000;
	s0 =	sadd.s32 @!p1 $0x5000, s1  }
0x5d: {  	[tilespmem:s0], [sflag:$0x1] =	stream.indirect.gather @!p1 [spmem:s3], $0x20, s28, s5, $0xb8;
	[tilespmem:$0x11C80] =	vst v63  }
.Ltmp1:
0x5e: {  	_ = 	snop;
	(pc) =	sbr.rel @p2 .LBB2_4-.Ltmp1, $4  }
0x5f: {  	s30 =	sadd.s32 $0xFFFFFFFE, s29  }
0x60: {  	s0 =	smul.u32 $0xAB, s30;
	p1 =	sgt.u32 s30, $0x4D;
	s5 =	sadd.s32 $0x5000, s17  }
0x61: {  	s26 =	sadd.s32 $0x80, s26;
	s28 =	sadd.s32 $0x80, s28;
	s1 =	smul.u32 @!p1 $0xAB, s29  }
0x62: {  	[spmem:s2] =	stream.indirect.scatter.add.f32 [tilespmem:s5], [sflag:$0x3], $0x20, s23, s22, $0xb8;
	[tilespmem:$0x11C80] =	vst v63  }
0x63: {  	s1 =	sshrl.u32 @!p1 s1, $0x9  }
0x64: {  	s0 =	sshrl.u32 s0, $0x9;
	s1 =	sand.u32 @!p1 $0x7F, s1  }
0x65: {  	_ =	swait.ge [sflag:s16], $0x1000;
	s0 =	sand.u32 $0x7F, s0;
	s1 =	smul.u32 @!p1 $0x3, s1  }
0x66: {  	[sflag:s16] =	ssyncset.done $0x0;
	s0 =	smul.u32 $0x3, s0  }
0x67: {  	s5 =	simm.s32 @!p1 $0x80;
	[sflag:s16] =	ssyncadd.s32 $0xFFFFF000;
	s1 =	ssub.s32 @!p1 s29, s1  }
0x68: {  	_ =	swait.ge [sflag:s24], $0x1000;
	s0 =	ssub.s32 s30, s0;
	s1 =	sand.u32 @!p1 $0xFF, s1  }
0x69: {  	[sflag:s24] =	ssyncset.done $0x0;
	s0 =	sand.u32 $0xFF, s0;
	s1 =	sshll.u32 @!p1 s1, $0xC  }
0x6a: {  	[sflag:s24] =	ssyncadd.s32 $0xFFFFF000;
	s0 =	sshll.u32 s0, $0xC;
	s1 =	sadd.s32 @!p1 $0x5000, s1  }
0x6b: {  	[tilespmem:s1], [sflag:$0x1] =	stream.indirect.gather @!p1 [spmem:s3], $0x20, s28, s5, $0xb8;
	[tilespmem:$0x11C80] =	vst v63  }
0x6c: {  	s0 =	sadd.s32 $0x5000, s0  }
0x6d: {  	[spmem:s2] =	stream.indirect.scatter.add.f32 [tilespmem:s0], [sflag:$0x3], $0x20, s26, s22, $0xb8;
	[tilespmem:$0x11C80] =	vst v63  }
0x6e: {  	s31 =	sshrl.u32 s7, $0x3;
	_ =	swait.ge [sflag:s16], $0x1000  }
0x6f: {  	s25 =	sadd.s32 $0x1, s25;
	s30 =	stileid.u32;
	[sflag:s16] =	ssyncset.done $0x0  }
0x70: {  	p1 =	sne.s32 s25, s15;
	s0 =	sshll.u32 s30, $0x6;
	[sflag:s16] =	ssyncadd.s32 $0xFFFFF000  }
.Ltmp2:
0x71: {  	s0 =	sor.u32 $0x1C03, s0;
	[bflag:$0x0] =	sbarrier.arrive $0xFFFF;
	(pc) =	sbr.rel @p1 .LBB2_1-.Ltmp2, $4  }
0x72: {  	[hbm:s14], [sflag:s0] =	dma.local [spmem:s31], $0x9C8  }
0x73: {  	_ =	swait.ge [sflag:s16], $0x9C8  }
0x74: {  	[sflag:s16] =	ssyncset.done $0x0  }
0x75: {  	[sflag:s16] =	ssyncadd.s32 $0xFFFFF638  }
0x76: {  	_ =	sfence.sel $0x180000  }
0x77: {  	[bflag:$0x0] =	sbarrier.arrive $0xFFFF  }
0x78: {  	_ =	strace $0x9000004D  }
0x79: {  	s0 =	stileid.u32;
	[bflag:$0x2] =	sbarrier.arrive $0xFFFF  }
0x7a: {  	p0 =	sne.s32 s0, $0x0;
	s0 =	rddreg [dreg:$0x3]  }
0x7b: {  	s0 =	sadd.s32 @!p0 $0x100000, s0  }
0x7c: {  	[sflag:s0] =	ssyncadd.tile.s32 @!p0 $0x1;
	_ =	shalt  }
.Lfunc_end2:
_tile_overlayer_lowered:
.L_overlay_start_2:
0x7d: {  	(tag) =	ssettag $0x2  }
0x7e: {  	s0 =	rddreg [dreg:$0x0];
	s2 =	stileid.u32  }
0x7f: {  	s1 =	rddreg [dreg:$0x1];
	p0 =	sne.s32 s2, $0x0  }
0x80: {  	s3 =	rddreg [dreg:$0x2];
	[bflag:$0x3] =	sbarrier.arrive $0xFFFF;
	s2 =	simm.s32 @!p0 $0x1C03  }
0x81: {  	[timem:s3], [sflag:s2] =	dma.local @!p0 [hbm:s0], s1  }
0x82: {  	s0 =	simm.s32 @!p0 $0x3  }
0x83: {  	_ =	swait.ge @!p0 [sflag:s0], s1  }
0x84: {  	s1 =	ssub.s32 @!p0 $0x0, s1;
	[sflag:s0] =	ssyncset.done @!p0 $0x0  }
0x85: {  	[sflag:s0] =	ssyncadd.s32 @!p0 s1  }
0x86: {  	[bflag:$0x3] =	sbarrier.arrive $0xFFFF  }
0x87: {  	_ =	shalt  }

// kernel: kernel.8.cloned.1.call-start
scs
__scs_entry_jumppad:
0x0: {  	(pc) =	sbr.rel $0x88, $3  }
0x1: {  	(tag) =	ssettag $0x0;
	lr =	simm.s32 $0x1  }
0x2: {  	[smem:$0x3F99] =	sst lr;
	_ =	strace $0xD0000000  }
0x3: {  	_ = 	snop  }
0x4: {  	_ = 	snop  }
0x5: {  	_ = 	snop  }
0x6: {  	_ = 	snop  }
0x7: {  	_ = 	snop  }
__scs_overlays_trampoline_lowered:
0x8: {  	[smem:$0x3FA8] =	sst s0  }
0x9: {  	[smem:$0x3FA9] =	sst s1  }
0xa: {  	[smem:$0x3FAA] =	sst s2  }
0xb: {  	[smem:$0x3FAB] =	sst s3  }
0xc: {  	[smem:$0x3FAC] =	sst s4  }
0xd: {  	[smem:$0x3FAD] =	sst s5  }
0xe: {  	[smem:$0x3FAE] =	sst s6  }
0xf: {  	[smem:$0x3FAF] =	sst s7  }
0x10: {  	[smem:$0x3FB0] =	sst s8  }
0x11: {  	[smem:$0x3FB1] =	sst s9;
	s0 =	simm.s32 @!p0 $0x0  }
0x12: {  	s1 =	sld [smem:$0x3F97];
	s0 =	simm.s32 @p0 $0x1  }
0x13: {  	[smem:$0x3FB2] =	sst s0;
	s0 =	simm.s32 @!p1 $0x0  }
0x14: {  	s2 =	sld [smem:$0x3F96];
	s0 =	simm.s32 @p1 $0x1  }
0x15: {  	[smem:$0x3FB3] =	sst s0;
	s0 =	simm.s32 @!p2 $0x0  }
0x16: {  	s3 =	sld [smem:$0x3FDB];
	s0 =	simm.s32 @p2 $0x1  }
0x17: {  	s4 =	simm.s32 $0x1BF5;
	[smem:$0x3FB5] =	sst s0  }
0x18: {  	s0 =	sld [smem:$0x3F98];
	_ =	swait.ge [sflag:s4], $0x0  }
0x19: {  	s7 =	sld [smem:$0x3F99]  }
0x1a: {  	s8 =	sadd.s32 $0xFFFFE003, lr  }
0x1b: {  	s9 =	sadd.s32 $0xFFFFFEF7, lr;
	s5 =	simm.s32 $0xFFFFFFFF;
	p2 =	slt.u32 s8, $0xFFFFF086  }
0x1c: {  	p1 =	slt.u32 s9, $0xF7A;
	s5 =	simm.s32 @!p2 $0x0  }
0x1d: {  	s5 =	simm.s32 @p1 $0x1;
	p0 =	seq.s32 s7, s2  }
0x1e: {  	s7 =	smul.u32 @!p0 $0xF7A, s2;
	p2 =	seq.s32 @!p0 s5, $0x0  }
0x1f: {  	s9 =	smul.u32 $0xF7A, s1;
	s8 =	simm.s32 @!p0 $0x1BF5;
	p2 =	por !p2, p0  }
0x20: {  	[sflag:s8] =	ssyncset.s32 @!p0 $0xFFFFF086;
	s6 =	sadd.s32 @!p0 s3, s7;
	s7 =	simm.s32 @!p0 $0x108  }
0x21: {  	s3 =	sadd.s32 s3, s9;
	s6 =	sadd.s32 @!p0 $0x88, s6;
	s7 =	simm.s32 @p2 $0x1082  }
0x22: {  	[simem:s7], [sflag:s8] =	dma.local @!p0 [hbm:s6], $0xF7A  }
0x23: {  	s9 =	sor.u32 $0xD0000000, s2;
	s6 =	simm.s32 $0x108;
	_ =	swait.ge @!p0 [sflag:s8], $0x0  }
0x24: {  	s3 =	sadd.s32 $0x88, s3;
	s6 =	simm.s32 @!p1 $0x1082;
	[sflag:s4] =	ssyncset.s32 $0xFFFFF086  }
0x25: {  	[simem:s6], [sflag:s4] =	dma.local [hbm:s3], $0xF7A  }
0x26: {  	[smem:$0x3F99] =	sst s1;
	(tag) =	ssettag s2;
	_ =	strace s9  }
0x27: {  	s1 =	sld [smem:$0x3FA9]  }
0x28: {  	s2 =	sld [smem:$0x3FAA]  }
0x29: {  	s4 =	sld [smem:$0x3FAC]  }
0x2a: {  	p0 =	seq.s32 s5, $0x0;
	s5 =	sld [smem:$0x3FAD]  }
0x2b: {  	s6 =	sld [smem:$0x3FAE]  }
0x2c: {  	s7 =	sld [smem:$0x3FAF]  }
0x2d: {  	s3 =	simm.s32 $0x108;
	s8 =	sld [smem:$0x3FB0]  }
0x2e: {  	s3 =	simm.s32 @!p0 $0x1082;
	s9 =	sld [smem:$0x3FB1]  }
0x2f: {  	lr =	sadd.s32 s0, s3;
	s0 =	sld [smem:$0x3FA8]  }
0x30: {  	s3 =	sld [smem:$0x3FAB]  }
0x31: {  	[smem:$0x3FB4] =	sst s10  }
0x32: {  	s10 =	sld [smem:$0x3FB2];
	_ =	sdelay $0x3  }
0x33: {  	p0 =	seq.s32 s10, $0x1;
	s10 =	sld [smem:$0x3FB4];
	_ =	sdelay $0x3  }
0x34: {  	[smem:$0x3FB4] =	sst s10  }
0x35: {  	s10 =	sld [smem:$0x3FB3];
	_ =	sdelay $0x3  }
0x36: {  	p1 =	seq.s32 s10, $0x1;
	s10 =	sld [smem:$0x3FB4];
	_ =	sdelay $0x3  }
0x37: {  	[smem:$0x3FB4] =	sst s10  }
0x38: {  	s10 =	sld [smem:$0x3FB5]  }
0x39: {  	_ = 	snop;
	(pc) =	sbr.ind lr, $3  }
0x3a: {  	_ = 	snop  }
0x3b: {  	_ = 	snop  }
0x3c: {  	p2 =	seq.s32 s10, $0x1;
	s10 =	sld [smem:$0x3FB4]  }
0x3d: {  	_ =	shalt  }
0x3e: {  	_ =	shalt  }
0x3f: {  	_ =	shalt  }
0x40: {  	_ =	shalt  }
0x41: {  	_ =	shalt  }
0x42: {  	_ =	shalt  }
0x43: {  	_ =	shalt  }
0x44: {  	_ =	shalt  }
0x45: {  	_ =	shalt  }
0x46: {  	_ =	shalt  }
0x47: {  	_ =	shalt  }
0x48: {  	_ =	shalt  }
0x49: {  	_ =	shalt  }
0x4a: {  	_ =	shalt  }
0x4b: {  	_ =	shalt  }
0x4c: {  	_ =	shalt  }
0x4d: {  	_ =	shalt  }
0x4e: {  	_ =	shalt  }
0x4f: {  	_ =	shalt  }
0x50: {  	_ =	shalt  }
0x51: {  	_ =	shalt  }
0x52: {  	_ =	shalt  }
0x53: {  	_ =	shalt  }
0x54: {  	_ =	shalt  }
0x55: {  	_ =	shalt  }
0x56: {  	_ =	shalt  }
0x57: {  	_ =	shalt  }
0x58: {  	_ =	shalt  }
0x59: {  	_ =	shalt  }
0x5a: {  	_ =	shalt  }
0x5b: {  	_ =	shalt  }
0x5c: {  	_ =	shalt  }
0x5d: {  	_ =	shalt  }
0x5e: {  	_ =	shalt  }
0x5f: {  	_ =	shalt  }
0x60: {  	_ =	shalt  }
0x61: {  	_ =	shalt  }
0x62: {  	_ =	shalt  }
0x63: {  	_ =	shalt  }
0x64: {  	_ =	shalt  }
0x65: {  	_ =	shalt  }
0x66: {  	_ =	shalt  }
0x67: {  	_ =	shalt  }
0x68: {  	_ =	shalt  }
0x69: {  	_ =	shalt  }
0x6a: {  	_ =	shalt  }
0x6b: {  	_ =	shalt  }
0x6c: {  	_ =	shalt  }
0x6d: {  	_ =	shalt  }
0x6e: {  	_ =	shalt  }
0x6f: {  	_ =	shalt  }
0x70: {  	_ =	shalt  }
0x71: {  	_ =	shalt  }
0x72: {  	_ =	shalt  }
0x73: {  	_ =	shalt  }
0x74: {  	_ =	shalt  }
0x75: {  	_ =	shalt  }
0x76: {  	_ =	shalt  }
0x77: {  	_ =	shalt  }
0x78: {  	_ =	shalt  }
0x79: {  	_ =	shalt  }
0x7a: {  	_ =	shalt  }
0x7b: {  	_ =	shalt  }
0x7c: {  	_ =	shalt  }
0x7d: {  	_ =	shalt  }
0x7e: {  	_ =	shalt  }
0x7f: {  	_ =	shalt  }
0x80: {  	_ =	shalt  }
0x81: {  	_ =	shalt  }
0x82: {  	_ =	shalt  }
0x83: {  	_ =	shalt  }
0x84: {  	_ =	shalt  }
0x85: {  	_ =	shalt  }
0x86: {  	_ =	shalt  }
0x87: {  	_ =	shalt  }
.Lfunc_end0:
.L_simem_size_0:
called_computation_lowered:
.L_overlay_start_0:
0x88: {  	s2 =	sld [smem:$0x3FD9]  }
0x89: {  	s3 =	sld [smem:$0x3FFE];
	_ =	sdelay $0x1  }
0x8a: {  	s1 =	srdreg.scid  }
0x8b: {  	s0 =	sand.u32 $0x1, s1  }
0x8c: {  	s16 =	sshll.u32 s0, $0xA;
	s2 =	sadd.s32 s3, s2  }
0x8d: {  	s2 =	sadd.s32 s2, s16  }
0x8e: {  	[smem:$0x3FC0] =	sst s2  }
0x8f: {  	_ = 	snop  }
0x90: {  	(tm) =	ssettm $0x1  }
0x91: {  	s17 =	sld [smem:$0x3FFB];
	_ =	sdelay $0x3  }
0x92: {  	_ =	strace s17  }
0x93: {  	s2 =	sld [smem:$0x3FFC];
	_ =	sdelay $0x3  }
0x94: {  	_ =	strace s2  }
0x95: {  	s2 =	sld [smem:$0x3FFD];
	_ =	sdelay $0x3  }
0x96: {  	_ =	strace s2  }
0x97: {  	_ =	strace $0x8FFFFFFF  }
0x98: {  	s18 =	sld [smem:$0x3FDB];
	_ =	sdelay $0x1  }
0x99: {  	s19 =	simm.s32 $_scs_section_size  }
0x9a: {  	s4 =	simm.s32 $_size__tile_overlayer_lowered;
	s5 =	simm.s32 $_tile_overlayer_lowered  }
0x9b: {  	s22 =	simm.s32 $0x1BFF;
	s21 =	sshll.u32 s5, $0x1;
	s2 =	sadd.s32 s19, s18  }
0x9c: {  	s6 =	simm.s32 $0x0;
	s20 =	sshll.u32 s4, $0x1;
	s4 =	sadd.s32 s21, s2  }
0x9d: {  	[timem:s6], [sflag:s22] =	dma.local [hbm:s4], s20  }
0x9e: {  	_ =	swait.ge [sflag:s22], s20  }
0x9f: {  	s3 =	ssub.s32 $0x0, s20;
	[sflag:s22] =	ssyncset.done $0x0  }
0xa0: {  	[sflag:s22] =	ssyncadd.s32 s3;
	_ =	sdelay $0x1  }
0xa1: {  	s23 =	simm.s32 $0x1B8B  }
0xa2: {  	_ =	swait.ge [sflag:s23], $0x1  }
0xa3: {  	[sflag:s23] =	ssyncset.done $0x0  }
0xa4: {  	s25 =	simm.s32 $0x1B8E;
	s24 =	sld [smem:$0x3FFE];
	[sflag:s23] =	ssyncadd.s32 $0xFFFFFFFF  }
0xa5: {  	s26 =	simm.s32 $execute0_lowered;
	[smem:$0x3FD2] =	sst s25  }
0xa6: {  	s4 =	sshll.u32 s26, $0x1;
	_ =	strace $0x80000046;
	[dreg:$0x1] =	wrdreg $0xFFFFFFFF  }
0xa7: {  	s28 =	simm.s32 $_size_execute0_lowered;
	s2 =	sadd.s32 s2, s4;
	[dreg:$0x0] =	wrdreg $0x0  }
0xa8: {  	s4 =	sshll.u32 s28, $0x1;
	[dreg:$0x2] =	wrdreg s2  }
0xa9: {  	[dreg:$0x3] =	wrdreg s4  }
0xaa: {  	[dreg:$0x4] =	wrdreg $0xC0  }
0xab: {  	_ =	task [dreg:s6], $0x5FFFF  }
0xac: {  	[dreg:$0x1] =	wrdreg $0xFFFFFFFF  }
0xad: {  	[dreg:$0x0] =	wrdreg $0x60  }
0xae: {  	[dreg:$0x2] =	wrdreg s24  }
0xaf: {  	[dreg:$0x3] =	wrdreg $0x31000  }
0xb0: {  	[dreg:$0x4] =	wrdreg $0x9  }
0xb1: {  	_ =	task.clear_ibuf [dreg:s6], $0x5FFFF;
	_ =	strace $0x90000046  }
0xb2: {  	s29 =	simm.s32 $0x9;
	_ =	strace $0x80000048  }
0xb3: {  	_ =	swait.ge [sflag:s29], $0x1  }
0xb4: {  	[sflag:s29] =	ssyncadd.s32 $0xFFFFFFFF  }
0xb5: {  	_ =	strace $0x90000048  }
0xb6: {  	_ =	sfence  }
0xb7: {  	s30 =	sld [smem:$0x0];
	_ =	sdelay $0x2  }
0xb8: {  	s31 =	sshll.u32 s1, $0xD;
	s1 =	sshrl.u32 s1, $0x2  }
0xb9: {  	s3 =	sand.u32 $0x4000, s31;
	s1 =	sadd.s32 s1, s30  }
0xba: {  	s0 =	sor.u32 s3, s0;
	s1 =	sshll.u32 s1, $0x11  }
0xbb: {  	s0 =	sor.u32 s1, s0  }
0xbc: {  	s0 =	sadd.s32 $0x8F2B, s0  }
0xbd: {  	[sflag:s0] =	ssyncadd.remote.s32 $0x1  }
0xbe: {  	_ =	sfence.sel $0xFFFF  }
0xbf: {  	[dreg:$0x0] =	wrdreg $0xFFFFFFFF;
	(pc) =	sbr.abs _section_cstart, $3  }
0xc0: {  	[dreg:$0x1] =	wrdreg $0xFFFFFFFF  }
0xc1: {  	_ =	task.clear_ibuf [dreg:s6], $0x2FFFF;
	_ =	strace $0x9FFFFFFF  }
0xc2: {  	(tm) =	ssettm $0x7FFFFFFF  }
0xc3: {  	_ =	shalt  }
tec
execute0_lowered:
.L_overlay_start_1:
0x0: {  	(tag) =	ssettag $0x1  }
0x1: {  	s0 =	srdreg.scid  }
0x2: {  	s6 =	stileid.u32;
	s3 =	rddreg [dreg:$0x0]  }
0x3: {  	s2 =	rddreg [dreg:$0x1];
	s5 =	simm.s32 $0x0;
	s26 =	smul.u32 $0x1390, s6  }
0x4: {  	s0 =	sand.u32 $0x1, s0;
	s1 =	sshll.u32 s6, $0x1;
	s6 =	smul.u32 $0x9C80, s6  }
0x5: {  	[smem:$0x7FF] =	sst s5;
	s4 =	smul.u32 $0x13900, s0  }
0x6: {  	s1 =	sor.u32 s0, s1;
	_ =	strace $0x80000047;
	s0 =	ssub.s32 $0x2, s0  }
0x7: {  	s1 =	smul.u32 $0x500, s1;
	s28 =	sshrl.u32 s0, $0x1;
	s4 =	sadd.s32 s26, s4  }
0x8: {  	s6 =	sshrl.u32 s6, $0x2;
	s0 =	ssub.s32 s0, s28;
	s4 =	sshrl.u32 s4, $0x3  }
0x9: {  	s1 =	sadd.s32 s1, s3;
	s0 =	smax.u32 s0, $0x1;
	s3 =	sadd.s32 s4, s3  }
0xa: {  	s4 =	sadd.s32 s6, s2;
	s1 =	sadd.s32 $0x2800, s1;
	[dreg:$0x17] =	wrdreg s0  }
0xb: {  	[dreg:$0x3] =	wrdreg s1;
	s7 =	sadd.s32 $0x100, s4  }
0xc: {  	s8 =	sadd.s32 $0x200, s4;
	[dreg:$0x4] =	wrdreg s7  }
0xd: {  	s9 =	sadd.s32 $0x300, s4;
	[dreg:$0x5] =	wrdreg s8  }
0xe: {  	s10 =	sadd.s32 $0x400, s4;
	[dreg:$0x6] =	wrdreg s9  }
0xf: {  	s11 =	sadd.s32 $0x500, s4;
	[dreg:$0x7] =	wrdreg s10  }
0x10: {  	s12 =	sadd.s32 $0x600, s4;
	[dreg:$0x8] =	wrdreg s11  }
0x11: {  	s13 =	sadd.s32 $0x700, s4;
	[dreg:$0x9] =	wrdreg s12  }
0x12: {  	s14 =	sadd.s32 $0x800, s4;
	[dreg:$0xa] =	wrdreg s13  }
0x13: {  	s15 =	sadd.s32 $0x900, s4;
	[dreg:$0xb] =	wrdreg s14  }
0x14: {  	s16 =	sadd.s32 $0xA00, s4;
	[dreg:$0xc] =	wrdreg s15  }
0x15: {  	s17 =	sadd.s32 $0xB00, s4;
	[dreg:$0xd] =	wrdreg s16  }
0x16: {  	s18 =	sadd.s32 $0xC00, s4;
	[dreg:$0xe] =	wrdreg s17  }
0x17: {  	s19 =	sadd.s32 $0xD00, s4;
	[dreg:$0xf] =	wrdreg s18  }
0x18: {  	s20 =	sadd.s32 $0xE00, s4;
	s21 =	sadd.s32 $0xF00, s4;
	[dreg:$0x10] =	wrdreg s19  }
0x19: {  	s22 =	sadd.s32 $0x1000, s4;
	s23 =	sadd.s32 $0x1100, s4;
	[dreg:$0x11] =	wrdreg s20  }
0x1a: {  	s24 =	sadd.s32 $0x1200, s4;
	s25 =	sadd.s32 $0xC800, s3;
	[dreg:$0x12] =	wrdreg s21  }
0x1b: {  	s26 =	sadd.s32 $0x1300, s4;
	s28 =	sadd.s32 $0x1400, s4;
	[dreg:$0x13] =	wrdreg s22  }
0x1c: {  	s29 =	sadd.s32 $0x1500, s4;
	s30 =	sadd.s32 $0x1600, s4;
	[dreg:$0x14] =	wrdreg s23  }
0x1d: {  	s31 =	sadd.s32 $0x1700, s4;
	s1 =	sadd.s32 $0x1800, s4;
	[dreg:$0x15] =	wrdreg s24  }
0x1e: {  	s3 =	sadd.s32 $0x1900, s4;
	s0 =	sadd.s32 $0x1A00, s4;
	[dreg:$0x16] =	wrdreg s25  }
0x1f: {  	s5 =	sadd.s32 $0x1B00, s4;
	s6 =	sadd.s32 $0x1C00, s4;
	[dreg:$0x18] =	wrdreg s26  }
0x20: {  	[dreg:$0x19] =	wrdreg s28;
	s7 =	sadd.s32 $0x1D00, s4;
	s8 =	sadd.s32 $0x1E00, s4  }
0x21: {  	s9 =	sadd.s32 $0x1F00, s4;
	s10 =	sadd.s32 $0x2000, s4;
	s11 =	sadd.s32 $0x2100, s4  }
0x22: {  	s12 =	sadd.s32 $0x2200, s4;
	s13 =	sadd.s32 $0x2300, s4;
	s14 =	sadd.s32 $0x2400, s4  }
0x23: {  	s15 =	sadd.s32 $0x2500, s4;
	s16 =	sadd.s32 $0x2600, s4;
	s17 =	sadd.s32 $0x2700, s4  }
0x24: {  	s18 =	simm.s32 $0x2;
	s19 =	simm.s32 $0x3000;
	s20 =	simm.s32 $0x1  }
0x25: {  	v0 =	vimm.f32 $1.000000000e+00;
	v1 =	vimm.f32 $0.0e+00;
	s21 =	simm.s32 $0x80;
	s22 =	simm.s32 $0x2800;
	s23 =	simm.s32 $0x0  }
.LBB2_1:
0x26: {  	s24 =	simm.s32 $0x0;
	s25 =	rddreg [dreg:$0x3]  }
0x27: {  	[tilespmem:s24], [sflag:$0x2] =	stream.linear.gather [hbm4b:s25+s24], $0x2800, $0x38;
	[tilespmem:$0x5820] =	vst v63  }
0x28: {  	_ =	swait.ge [sflag:s18], $0x2800  }
0x29: {  	[sflag:s18] =	ssyncset.done $0x0  }
0x2a: {  	s24 =	simm.s32 $0x40;
	s25 =	simm.s32 $0x0;
	[sflag:s18] =	ssyncadd.s32 $0xFFFFD800  }
.LBB2_2:
0x2b: {  	p0 =	sne.s32 s24, $0x1FC0;
	[tilespmem:s25+$0x2800] =	vst v0;
	s25 =	smov.u32 s24;
	s24 =	sadd.s32 $0x40, s24  }
.Ltmp0:
0x2c: {  	(pc) =	sbr.rel @p0 .LBB2_2-.Ltmp0, $2  }
0x2d: {  	_ =	sdelay $0x2  }
0x2e: {  	s25 =	sshra.s32 s25, $0x2  }
0x2f: {  	[tilespmem:s25+$0x2800] =	vst v0  }
0x30: {  	[tilespmem:$0x3000] =	vst v1  }
0x31: {  	[tilespmem:$0x3010] =	vst v1  }
0x32: {  	[tilespmem:$0x3020] =	vst v1  }
0x33: {  	[tilespmem:$0x3030] =	vst v1  }
0x34: {  	[tilespmem:$0x3040] =	vst v1  }
0x35: {  	[tilespmem:$0x3050] =	vst v1  }
0x36: {  	[tilespmem:$0x3060] =	vst v1  }
0x37: {  	[tilespmem:$0x3070] =	vst v1  }
0x38: {  	[tilespmem:$0x3080] =	vst v1  }
0x39: {  	[tilespmem:$0x3090] =	vst v1  }
0x3a: {  	[tilespmem:$0x30A0] =	vst v1  }
0x3b: {  	[tilespmem:$0x30B0] =	vst v1  }
0x3c: {  	[tilespmem:$0x30C0] =	vst v1  }
0x3d: {  	[tilespmem:$0x30D0] =	vst v1  }
0x3e: {  	[tilespmem:$0x30E0] =	vst v1  }
0x3f: {  	[tilespmem:$0x30F0] =	vst v1  }
0x40: {  	[spmem:s4] =	stream.linear.scatter [tilespmem:s19], [sflag:$0x1], $0x100, $0x38;
	[tilespmem:$0x5820] =	vst v63  }
0x41: {  	s24 =	rddreg [dreg:$0x4]  }
0x42: {  	[spmem:s24] =	stream.linear.scatter [tilespmem:s19], [sflag:$0x1], $0x100, $0x38;
	[tilespmem:$0x5820] =	vst v63  }
0x43: {  	s25 =	rddreg [dreg:$0x5]  }
0x44: {  	[spmem:s25] =	stream.linear.scatter [tilespmem:s19], [sflag:$0x1], $0x100, $0x38;
	[tilespmem:$0x5820] =	vst v63  }
0x45: {  	s26 =	rddreg [dreg:$0x6]  }
0x46: {  	[spmem:s26] =	stream.linear.scatter [tilespmem:s19], [sflag:$0x1], $0x100, $0x38;
	[tilespmem:$0x5820] =	vst v63  }
0x47: {  	s28 =	rddreg [dreg:$0x7]  }
0x48: {  	[spmem:s28] =	stream.linear.scatter [tilespmem:s19], [sflag:$0x1], $0x100, $0x38;
	[tilespmem:$0x5820] =	vst v63  }
0x49: {  	s25 =	rddreg [dreg:$0x8]  }
0x4a: {  	[spmem:s25] =	stream.linear.scatter [tilespmem:s19], [sflag:$0x1], $0x100, $0x38;
	[tilespmem:$0x5820] =	vst v63  }
0x4b: {  	s26 =	rddreg [dreg:$0x9]  }
0x4c: {  	[spmem:s26] =	stream.linear.scatter [tilespmem:s19], [sflag:$0x1], $0x100, $0x38;
	[tilespmem:$0x5820] =	vst v63  }
0x4d: {  	s28 =	rddreg [dreg:$0xa]  }
0x4e: {  	[spmem:s28] =	stream.linear.scatter [tilespmem:s19], [sflag:$0x1], $0x100, $0x38;
	[tilespmem:$0x5820] =	vst v63  }
0x4f: {  	s25 =	rddreg [dreg:$0xb]  }
0x50: {  	[spmem:s25] =	stream.linear.scatter [tilespmem:s19], [sflag:$0x1], $0x100, $0x38;
	[tilespmem:$0x5820] =	vst v63  }
0x51: {  	s26 =	rddreg [dreg:$0xc]  }
0x52: {  	[spmem:s26] =	stream.linear.scatter [tilespmem:s19], [sflag:$0x1], $0x100, $0x38;
	[tilespmem:$0x5820] =	vst v63  }
0x53: {  	s28 =	rddreg [dreg:$0xd]  }
0x54: {  	[spmem:s28] =	stream.linear.scatter [tilespmem:s19], [sflag:$0x1], $0x100, $0x38;
	[tilespmem:$0x5820] =	vst v63  }
0x55: {  	s25 =	rddreg [dreg:$0xe]  }
0x56: {  	[spmem:s25] =	stream.linear.scatter [tilespmem:s19], [sflag:$0x1], $0x100, $0x38;
	[tilespmem:$0x5820] =	vst v63  }
0x57: {  	s26 =	rddreg [dreg:$0xf]  }
0x58: {  	[spmem:s26] =	stream.linear.scatter [tilespmem:s19], [sflag:$0x1], $0x100, $0x38;
	[tilespmem:$0x5820] =	vst v63  }
0x59: {  	s28 =	rddreg [dreg:$0x10]  }
0x5a: {  	[spmem:s28] =	stream.linear.scatter [tilespmem:s19], [sflag:$0x1], $0x100, $0x38;
	[tilespmem:$0x5820] =	vst v63  }
0x5b: {  	s25 =	rddreg [dreg:$0x11]  }
0x5c: {  	[spmem:s25] =	stream.linear.scatter [tilespmem:s19], [sflag:$0x1], $0x100, $0x38;
	[tilespmem:$0x5820] =	vst v63  }
0x5d: {  	s26 =	rddreg [dreg:$0x12]  }
0x5e: {  	[spmem:s26] =	stream.linear.scatter [tilespmem:s19], [sflag:$0x1], $0x100, $0x38;
	[tilespmem:$0x5820] =	vst v63  }
0x5f: {  	s28 =	rddreg [dreg:$0x13]  }
0x60: {  	[spmem:s28] =	stream.linear.scatter [tilespmem:s19], [sflag:$0x1], $0x100, $0x38;
	[tilespmem:$0x5820] =	vst v63  }
0x61: {  	s25 =	rddreg [dreg:$0x14]  }
0x62: {  	[spmem:s25] =	stream.linear.scatter [tilespmem:s19], [sflag:$0x1], $0x100, $0x38;
	[tilespmem:$0x5820] =	vst v63  }
0x63: {  	s26 =	rddreg [dreg:$0x15]  }
0x64: {  	[spmem:s26] =	stream.linear.scatter [tilespmem:s19], [sflag:$0x1], $0x100, $0x38;
	[tilespmem:$0x5820] =	vst v63  }
0x65: {  	s28 =	rddreg [dreg:$0x18]  }
0x66: {  	[spmem:s28] =	stream.linear.scatter [tilespmem:s19], [sflag:$0x1], $0x100, $0x38;
	[tilespmem:$0x5820] =	vst v63  }
0x67: {  	s25 =	rddreg [dreg:$0x19]  }
0x68: {  	[spmem:s25] =	stream.linear.scatter [tilespmem:s19], [sflag:$0x1], $0x100, $0x38;
	[tilespmem:$0x5820] =	vst v63  }
0x69: {  	_ = 	snop  }
0x6a: {  	[spmem:s29] =	stream.linear.scatter [tilespmem:s19], [sflag:$0x1], $0x100, $0x38;
	[tilespmem:$0x5820] =	vst v63  }
0x6b: {  	_ = 	snop  }
0x6c: {  	[spmem:s30] =	stream.linear.scatter [tilespmem:s19], [sflag:$0x1], $0x100, $0x38;
	[tilespmem:$0x5820] =	vst v63  }
0x6d: {  	_ = 	snop  }
0x6e: {  	[spmem:s31] =	stream.linear.scatter [tilespmem:s19], [sflag:$0x1], $0x100, $0x38;
	[tilespmem:$0x5820] =	vst v63  }
0x6f: {  	_ = 	snop  }
0x70: {  	[spmem:s1] =	stream.linear.scatter [tilespmem:s19], [sflag:$0x1], $0x100, $0x38;
	[tilespmem:$0x5820] =	vst v63  }
0x71: {  	_ = 	snop  }
0x72: {  	[spmem:s3] =	stream.linear.scatter [tilespmem:s19], [sflag:$0x1], $0x100, $0x38;
	[tilespmem:$0x5820] =	vst v63  }
0x73: {  	_ = 	snop  }
0x74: {  	[spmem:s0] =	stream.linear.scatter [tilespmem:s19], [sflag:$0x1], $0x100, $0x38;
	[tilespmem:$0x5820] =	vst v63  }
0x75: {  	_ = 	snop  }
0x76: {  	[spmem:s5] =	stream.linear.scatter [tilespmem:s19], [sflag:$0x1], $0x100, $0x38;
	[tilespmem:$0x5820] =	vst v63  }
0x77: {  	_ = 	snop  }
0x78: {  	[spmem:s6] =	stream.linear.scatter [tilespmem:s19], [sflag:$0x1], $0x100, $0x38;
	[tilespmem:$0x5820] =	vst v63  }
0x79: {  	_ = 	snop  }
0x7a: {  	[spmem:s7] =	stream.linear.scatter [tilespmem:s19], [sflag:$0x1], $0x100, $0x38;
	[tilespmem:$0x5820] =	vst v63  }
0x7b: {  	_ = 	snop  }
0x7c: {  	[spmem:s8] =	stream.linear.scatter [tilespmem:s19], [sflag:$0x1], $0x100, $0x38;
	[tilespmem:$0x5820] =	vst v63  }
0x7d: {  	_ = 	snop  }
0x7e: {  	[spmem:s9] =	stream.linear.scatter [tilespmem:s19], [sflag:$0x1], $0x100, $0x38;
	[tilespmem:$0x5820] =	vst v63  }
0x7f: {  	_ = 	snop  }
0x80: {  	[spmem:s10] =	stream.linear.scatter [tilespmem:s19], [sflag:$0x1], $0x100, $0x38;
	[tilespmem:$0x5820] =	vst v63  }
0x81: {  	_ = 	snop  }
0x82: {  	[spmem:s11] =	stream.linear.scatter [tilespmem:s19], [sflag:$0x1], $0x100, $0x38;
	[tilespmem:$0x5820] =	vst v63  }
0x83: {  	_ = 	snop  }
0x84: {  	[spmem:s12] =	stream.linear.scatter [tilespmem:s19], [sflag:$0x1], $0x100, $0x38;
	[tilespmem:$0x5820] =	vst v63  }
0x85: {  	_ = 	snop  }
0x86: {  	[spmem:s13] =	stream.linear.scatter [tilespmem:s19], [sflag:$0x1], $0x100, $0x38;
	[tilespmem:$0x5820] =	vst v63  }
0x87: {  	_ = 	snop  }
0x88: {  	[spmem:s14] =	stream.linear.scatter [tilespmem:s19], [sflag:$0x1], $0x100, $0x38;
	[tilespmem:$0x5820] =	vst v63  }
0x89: {  	_ = 	snop  }
0x8a: {  	[spmem:s15] =	stream.linear.scatter [tilespmem:s19], [sflag:$0x1], $0x100, $0x38;
	[tilespmem:$0x5820] =	vst v63  }
0x8b: {  	_ = 	snop  }
0x8c: {  	[spmem:s16] =	stream.linear.scatter [tilespmem:s19], [sflag:$0x1], $0x100, $0x38;
	[tilespmem:$0x5820] =	vst v63  }
0x8d: {  	_ = 	snop  }
0x8e: {  	[spmem:s17] =	stream.linear.scatter [tilespmem:s19], [sflag:$0x1], $0x20, $0x38;
	[tilespmem:$0x5820] =	vst v63  }
0x8f: {  	_ =	swait.ge [sflag:s20], $0x100  }
0x90: {  	[sflag:s20] =	ssyncset.done $0x0  }
0x91: {  	[sflag:s20] =	ssyncadd.s32 $0xFFFFFF00  }
0x92: {  	_ =	swait.ge [sflag:s20], $0x100  }
0x93: {  	[sflag:s20] =	ssyncset.done $0x0  }
0x94: {  	[sflag:s20] =	ssyncadd.s32 $0xFFFFFF00  }
0x95: {  	_ =	swait.ge [sflag:s20], $0x100  }
0x96: {  	[sflag:s20] =	ssyncset.done $0x0  }
0x97: {  	[sflag:s20] =	ssyncadd.s32 $0xFFFFFF00  }
0x98: {  	_ =	swait.ge [sflag:s20], $0x100  }
0x99: {  	[sflag:s20] =	ssyncset.done $0x0  }
0x9a: {  	[sflag:s20] =	ssyncadd.s32 $0xFFFFFF00  }
0x9b: {  	_ =	swait.ge [sflag:s20], $0x100  }
0x9c: {  	[sflag:s20] =	ssyncset.done $0x0  }
0x9d: {  	[sflag:s20] =	ssyncadd.s32 $0xFFFFFF00  }
0x9e: {  	_ =	swait.ge [sflag:s20], $0x100  }
0x9f: {  	[sflag:s20] =	ssyncset.done $0x0  }
0xa0: {  	[sflag:s20] =	ssyncadd.s32 $0xFFFFFF00  }
0xa1: {  	_ =	swait.ge [sflag:s20], $0x100  }
0xa2: {  	[sflag:s20] =	ssyncset.done $0x0  }
0xa3: {  	[sflag:s20] =	ssyncadd.s32 $0xFFFFFF00  }
0xa4: {  	_ =	swait.ge [sflag:s20], $0x100  }
0xa5: {  	[sflag:s20] =	ssyncset.done $0x0  }
0xa6: {  	[sflag:s20] =	ssyncadd.s32 $0xFFFFFF00  }
0xa7: {  	_ =	swait.ge [sflag:s20], $0x100  }
0xa8: {  	[sflag:s20] =	ssyncset.done $0x0  }
0xa9: {  	[sflag:s20] =	ssyncadd.s32 $0xFFFFFF00  }
0xaa: {  	_ =	swait.ge [sflag:s20], $0x100  }
0xab: {  	[sflag:s20] =	ssyncset.done $0x0  }
0xac: {  	[sflag:s20] =	ssyncadd.s32 $0xFFFFFF00  }
0xad: {  	_ =	swait.ge [sflag:s20], $0x100  }
0xae: {  	[sflag:s20] =	ssyncset.done $0x0  }
0xaf: {  	[sflag:s20] =	ssyncadd.s32 $0xFFFFFF00  }
0xb0: {  	_ =	swait.ge [sflag:s20], $0x100  }
0xb1: {  	[sflag:s20] =	ssyncset.done $0x0  }
0xb2: {  	[sflag:s20] =	ssyncadd.s32 $0xFFFFFF00  }
0xb3: {  	_ =	swait.ge [sflag:s20], $0x100  }
0xb4: {  	[sflag:s20] =	ssyncset.done $0x0  }
0xb5: {  	[sflag:s20] =	ssyncadd.s32 $0xFFFFFF00  }
0xb6: {  	_ =	swait.ge [sflag:s20], $0x100  }
0xb7: {  	[sflag:s20] =	ssyncset.done $0x0  }
0xb8: {  	[sflag:s20] =	ssyncadd.s32 $0xFFFFFF00  }
0xb9: {  	_ =	swait.ge [sflag:s20], $0x100  }
0xba: {  	[sflag:s20] =	ssyncset.done $0x0  }
0xbb: {  	[sflag:s20] =	ssyncadd.s32 $0xFFFFFF00  }
0xbc: {  	_ =	swait.ge [sflag:s20], $0x100  }
0xbd: {  	[sflag:s20] =	ssyncset.done $0x0  }
0xbe: {  	[sflag:s20] =	ssyncadd.s32 $0xFFFFFF00  }
0xbf: {  	_ =	swait.ge [sflag:s20], $0x100  }
0xc0: {  	[sflag:s20] =	ssyncset.done $0x0  }
0xc1: {  	[sflag:s20] =	ssyncadd.s32 $0xFFFFFF00  }
0xc2: {  	_ =	swait.ge [sflag:s20], $0x100  }
0xc3: {  	[sflag:s20] =	ssyncset.done $0x0  }
0xc4: {  	[sflag:s20] =	ssyncadd.s32 $0xFFFFFF00  }
0xc5: {  	_ =	swait.ge [sflag:s20], $0x100  }
0xc6: {  	[sflag:s20] =	ssyncset.done $0x0  }
0xc7: {  	[sflag:s20] =	ssyncadd.s32 $0xFFFFFF00  }
0xc8: {  	_ =	swait.ge [sflag:s20], $0x100  }
0xc9: {  	[sflag:s20] =	ssyncset.done $0x0  }
0xca: {  	[sflag:s20] =	ssyncadd.s32 $0xFFFFFF00  }
0xcb: {  	_ =	swait.ge [sflag:s20], $0x100  }
0xcc: {  	[sflag:s20] =	ssyncset.done $0x0  }
0xcd: {  	[sflag:s20] =	ssyncadd.s32 $0xFFFFFF00  }
0xce: {  	_ =	swait.ge [sflag:s20], $0x100  }
0xcf: {  	[sflag:s20] =	ssyncset.done $0x0  }
0xd0: {  	[sflag:s20] =	ssyncadd.s32 $0xFFFFFF00  }
0xd1: {  	_ =	swait.ge [sflag:s20], $0x100  }
0xd2: {  	[sflag:s20] =	ssyncset.done $0x0  }
0xd3: {  	[sflag:s20] =	ssyncadd.s32 $0xFFFFFF00  }
0xd4: {  	_ =	swait.ge [sflag:s20], $0x100  }
0xd5: {  	[sflag:s20] =	ssyncset.done $0x0  }
0xd6: {  	[sflag:s20] =	ssyncadd.s32 $0xFFFFFF00  }
0xd7: {  	_ =	swait.ge [sflag:s20], $0x100  }
0xd8: {  	[sflag:s20] =	ssyncset.done $0x0  }
0xd9: {  	[sflag:s20] =	ssyncadd.s32 $0xFFFFFF00  }
0xda: {  	_ =	swait.ge [sflag:s20], $0x100  }
0xdb: {  	[sflag:s20] =	ssyncset.done $0x0  }
0xdc: {  	[sflag:s20] =	ssyncadd.s32 $0xFFFFFF00  }
0xdd: {  	_ =	swait.ge [sflag:s20], $0x100  }
0xde: {  	[sflag:s20] =	ssyncset.done $0x0  }
0xdf: {  	[sflag:s20] =	ssyncadd.s32 $0xFFFFFF00  }
0xe0: {  	_ =	swait.ge [sflag:s20], $0x100  }
0xe1: {  	[sflag:s20] =	ssyncset.done $0x0  }
0xe2: {  	[sflag:s20] =	ssyncadd.s32 $0xFFFFFF00  }
0xe3: {  	_ =	swait.ge [sflag:s20], $0x100  }
0xe4: {  	[sflag:s20] =	ssyncset.done $0x0  }
0xe5: {  	[sflag:s20] =	ssyncadd.s32 $0xFFFFFF00  }
0xe6: {  	_ =	swait.ge [sflag:s20], $0x100  }
0xe7: {  	[sflag:s20] =	ssyncset.done $0x0  }
0xe8: {  	[sflag:s20] =	ssyncadd.s32 $0xFFFFFF00  }
0xe9: {  	_ =	swait.ge [sflag:s20], $0x100  }
0xea: {  	[sflag:s20] =	ssyncset.done $0x0  }
0xeb: {  	[sflag:s20] =	ssyncadd.s32 $0xFFFFFF00  }
0xec: {  	_ =	swait.ge [sflag:s20], $0x100  }
0xed: {  	[sflag:s20] =	ssyncset.done $0x0  }
0xee: {  	[sflag:s20] =	ssyncadd.s32 $0xFFFFFF00  }
0xef: {  	_ =	swait.ge [sflag:s20], $0x100  }
0xf0: {  	[sflag:s20] =	ssyncset.done $0x0  }
0xf1: {  	[sflag:s20] =	ssyncadd.s32 $0xFFFFFF00  }
0xf2: {  	_ =	swait.ge [sflag:s20], $0x100  }
0xf3: {  	[sflag:s20] =	ssyncset.done $0x0  }
0xf4: {  	[sflag:s20] =	ssyncadd.s32 $0xFFFFFF00  }
0xf5: {  	_ =	swait.ge [sflag:s20], $0x100  }
0xf6: {  	[sflag:s20] =	ssyncset.done $0x0  }
0xf7: {  	[sflag:s20] =	ssyncadd.s32 $0xFFFFFF00  }
0xf8: {  	_ =	swait.ge [sflag:s20], $0x100  }
0xf9: {  	[sflag:s20] =	ssyncset.done $0x0  }
0xfa: {  	[sflag:s20] =	ssyncadd.s32 $0xFFFFFF00  }
0xfb: {  	_ =	swait.ge [sflag:s20], $0x100  }
0xfc: {  	[sflag:s20] =	ssyncset.done $0x0  }
0xfd: {  	[sflag:s20] =	ssyncadd.s32 $0xFFFFFF00  }
0xfe: {  	_ =	swait.ge [sflag:s20], $0x100  }
0xff: {  	[sflag:s20] =	ssyncset.done $0x0  }
0x100: {  	[sflag:s20] =	ssyncadd.s32 $0xFFFFFF00  }
0x101: {  	_ =	swait.ge [sflag:s20], $0x100  }
0x102: {  	[sflag:s20] =	ssyncset.done $0x0  }
0x103: {  	[sflag:s20] =	ssyncadd.s32 $0xFFFFFF00  }
0x104: {  	_ =	swait.ge [sflag:s20], $0x20  }
0x105: {  	[sflag:s20] =	ssyncset.done $0x0  }
0x106: {  	[sflag:s20] =	ssyncadd.s32 $0xFFFFFFE0  }
0x107: {  	s26 =	simm.s32 $0x0;
	[bflag:$0x0] =	sbarrier.arrive $0xFFFF  }
0x108: {  	[spmem:s2] =	stream.indirect.scatter.add.f32 [tilespmem:s22], [sflag:$0x1], $0x10, s26, s21, $0xb8;
	[tilespmem:$0x5820] =	vst v63  }
0x109: {  	s28 =	simm.s32 $0x80  }
0x10a: {  	[spmem:s2] =	stream.indirect.scatter.add.f32 [tilespmem:s22], [sflag:$0x1], $0x10, s28, s21, $0xb8;
	[tilespmem:$0x5820] =	vst v63  }
0x10b: {  	s25 =	simm.s32 $0x100  }
0x10c: {  	[spmem:s2] =	stream.indirect.scatter.add.f32 [tilespmem:s22], [sflag:$0x1], $0x10, s25, s21, $0xb8;
	[tilespmem:$0x5820] =	vst v63  }
0x10d: {  	s26 =	simm.s32 $0x180  }
0x10e: {  	[spmem:s2] =	stream.indirect.scatter.add.f32 [tilespmem:s22], [sflag:$0x1], $0x10, s26, s21, $0xb8;
	[tilespmem:$0x5820] =	vst v63  }
0x10f: {  	s28 =	simm.s32 $0x200  }
0x110: {  	[spmem:s2] =	stream.indirect.scatter.add.f32 [tilespmem:s22], [sflag:$0x1], $0x10, s28, s21, $0xb8;
	[tilespmem:$0x5820] =	vst v63  }
0x111: {  	s25 =	simm.s32 $0x280  }
0x112: {  	[spmem:s2] =	stream.indirect.scatter.add.f32 [tilespmem:s22], [sflag:$0x1], $0x10, s25, s21, $0xb8;
	[tilespmem:$0x5820] =	vst v63  }
0x113: {  	s26 =	simm.s32 $0x300  }
0x114: {  	[spmem:s2] =	stream.indirect.scatter.add.f32 [tilespmem:s22], [sflag:$0x1], $0x10, s26, s21, $0xb8;
	[tilespmem:$0x5820] =	vst v63  }
0x115: {  	s28 =	simm.s32 $0x380  }
0x116: {  	[spmem:s2] =	stream.indirect.scatter.add.f32 [tilespmem:s22], [sflag:$0x1], $0x10, s28, s21, $0xb8;
	[tilespmem:$0x5820] =	vst v63  }
0x117: {  	_ =	swait.ge [sflag:s20], $0x800  }
0x118: {  	[sflag:s20] =	ssyncset.done $0x0  }
0x119: {  	[sflag:s20] =	ssyncadd.s32 $0xFFFFF800  }
0x11a: {  	_ =	swait.ge [sflag:s20], $0x800  }
0x11b: {  	[sflag:s20] =	ssyncset.done $0x0  }
0x11c: {  	[sflag:s20] =	ssyncadd.s32 $0xFFFFF800  }
0x11d: {  	_ =	swait.ge [sflag:s20], $0x800  }
0x11e: {  	[sflag:s20] =	ssyncset.done $0x0  }
0x11f: {  	[sflag:s20] =	ssyncadd.s32 $0xFFFFF800  }
0x120: {  	_ =	swait.ge [sflag:s20], $0x800  }
0x121: {  	[sflag:s20] =	ssyncset.done $0x0  }
0x122: {  	[sflag:s20] =	ssyncadd.s32 $0xFFFFF800  }
0x123: {  	_ =	swait.ge [sflag:s20], $0x800  }
0x124: {  	[sflag:s20] =	ssyncset.done $0x0  }
0x125: {  	[sflag:s20] =	ssyncadd.s32 $0xFFFFF800  }
0x126: {  	_ =	swait.ge [sflag:s20], $0x800  }
0x127: {  	[sflag:s20] =	ssyncset.done $0x0  }
0x128: {  	[sflag:s20] =	ssyncadd.s32 $0xFFFFF800  }
0x129: {  	_ =	swait.ge [sflag:s20], $0x800  }
0x12a: {  	[sflag:s20] =	ssyncset.done $0x0  }
0x12b: {  	[sflag:s20] =	ssyncadd.s32 $0xFFFFF800  }
0x12c: {  	_ =	swait.ge [sflag:s20], $0x800  }
0x12d: {  	s24 =	simm.s32 $0x1000;
	s25 =	simm.s32 $0x2000;
	[sflag:s20] =	ssyncset.done $0x0  }
.LBB2_4:
0x12e: {  	s28 =	sshra.s32 s24, $0x2  }
0x12f: {  	[sflag:s20] =	ssyncadd.s32 $0xFFFFF800;
	s24 =	smov.u32 s25;
	s26 =	sadd.s32 $0x1000, s25  }
0x130: {  	[spmem:s2] =	stream.indirect.scatter.add.f32 [tilespmem:s22], [sflag:$0x1], $0x10, s28, s21, $0xb8;
	[tilespmem:$0x5820] =	vst v63  }
0x131: {  	p0 =	sne.s32 s25, $0x9000;
	s25 =	sadd.s32 $0x80, s28  }
0x132: {  	[spmem:s2] =	stream.indirect.scatter.add.f32 [tilespmem:s22], [sflag:$0x1], $0x10, s25, s21, $0xb8;
	[tilespmem:$0x5820] =	vst v63  }
0x133: {  	s25 =	sadd.s32 $0x100, s28  }
0x134: {  	[spmem:s2] =	stream.indirect.scatter.add.f32 [tilespmem:s22], [sflag:$0x1], $0x10, s25, s21, $0xb8;
	[tilespmem:$0x5820] =	vst v63  }
0x135: {  	s25 =	sadd.s32 $0x180, s28  }
0x136: {  	[spmem:s2] =	stream.indirect.scatter.add.f32 [tilespmem:s22], [sflag:$0x1], $0x10, s25, s21, $0xb8;
	[tilespmem:$0x5820] =	vst v63  }
0x137: {  	s25 =	sadd.s32 $0x200, s28  }
0x138: {  	[spmem:s2] =	stream.indirect.scatter.add.f32 [tilespmem:s22], [sflag:$0x1], $0x10, s25, s21, $0xb8;
	[tilespmem:$0x5820] =	vst v63  }
0x139: {  	s25 =	sadd.s32 $0x280, s28  }
0x13a: {  	[spmem:s2] =	stream.indirect.scatter.add.f32 [tilespmem:s22], [sflag:$0x1], $0x10, s25, s21, $0xb8;
	[tilespmem:$0x5820] =	vst v63  }
0x13b: {  	s25 =	sadd.s32 $0x300, s28  }
0x13c: {  	[spmem:s2] =	stream.indirect.scatter.add.f32 [tilespmem:s22], [sflag:$0x1], $0x10, s25, s21, $0xb8;
	[tilespmem:$0x5820] =	vst v63  }
0x13d: {  	s25 =	sadd.s32 $0x380, s28  }
0x13e: {  	[spmem:s2] =	stream.indirect.scatter.add.f32 [tilespmem:s22], [sflag:$0x1], $0x10, s25, s21, $0xb8;
	[tilespmem:$0x5820] =	vst v63  }
0x13f: {  	_ =	swait.ge [sflag:s20], $0x800  }
0x140: {  	[sflag:s20] =	ssyncset.done $0x0  }
0x141: {  	[sflag:s20] =	ssyncadd.s32 $0xFFFFF800  }
0x142: {  	_ =	swait.ge [sflag:s20], $0x800  }
0x143: {  	[sflag:s20] =	ssyncset.done $0x0  }
0x144: {  	[sflag:s20] =	ssyncadd.s32 $0xFFFFF800  }
0x145: {  	_ =	swait.ge [sflag:s20], $0x800  }
0x146: {  	[sflag:s20] =	ssyncset.done $0x0  }
0x147: {  	[sflag:s20] =	ssyncadd.s32 $0xFFFFF800  }
0x148: {  	_ =	swait.ge [sflag:s20], $0x800  }
0x149: {  	[sflag:s20] =	ssyncset.done $0x0  }
0x14a: {  	[sflag:s20] =	ssyncadd.s32 $0xFFFFF800  }
0x14b: {  	_ =	swait.ge [sflag:s20], $0x800  }
0x14c: {  	[sflag:s20] =	ssyncset.done $0x0  }
0x14d: {  	[sflag:s20] =	ssyncadd.s32 $0xFFFFF800  }
0x14e: {  	_ =	swait.ge [sflag:s20], $0x800  }
0x14f: {  	[sflag:s20] =	ssyncset.done $0x0  }
0x150: {  	[sflag:s20] =	ssyncadd.s32 $0xFFFFF800  }
.Ltmp1:
0x151: {  	_ =	swait.ge [sflag:s20], $0x800;
	(pc) =	sbr.rel @p0 .LBB2_4-.Ltmp1, $4  }
0x152: {  	[sflag:s20] =	ssyncset.done $0x0  }
0x153: {  	[sflag:s20] =	ssyncadd.s32 $0xFFFFF800  }
0x154: {  	_ =	swait.ge [sflag:s20], $0x800  }
0x155: {  	s25 =	smov.u32 s26;
	[sflag:s20] =	ssyncset.done $0x0  }
0x156: {  	s24 =	sshra.s32 s24, $0x2;
	[sflag:s20] =	ssyncadd.s32 $0xFFFFF800  }
0x157: {  	[spmem:s2] =	stream.indirect.scatter.add.f32 [tilespmem:s22], [sflag:$0x1], $0x10, s24, s21, $0xb8;
	[tilespmem:$0x5820] =	vst v63  }
0x158: {  	s25 =	sadd.s32 $0x80, s24  }
0x159: {  	[spmem:s2] =	stream.indirect.scatter.add.f32 [tilespmem:s22], [sflag:$0x1], $0x10, s25, s21, $0xb8;
	[tilespmem:$0x5820] =	vst v63  }
0x15a: {  	s28 =	sadd.s32 $0x100, s24  }
0x15b: {  	[spmem:s2] =	stream.indirect.scatter.add.f32 [tilespmem:s22], [sflag:$0x1], $0x10, s28, s21, $0xb8;
	[tilespmem:$0x5820] =	vst v63  }
0x15c: {  	s26 =	sadd.s32 $0x180, s24  }
0x15d: {  	[spmem:s2] =	stream.indirect.scatter.add.f32 [tilespmem:s22], [sflag:$0x1], $0x10, s26, s21, $0xb8;
	[tilespmem:$0x5820] =	vst v63  }
0x15e: {  	s28 =	sadd.s32 $0x200, s24  }
0x15f: {  	[spmem:s2] =	stream.indirect.scatter.add.f32 [tilespmem:s22], [sflag:$0x1], $0x10, s28, s21, $0xb8;
	[tilespmem:$0x5820] =	vst v63  }
0x160: {  	s26 =	sadd.s32 $0x280, s24  }
0x161: {  	[spmem:s2] =	stream.indirect.scatter.add.f32 [tilespmem:s22], [sflag:$0x1], $0x10, s26, s21, $0xb8;
	[tilespmem:$0x5820] =	vst v63  }
0x162: {  	s28 =	sadd.s32 $0x300, s24  }
0x163: {  	[spmem:s2] =	stream.indirect.scatter.add.f32 [tilespmem:s22], [sflag:$0x1], $0x10, s28, s21, $0xb8;
	[tilespmem:$0x5820] =	vst v63  }
0x164: {  	s24 =	sadd.s32 $0x380, s24  }
0x165: {  	[spmem:s2] =	stream.indirect.scatter.add.f32 [tilespmem:s22], [sflag:$0x1], $0x10, s24, s21, $0xb8;
	[tilespmem:$0x5820] =	vst v63  }
0x166: {  	_ =	swait.ge [sflag:s20], $0x800  }
0x167: {  	[sflag:s20] =	ssyncset.done $0x0  }
0x168: {  	[sflag:s20] =	ssyncadd.s32 $0xFFFFF800  }
0x169: {  	_ =	swait.ge [sflag:s20], $0x800  }
0x16a: {  	[sflag:s20] =	ssyncset.done $0x0  }
0x16b: {  	[sflag:s20] =	ssyncadd.s32 $0xFFFFF800  }
0x16c: {  	_ =	swait.ge [sflag:s20], $0x800  }
0x16d: {  	[sflag:s20] =	ssyncset.done $0x0  }
0x16e: {  	[sflag:s20] =	ssyncadd.s32 $0xFFFFF800  }
0x16f: {  	_ =	swait.ge [sflag:s20], $0x800  }
0x170: {  	[sflag:s20] =	ssyncset.done $0x0  }
0x171: {  	[sflag:s20] =	ssyncadd.s32 $0xFFFFF800  }
0x172: {  	_ =	swait.ge [sflag:s20], $0x800  }
0x173: {  	[sflag:s20] =	ssyncset.done $0x0  }
0x174: {  	[sflag:s20] =	ssyncadd.s32 $0xFFFFF800  }
0x175: {  	_ =	swait.ge [sflag:s20], $0x800  }
0x176: {  	[sflag:s20] =	ssyncset.done $0x0  }
0x177: {  	[sflag:s20] =	ssyncadd.s32 $0xFFFFF800  }
0x178: {  	_ =	swait.ge [sflag:s20], $0x800  }
0x179: {  	[sflag:s20] =	ssyncset.done $0x0  }
0x17a: {  	[sflag:s20] =	ssyncadd.s32 $0xFFFFF800  }
0x17b: {  	_ =	swait.ge [sflag:s20], $0x800  }
0x17c: {  	[sflag:s20] =	ssyncset.done $0x0  }
0x17d: {  	s26 =	stileid.u32;
	[sflag:s20] =	ssyncadd.s32 $0xFFFFF800  }
0x17e: {  	s24 =	sshll.u32 s26, $0x6;
	[bflag:$0x0] =	sbarrier.arrive $0xFFFF  }
0x17f: {  	s28 =	sshrl.u32 s4, $0x3;
	s24 =	sor.u32 $0x1C02, s24;
	s26 =	rddreg [dreg:$0x16]  }
0x180: {  	[hbm:s26@s20], [sflag:s24] =	dma.strided [spmem:s28@s18], $0x272, s20, $0x1   }
0x181: {  	_ =	swait.ge [sflag:s18], $0x272  }
0x182: {  	s23 =	sadd.s32 $0x1, s23;
	s28 =	rddreg [dreg:$0x17]  }
0x183: {  	p0 =	sne.s32 s23, s28  }
.Ltmp2:
0x184: {  	_ = 	snop;
	(pc) =	sbr.rel @p0 .LBB2_1-.Ltmp2, $3  }
0x185: {  	_ =	sdelay $0x1  }
0x186: {  	[sflag:s18] =	ssyncset.done $0x0  }
0x187: {  	[sflag:s18] =	ssyncadd.s32 $0xFFFFFD8E  }
0x188: {  	_ =	sfence.sel $0x180000  }
0x189: {  	[bflag:$0x0] =	sbarrier.arrive $0xFFFF  }
0x18a: {  	_ =	strace $0x90000047  }
0x18b: {  	s0 =	stileid.u32;
	[bflag:$0x2] =	sbarrier.arrive $0xFFFF  }
0x18c: {  	p0 =	sne.s32 s0, $0x0;
	s0 =	rddreg [dreg:$0x2]  }
0x18d: {  	s0 =	sadd.s32 @!p0 $0x100000, s0  }
0x18e: {  	[sflag:s0] =	ssyncadd.tile.s32 @!p0 $0x1;
	_ =	shalt  }
.Lfunc_end2:
_tile_overlayer_lowered:
.L_overlay_start_2:
0x18f: {  	(tag) =	ssettag $0x2  }
0x190: {  	s0 =	rddreg [dreg:$0x0];
	s2 =	stileid.u32  }
0x191: {  	s1 =	rddreg [dreg:$0x1];
	p0 =	sne.s32 s2, $0x0  }
0x192: {  	s3 =	rddreg [dreg:$0x2];
	[bflag:$0x3] =	sbarrier.arrive $0xFFFF;
	s2 =	simm.s32 @!p0 $0x1C02  }
0x193: {  	[timem:s3], [sflag:s2] =	dma.local @!p0 [hbm:s0], s1  }
0x194: {  	s0 =	simm.s32 @!p0 $0x2  }
0x195: {  	_ =	swait.ge @!p0 [sflag:s0], s1  }
0x196: {  	s1 =	ssub.s32 @!p0 $0x0, s1;
	[sflag:s0] =	ssyncset.done @!p0 $0x0  }
0x197: {  	[sflag:s0] =	ssyncadd.s32 @!p0 s1  }
0x198: {  	[bflag:$0x3] =	sbarrier.arrive $0xFFFF  }
0x199: {  	_ =	shalt  }

</sc_bundles>
